<compile_context>
chip_gen: v7x
topology: tpu7x:2x2x1
jax: 0.10.2.dev20260603
libtpu: 0.0.44.dev20260713+nightly
codegen_flags: <defaults>
</compile_context>

<pallas_src>
import functools

import jax
import jax.numpy as jnp
from jax import lax
from jax.experimental import pallas as pl
from jax.experimental.pallas import tpu as pltpu
from jax.experimental.pallas import tpu_sc as plsc

B = 4096
S = 200
H = 64
NUM_INST = 100000
NUM_SESS = 1000


def _make_inst_kernel():
    info = plsc.get_sparse_core_info()
    nc, ns = info.num_cores, info.num_subcores
    nw = nc * ns
    rows_per_w = H // nw

    mesh = plsc.VectorSubcoreMesh(core_axis_name="c", subcore_axis_name="s")

    @functools.partial(
        pl.kernel,
        mesh=mesh,
        out_type=jax.ShapeDtypeStruct((H, B), jnp.float32),
        compiler_params=pltpu.CompilerParams(
            use_tc_tiling_on_sc=False, needs_layout_passes=False),
        scratch_types=[
            pltpu.VMEM((NUM_INST,), jnp.float32),
            pltpu.VMEM((B,), jnp.int32),
            pltpu.VMEM((B,), jnp.float32),
        ],
    )
    def k(itab_hbm, iids_hbm, iemb_hbm, row_v, iid_v, orow_v):
        wid = lax.axis_index("s") * nc + lax.axis_index("c")
        pltpu.sync_copy(iids_hbm, iid_v)
        for t in range(rows_per_w):
            h = wid * rows_per_w + t
            pltpu.sync_copy(itab_hbm.at[h], row_v)

            @plsc.parallel_loop(0, B // 16, step=1, unroll=4)
            def c_body(c):
                idxv = iid_v[pl.ds(16 * c, 16)]
                orow_v[pl.ds(16 * c, 16)] = plsc.load_gather(row_v, [idxv])

            pltpu.sync_copy(orow_v, iemb_hbm.at[h])

    return k


def _make_main_kernel():
    info = plsc.get_sparse_core_info()
    nc, ns = info.num_cores, info.num_subcores
    nw = nc * ns
    cols_per_w = B // nw

    mesh = plsc.VectorSubcoreMesh(core_axis_name="c", subcore_axis_name="s")

    @functools.partial(
        pl.kernel,
        mesh=mesh,
        out_type=jax.ShapeDtypeStruct((S, H, B), jnp.float32),
        compiler_params=pltpu.CompilerParams(
            use_tc_tiling_on_sc=False, needs_layout_passes=False),
        scratch_types=[
            pltpu.VMEM((H, NUM_SESS), jnp.float32),
            pltpu.VMEM((H, 128), jnp.float32),
            pltpu.VMEM((S // 2, 128), jnp.int32),
            pltpu.VMEM((H, 128), jnp.float32),
            pltpu.VMEM((H, 128), jnp.float32),
            pltpu.VMEM((H, 128), jnp.float32),
            pltpu.VMEM((H, 128), jnp.float32),
            pltpu.VMEM((H, 128), jnp.float32),
            pltpu.SemaphoreType.DMA,
            pltpu.SemaphoreType.DMA,
            pltpu.SemaphoreType.DMA,
            pltpu.SemaphoreType.DMA,
            pltpu.SemaphoreType.DMA,
            pltpu.SemaphoreType.DMA,
            pltpu.SemaphoreType.DMA,
            pltpu.SemaphoreType.DMA,
            pltpu.SemaphoreType.DMA,
            pltpu.SemaphoreType.DMA,
        ],
    )
    def k(hid_hbm, sid_hbm, stab_hbm, iemb_hbm, out_hbm,
          table_v, iemb_v, sid_v, hid0, hid1, hid2, hid3, hid4,
          hsem0, hsem1, hsem2, hsem3, hsem4,
          osem0, osem1, osem2, osem3, osem4):
        wid = lax.axis_index("s") * nc + lax.axis_index("c")
        c0 = wid * cols_per_w

        bufs = ((hid0, hsem0, osem0), (hid1, hsem1, osem1),
                (hid2, hsem2, osem2), (hid3, hsem3, osem3),
                (hid4, hsem4, osem4))

        pltpu.sync_copy(stab_hbm, table_v)
        pltpu.sync_copy(iemb_hbm.at[:, pl.ds(c0, 128)], iemb_v)
        pltpu.sync_copy(sid_hbm.at[pl.ds(0, S // 2), pl.ds(c0, 128)], sid_v)

        def issue_in(s, hid, hsem):
            pltpu.async_copy(hid_hbm.at[s, :, pl.ds(c0, 128)], hid, hsem)

        def wait_out(hid, osem):
            pltpu.make_async_copy(
                hid, out_hbm.at[0, :, pl.ds(0, 128)], osem).wait()

        issue_in(0, hid0, hsem0)
        issue_in(1, hid1, hsem1)
        issue_in(2, hid2, hsem2)

        def compute(s, hid):
            ls = lax.rem(s, S // 2)
            idxs = [sid_v[ls, pl.ds(16 * c, 16)] for c in range(8)]

            @plsc.parallel_loop(0, H, step=1, unroll=2)
            def h_body(h):
                hv = jnp.full((16,), h, jnp.int32)
                for c in range(8):
                    srow = plsc.load_gather(table_v, [hv, idxs[c]])
                    plsc.addupdate(
                        hid.at[h, pl.ds(16 * c, 16)],
                        srow + iemb_v[h, pl.ds(16 * c, 16)])

        def group_body(g, _):
            @pl.when(g == S // 10)
            def _():
                pltpu.sync_copy(
                    sid_hbm.at[pl.ds(S // 2, S // 2), pl.ds(c0, 128)], sid_v)

            for j in range(5):
                hid, hsem, osem = bufs[j]
                phid, phsem, posem = bufs[(j + 3) % 5]
                s = 5 * g + j

                @pl.when(s + 3 < S)
                def _():
                    @pl.when(s >= 2)
                    def _():
                        wait_out(phid, posem)
                    issue_in(s + 3, phid, phsem)

                pltpu.make_async_copy(
                    hid_hbm.at[0, :, pl.ds(0, 128)], hid, hsem).wait()
                compute(s, hid)
                pltpu.async_copy(
                    hid, out_hbm.at[s, :, pl.ds(c0, 128)], osem)
            return 0

        lax.fori_loop(0, S // 5, group_body, 0)
        for j in range(5):
            hid, _, osem = bufs[j]
            wait_out(hid, osem)

    return k


_inst_call = None
_main_call = None


def kernel(hidden_states, instrument_ids, session_ids, instrument_table, session_table):
    global _inst_call, _main_call
    if _inst_call is None:
        _inst_call = _make_inst_kernel()
        _main_call = _make_main_kernel()
    hid_t = jnp.transpose(hidden_states, (1, 2, 0))
    sid_t = jnp.transpose(session_ids.astype(jnp.int32), (1, 0))
    itab_t = jnp.transpose(instrument_table, (1, 0))
    stab_t = jnp.transpose(session_table, (1, 0))
    iids = instrument_ids.astype(jnp.int32)
    iemb = _inst_call(itab_t, iids)
    out_t = _main_call(hid_t, sid_t, stab_t, iemb)
    return jnp.transpose(out_t, (2, 0, 1))

# --- scband reference (transcript-rebuilt; emitter-appended) ---
"""Pipeline reference for scband-categorical-embeddings-18665927868583 (READ-ONLY COPY).

The authoritative reference and input builder live on the scoring server;
editing this copy changes nothing except your own understanding.
"""

import jax, jax.numpy as jnp
import numpy as np

NUM_INSTRUMENTS = 100000
NUM_SESSIONS = 1000
HIDDEN = 64
B = 4096
S = 200


def setup_inputs(seed: int = 0) -> dict:
    key = jax.random.key(seed)
    k1, k2, k3, k4, k5 = jax.random.split(key, 5)
    hidden_states = jax.random.normal(k1, (B, S, HIDDEN), dtype=jnp.float32)
    instrument_ids = jax.random.randint(k2, (B,), 0, NUM_INSTRUMENTS, dtype=jnp.int64 if jax.config.jax_enable_x64 else jnp.int32)
    session_ids = jax.random.randint(k3, (B, S), 0, NUM_SESSIONS, dtype=jnp.int64 if jax.config.jax_enable_x64 else jnp.int32)
    # learned parameters (nn.Embedding weights)
    instrument_table = jax.random.normal(k4, (NUM_INSTRUMENTS, HIDDEN), dtype=jnp.float32)
    session_table = jax.random.normal(k5, (NUM_SESSIONS, HIDDEN), dtype=jnp.float32)
    return {
        "hidden_states": hidden_states,
        "instrument_ids": instrument_ids,
        "session_ids": session_ids,
        "instrument_table": instrument_table,
        "session_table": session_table,
    }


def reference(hidden_states, instrument_ids, session_ids, instrument_table, session_table):
    # inst_emb = self.instrument_embeddings(instrument_ids)  -> [B, H]
    inst_emb = jnp.take(instrument_table, instrument_ids, axis=0)
    # hidden_states = hidden_states + inst_emb.unsqueeze(1)
    hidden_states = hidden_states + inst_emb[:, None, :]
    # hidden_states = hidden_states + self.session_embeddings(session_ids)  -> [B, S, H]
    sess_emb = jnp.take(session_table, session_ids, axis=0)
    hidden_states = hidden_states + sess_emb
    return hidden_states

if __name__ == "__main__":
    import jax
    _d = setup_inputs()
    print(jax.jit(kernel)(*tuple(_d.values())))

</pallas_src>

<mosaic_0001>
#map = affine_map<(d0, d1) -> (0, 0)>
#map1 = affine_map<(d0, d1) -> (0)>
module attributes {stable_mosaic.version = 14 : i64} {
  func.func @k(%arg0: i32, %arg1: i32, %arg2: memref<64x100000xf32, #tpu.memory_space<hbm>>, %arg3: memref<4096xi32, #tpu.memory_space<hbm>>, %arg4: memref<64x4096xf32, #tpu.memory_space<hbm>>, %arg5: memref<100000xf32, #tpu.memory_space<vmem>>, %arg6: memref<4096xi32, #tpu.memory_space<vmem>>, %arg7: memref<4096xf32, #tpu.memory_space<vmem>>) attributes {dimension_semantics = [#tpu.dimension_semantics<core_parallel>, #tpu.dimension_semantics<subcore_parallel>], iteration_bounds = array<i64: 2, 16>, scalar_prefetch = 0 : i64, scratch_operands = 3 : i64, tpu.core_type = #tpu.core_type<sc_vector_subcore>, window_params = [{transform_indices = #map}, {transform_indices = #map1}, {transform_indices = #map}]} {
    %mul3A = arith.constant 2 : i32
    %mul3A_0 = arith.muli %arg1, %mul3A : i32
    %add3A = arith.addi %mul3A_0, %arg0 : i32
    "tpu.region"() ({
      %run_scoped3A = tpu.sem_alloc : memref<!tpu.dma_semaphore, #tpu.memory_space<semaphore_mem>>
      tpu.enqueue_dma source(%arg3 : memref<4096xi32, #tpu.memory_space<hbm>>) target(%arg6 : memref<4096xi32, #tpu.memory_space<vmem>>) target_semaphore(%run_scoped3A : memref<!tpu.dma_semaphore, #tpu.memory_space<semaphore_mem>>)
      tpu.wait_dma2 semaphore(%run_scoped3A : memref<!tpu.dma_semaphore, #tpu.memory_space<semaphore_mem>>) src(%arg3 : memref<4096xi32, #tpu.memory_space<hbm>>) dst(%arg6 : memref<4096xi32, #tpu.memory_space<vmem>>)
      tpu.yield
    }) : () -> ()
    %mul3A_1 = arith.constant 2 : i32
    %mul3A_2 = arith.muli %add3A, %mul3A_1 : i32
    %add3A_3 = arith.constant 0 : i32
    %add3A_4 = arith.addi %mul3A_2, %add3A_3 : i32
    "tpu.region"() ({
      %run_scoped3A = tpu.sem_alloc : memref<!tpu.dma_semaphore, #tpu.memory_space<semaphore_mem>>
      %dma_start3A = arith.constant 0 : i32
      %dma_start3A_14 = tpu.memref_slice %arg2[%add3A_4, %dma_start3A] : memref<64x100000xf32, #tpu.memory_space<hbm>> -> memref<1x100000xf32, #tpu.memory_space<hbm>>
      %dma_start3A_15 = tpu.memref_squeeze %dma_start3A_14 : memref<1x100000xf32, #tpu.memory_space<hbm>> -> memref<100000xf32, #tpu.memory_space<hbm>>
      %dma_start3A_16 = arith.constant 0 : i32
      %dma_start3A_17 = tpu.memref_slice %arg2[%add3A_4, %dma_start3A_16] : memref<64x100000xf32, #tpu.memory_space<hbm>> -> memref<1x100000xf32, #tpu.memory_space<hbm>>
      %dma_start3A_18 = tpu.memref_squeeze %dma_start3A_17 : memref<1x100000xf32, #tpu.memory_space<hbm>> -> memref<100000xf32, #tpu.memory_space<hbm>>
      tpu.enqueue_dma source(%dma_start3A_18 : memref<100000xf32, #tpu.memory_space<hbm>>) target(%arg5 : memref<100000xf32, #tpu.memory_space<vmem>>) target_semaphore(%run_scoped3A : memref<!tpu.dma_semaphore, #tpu.memory_space<semaphore_mem>>)
      %dma_wait3A = arith.constant 0 : i32
      %dma_wait3A_19 = tpu.memref_slice %arg2[%add3A_4, %dma_wait3A] : memref<64x100000xf32, #tpu.memory_space<hbm>> -> memref<1x100000xf32, #tpu.memory_space<hbm>>
      %dma_wait3A_20 = tpu.memref_squeeze %dma_wait3A_19 : memref<1x100000xf32, #tpu.memory_space<hbm>> -> memref<100000xf32, #tpu.memory_space<hbm>>
      %dma_wait3A_21 = arith.constant 0 : i32
      %dma_wait3A_22 = tpu.memref_slice %arg2[%add3A_4, %dma_wait3A_21] : memref<64x100000xf32, #tpu.memory_space<hbm>> -> memref<1x100000xf32, #tpu.memory_space<hbm>>
      %dma_wait3A_23 = tpu.memref_squeeze %dma_wait3A_22 : memref<1x100000xf32, #tpu.memory_space<hbm>> -> memref<100000xf32, #tpu.memory_space<hbm>>
      tpu.wait_dma2 semaphore(%run_scoped3A : memref<!tpu.dma_semaphore, #tpu.memory_space<semaphore_mem>>) src(%dma_wait3A_23 : memref<100000xf32, #tpu.memory_space<hbm>>) dst(%arg5 : memref<100000xf32, #tpu.memory_space<vmem>>)
      tpu.yield
    }) : () -> ()
    %parallel_loop3A = arith.constant 0 : i32
    %parallel_loop3A_5 = arith.constant 256 : i32
    %parallel_loop3A_6 = arith.constant 1 : i32
    scf.for %parallel_loop3A_14 = %parallel_loop3A to %parallel_loop3A_5 step %parallel_loop3A_6  : i32 {
      %parallel_loop3A_15 = arith.constant 16 : i32
      %parallel_loop3A_16 = arith.muli %parallel_loop3A_15, %parallel_loop3A_14 : i32
      %parallel_loop3A_17 = arith.index_cast %parallel_loop3A_16 : i32 to index
      %parallel_loop3A_18 = tpu.vector_load %arg6[%parallel_loop3A_17] {strides = array<i32>} : memref<4096xi32, #tpu.memory_space<vmem>>, vector<16xi32>,
      %parallel_loop3A_19 = tpu.vector_load_idx %arg5[%parallel_loop3A_18] : memref<100000xf32, #tpu.memory_space<vmem>>[vector<16xi32>], vector<16xf32>,
      %parallel_loop3A_20 = arith.constant 16 : i32
      %parallel_loop3A_21 = arith.muli %parallel_loop3A_20, %parallel_loop3A_14 : i32
      %parallel_loop3A_22 = arith.index_cast %parallel_loop3A_21 : i32 to index
      %parallel_loop3A_23 = tpu.vector_load %arg7[%parallel_loop3A_22] {strides = array<i32>} : memref<4096xf32, #tpu.memory_space<vmem>>, vector<16xf32>,
      tpu.vector_store %arg7[%parallel_loop3A_22], %parallel_loop3A_19 {strides = array<i32>} : memref<4096xf32, #tpu.memory_space<vmem>>, vector<16xf32>,
    } {sc.loop_unroll_factor = 4 : i64, sc.parallel_access}
    "tpu.region"() ({
      %run_scoped3A = tpu.sem_alloc : memref<!tpu.dma_semaphore, #tpu.memory_space<semaphore_mem>>
      %dma_start3A = arith.constant 0 : i32
      %dma_start3A_14 = tpu.memref_slice %arg4[%add3A_4, %dma_start3A] : memref<64x4096xf32, #tpu.memory_space<hbm>> -> memref<1x4096xf32, #tpu.memory_space<hbm>>
      %dma_start3A_15 = tpu.memref_squeeze %dma_start3A_14 : memref<1x4096xf32, #tpu.memory_space<hbm>> -> memref<4096xf32, #tpu.memory_space<hbm>>
      %dma_start3A_16 = arith.constant 0 : i32
      %dma_start3A_17 = tpu.memref_slice %arg4[%add3A_4, %dma_start3A_16] : memref<64x4096xf32, #tpu.memory_space<hbm>> -> memref<1x4096xf32, #tpu.memory_space<hbm>>
      %dma_start3A_18 = tpu.memref_squeeze %dma_start3A_17 : memref<1x4096xf32, #tpu.memory_space<hbm>> -> memref<4096xf32, #tpu.memory_space<hbm>>
      tpu.enqueue_dma source(%arg7 : memref<4096xf32, #tpu.memory_space<vmem>>) target(%dma_start3A_18 : memref<4096xf32, #tpu.memory_space<hbm>>) target_semaphore(%run_scoped3A : memref<!tpu.dma_semaphore, #tpu.memory_space<semaphore_mem>>)
      %dma_wait3A = arith.constant 0 : i32
      %dma_wait3A_19 = tpu.memref_slice %arg4[%add3A_4, %dma_wait3A] : memref<64x4096xf32, #tpu.memory_space<hbm>> -> memref<1x4096xf32, #tpu.memory_space<hbm>>
      %dma_wait3A_20 = tpu.memref_squeeze %dma_wait3A_19 : memref<1x4096xf32, #tpu.memory_space<hbm>> -> memref<4096xf32, #tpu.memory_space<hbm>>
      %dma_wait3A_21 = arith.constant 0 : i32
      %dma_wait3A_22 = tpu.memref_slice %arg4[%add3A_4, %dma_wait3A_21] : memref<64x4096xf32, #tpu.memory_space<hbm>> -> memref<1x4096xf32, #tpu.memory_space<hbm>>
      %dma_wait3A_23 = tpu.memref_squeeze %dma_wait3A_22 : memref<1x4096xf32, #tpu.memory_space<hbm>> -> memref<4096xf32, #tpu.memory_space<hbm>>
      tpu.wait_dma2 semaphore(%run_scoped3A : memref<!tpu.dma_semaphore, #tpu.memory_space<semaphore_mem>>) src(%arg7 : memref<4096xf32, #tpu.memory_space<vmem>>) dst(%dma_wait3A_23 : memref<4096xf32, #tpu.memory_space<hbm>>)
      tpu.yield
    }) : () -> ()
    %mul3A_7 = arith.constant 2 : i32
    %mul3A_8 = arith.muli %add3A, %mul3A_7 : i32
    %add3A_9 = arith.constant 1 : i32
    %add3A_10 = arith.addi %mul3A_8, %add3A_9 : i32
    "tpu.region"() ({
      %run_scoped3A = tpu.sem_alloc : memref<!tpu.dma_semaphore, #tpu.memory_space<semaphore_mem>>
      %dma_start3A = arith.constant 0 : i32
      %dma_start3A_14 = tpu.memref_slice %arg2[%add3A_10, %dma_start3A] : memref<64x100000xf32, #tpu.memory_space<hbm>> -> memref<1x100000xf32, #tpu.memory_space<hbm>>
      %dma_start3A_15 = tpu.memref_squeeze %dma_start3A_14 : memref<1x100000xf32, #tpu.memory_space<hbm>> -> memref<100000xf32, #tpu.memory_space<hbm>>
      %dma_start3A_16 = arith.constant 0 : i32
      %dma_start3A_17 = tpu.memref_slice %arg2[%add3A_10, %dma_start3A_16] : memref<64x100000xf32, #tpu.memory_space<hbm>> -> memref<1x100000xf32, #tpu.memory_space<hbm>>
      %dma_start3A_18 = tpu.memref_squeeze %dma_start3A_17 : memref<1x100000xf32, #tpu.memory_space<hbm>> -> memref<100000xf32, #tpu.memory_space<hbm>>
      tpu.enqueue_dma source(%dma_start3A_18 : memref<100000xf32, #tpu.memory_space<hbm>>) target(%arg5 : memref<100000xf32, #tpu.memory_space<vmem>>) target_semaphore(%run_scoped3A : memref<!tpu.dma_semaphore, #tpu.memory_space<semaphore_mem>>)
      %dma_wait3A = arith.constant 0 : i32
      %dma_wait3A_19 = tpu.memref_slice %arg2[%add3A_10, %dma_wait3A] : memref<64x100000xf32, #tpu.memory_space<hbm>> -> memref<1x100000xf32, #tpu.memory_space<hbm>>
      %dma_wait3A_20 = tpu.memref_squeeze %dma_wait3A_19 : memref<1x100000xf32, #tpu.memory_space<hbm>> -> memref<100000xf32, #tpu.memory_space<hbm>>
      %dma_wait3A_21 = arith.constant 0 : i32
      %dma_wait3A_22 = tpu.memref_slice %arg2[%add3A_10, %dma_wait3A_21] : memref<64x100000xf32, #tpu.memory_space<hbm>> -> memref<1x100000xf32, #tpu.memory_space<hbm>>
      %dma_wait3A_23 = tpu.memref_squeeze %dma_wait3A_22 : memref<1x100000xf32, #tpu.memory_space<hbm>> -> memref<100000xf32, #tpu.memory_space<hbm>>
      tpu.wait_dma2 semaphore(%run_scoped3A : memref<!tpu.dma_semaphore, #tpu.memory_space<semaphore_mem>>) src(%dma_wait3A_23 : memref<100000xf32, #tpu.memory_space<hbm>>) dst(%arg5 : memref<100000xf32, #tpu.memory_space<vmem>>)
      tpu.yield
    }) : () -> ()
    %parallel_loop3A_11 = arith.constant 0 : i32
    %parallel_loop3A_12 = arith.constant 256 : i32
    %parallel_loop3A_13 = arith.constant 1 : i32
    scf.for %parallel_loop3A_14 = %parallel_loop3A_11 to %parallel_loop3A_12 step %parallel_loop3A_13  : i32 {
      %parallel_loop3A_15 = arith.constant 16 : i32
      %parallel_loop3A_16 = arith.muli %parallel_loop3A_15, %parallel_loop3A_14 : i32
      %parallel_loop3A_17 = arith.index_cast %parallel_loop3A_16 : i32 to index
      %parallel_loop3A_18 = tpu.vector_load %arg6[%parallel_loop3A_17] {strides = array<i32>} : memref<4096xi32, #tpu.memory_space<vmem>>, vector<16xi32>,
      %parallel_loop3A_19 = tpu.vector_load_idx %arg5[%parallel_loop3A_18] : memref<100000xf32, #tpu.memory_space<vmem>>[vector<16xi32>], vector<16xf32>,
      %parallel_loop3A_20 = arith.constant 16 : i32
      %parallel_loop3A_21 = arith.muli %parallel_loop3A_20, %parallel_loop3A_14 : i32
      %parallel_loop3A_22 = arith.index_cast %parallel_loop3A_21 : i32 to index
      %parallel_loop3A_23 = tpu.vector_load %arg7[%parallel_loop3A_22] {strides = array<i32>} : memref<4096xf32, #tpu.memory_space<vmem>>, vector<16xf32>,
      tpu.vector_store %arg7[%parallel_loop3A_22], %parallel_loop3A_19 {strides = array<i32>} : memref<4096xf32, #tpu.memory_space<vmem>>, vector<16xf32>,
    } {sc.loop_unroll_factor = 4 : i64, sc.parallel_access}
    "tpu.region"() ({
      %run_scoped3A = tpu.sem_alloc : memref<!tpu.dma_semaphore, #tpu.memory_space<semaphore_mem>>
      %dma_start3A = arith.constant 0 : i32
      %dma_start3A_14 = tpu.memref_slice %arg4[%add3A_10, %dma_start3A] : memref<64x4096xf32, #tpu.memory_space<hbm>> -> memref<1x4096xf32, #tpu.memory_space<hbm>>
      %dma_start3A_15 = tpu.memref_squeeze %dma_start3A_14 : memref<1x4096xf32, #tpu.memory_space<hbm>> -> memref<4096xf32, #tpu.memory_space<hbm>>
      %dma_start3A_16 = arith.constant 0 : i32
      %dma_start3A_17 = tpu.memref_slice %arg4[%add3A_10, %dma_start3A_16] : memref<64x4096xf32, #tpu.memory_space<hbm>> -> memref<1x4096xf32, #tpu.memory_space<hbm>>
      %dma_start3A_18 = tpu.memref_squeeze %dma_start3A_17 : memref<1x4096xf32, #tpu.memory_space<hbm>> -> memref<4096xf32, #tpu.memory_space<hbm>>
      tpu.enqueue_dma source(%arg7 : memref<4096xf32, #tpu.memory_space<vmem>>) target(%dma_start3A_18 : memref<4096xf32, #tpu.memory_space<hbm>>) target_semaphore(%run_scoped3A : memref<!tpu.dma_semaphore, #tpu.memory_space<semaphore_mem>>)
      %dma_wait3A = arith.constant 0 : i32
      %dma_wait3A_19 = tpu.memref_slice %arg4[%add3A_10, %dma_wait3A] : memref<64x4096xf32, #tpu.memory_space<hbm>> -> memref<1x4096xf32, #tpu.memory_space<hbm>>
      %dma_wait3A_20 = tpu.memref_squeeze %dma_wait3A_19 : memref<1x4096xf32, #tpu.memory_space<hbm>> -> memref<4096xf32, #tpu.memory_space<hbm>>
      %dma_wait3A_21 = arith.constant 0 : i32
      %dma_wait3A_22 = tpu.memref_slice %arg4[%add3A_10, %dma_wait3A_21] : memref<64x4096xf32, #tpu.memory_space<hbm>> -> memref<1x4096xf32, #tpu.memory_space<hbm>>
      %dma_wait3A_23 = tpu.memref_squeeze %dma_wait3A_22 : memref<1x4096xf32, #tpu.memory_space<hbm>> -> memref<4096xf32, #tpu.memory_space<hbm>>
      tpu.wait_dma2 semaphore(%run_scoped3A : memref<!tpu.dma_semaphore, #tpu.memory_space<semaphore_mem>>) src(%arg7 : memref<4096xf32, #tpu.memory_space<vmem>>) dst(%dma_wait3A_23 : memref<4096xf32, #tpu.memory_space<hbm>>)
      tpu.yield
    }) : () -> ()
    return
  }
}

#map = affine_map<(d0, d1) -> (0, 0, 0)>
#map1 = affine_map<(d0, d1) -> (0, 0)>
module attributes {stable_mosaic.version = 14 : i64} {
  func.func @k(%arg0: i32, %arg1: i32, %arg2: memref<200x64x4096xf32, #tpu.memory_space<hbm>>, %arg3: memref<200x4096xi32, #tpu.memory_space<hbm>>, %arg4: memref<64x1000xf32, #tpu.memory_space<hbm>>, %arg5: memref<64x4096xf32, #tpu.memory_space<hbm>>, %arg6: memref<200x64x4096xf32, #tpu.memory_space<hbm>>, %arg7: memref<64x1000xf32, #tpu.memory_space<vmem>>, %arg8: memref<64x128xf32, #tpu.memory_space<vmem>>, %arg9: memref<100x128xi32, #tpu.memory_space<vmem>>, %arg10: memref<64x128xf32, #tpu.memory_space<vmem>>, %arg11: memref<64x128xf32, #tpu.memory_space<vmem>>, %arg12: memref<64x128xf32, #tpu.memory_space<vmem>>, %arg13: memref<64x128xf32, #tpu.memory_space<vmem>>, %arg14: memref<64x128xf32, #tpu.memory_space<vmem>>, %arg15: memref<!tpu.dma_semaphore, #tpu.memory_space<semaphore_mem>>, %arg16: memref<!tpu.dma_semaphore, #tpu.memory_space<semaphore_mem>>, %arg17: memref<!tpu.dma_semaphore, #tpu.memory_space<semaphore_mem>>, %arg18: memref<!tpu.dma_semaphore, #tpu.memory_space<semaphore_mem>>, %arg19: memref<!tpu.dma_semaphore, #tpu.memory_space<semaphore_mem>>, %arg20: memref<!tpu.dma_semaphore, #tpu.memory_space<semaphore_mem>>, %arg21: memref<!tpu.dma_semaphore, #tpu.memory_space<semaphore_mem>>, %arg22: memref<!tpu.dma_semaphore, #tpu.memory_space<semaphore_mem>>, %arg23: memref<!tpu.dma_semaphore, #tpu.memory_space<semaphore_mem>>, %arg24: memref<!tpu.dma_semaphore, #tpu.memory_space<semaphore_mem>>) attributes {dimension_semantics = [#tpu.dimension_semantics<core_parallel>, #tpu.dimension_semantics<subcore_parallel>], iteration_bounds = array<i64: 2, 16>, scalar_prefetch = 0 : i64, scratch_operands = 18 : i64, tpu.core_type = #tpu.core_type<sc_vector_subcore>, window_params = [{transform_indices = #map}, {transform_indices = #map1}, {transform_indices = #map1}, {transform_indices = #map1}, {transform_indices = #map}]} {
    %mul3A = arith.constant 2 : i32
    %mul3A_0 = arith.muli %arg1, %mul3A : i32
    %add3A = arith.addi %mul3A_0, %arg0 : i32
    %mul3A_1 = arith.constant 128 : i32
    %mul3A_2 = arith.muli %add3A, %mul3A_1 : i32
    "tpu.region"() ({
      %run_scoped3A = tpu.sem_alloc : memref<!tpu.dma_semaphore, #tpu.memory_space<semaphore_mem>>
      tpu.enqueue_dma source(%arg4 : memref<64x1000xf32, #tpu.memory_space<hbm>>) target(%arg7 : memref<64x1000xf32, #tpu.memory_space<vmem>>) target_semaphore(%run_scoped3A : memref<!tpu.dma_semaphore, #tpu.memory_space<semaphore_mem>>)
      tpu.wait_dma2 semaphore(%run_scoped3A : memref<!tpu.dma_semaphore, #tpu.memory_space<semaphore_mem>>) src(%arg4 : memref<64x1000xf32, #tpu.memory_space<hbm>>) dst(%arg7 : memref<64x1000xf32, #tpu.memory_space<vmem>>)
      tpu.yield
    }) : () -> ()
    "tpu.region"() ({
      %run_scoped3A = tpu.sem_alloc : memref<!tpu.dma_semaphore, #tpu.memory_space<semaphore_mem>>
      %dma_start3A_73 = arith.constant 0 : i32
      %dma_start3A_74 = tpu.memref_slice %arg5[%dma_start3A_73, %mul3A_2] : memref<64x4096xf32, #tpu.memory_space<hbm>> -> memref<64x128xf32, #tpu.memory_space<hbm>>
      %dma_start3A_75 = arith.constant 0 : i32
      %dma_start3A_76 = tpu.memref_slice %arg5[%dma_start3A_75, %mul3A_2] : memref<64x4096xf32, #tpu.memory_space<hbm>> -> memref<64x128xf32, #tpu.memory_space<hbm>>
      tpu.enqueue_dma source(%dma_start3A_76 : memref<64x128xf32, #tpu.memory_space<hbm>>) target(%arg8 : memref<64x128xf32, #tpu.memory_space<vmem>>) target_semaphore(%run_scoped3A : memref<!tpu.dma_semaphore, #tpu.memory_space<semaphore_mem>>)
      %dma_wait3A_77 = arith.constant 0 : i32
      %dma_wait3A_78 = tpu.memref_slice %arg5[%dma_wait3A_77, %mul3A_2] : memref<64x4096xf32, #tpu.memory_space<hbm>> -> memref<64x128xf32, #tpu.memory_space<hbm>>
      %dma_wait3A_79 = arith.constant 0 : i32
      %dma_wait3A_80 = tpu.memref_slice %arg5[%dma_wait3A_79, %mul3A_2] : memref<64x4096xf32, #tpu.memory_space<hbm>> -> memref<64x128xf32, #tpu.memory_space<hbm>>
      tpu.wait_dma2 semaphore(%run_scoped3A : memref<!tpu.dma_semaphore, #tpu.memory_space<semaphore_mem>>) src(%dma_wait3A_80 : memref<64x128xf32, #tpu.memory_space<hbm>>) dst(%arg8 : memref<64x128xf32, #tpu.memory_space<vmem>>)
      tpu.yield
    }) : () -> ()
    "tpu.region"() ({
      %run_scoped3A = tpu.sem_alloc : memref<!tpu.dma_semaphore, #tpu.memory_space<semaphore_mem>>
      %dma_start3A_73 = arith.constant 0 : i32
      %dma_start3A_74 = tpu.memref_slice %arg3[%dma_start3A_73, %mul3A_2] : memref<200x4096xi32, #tpu.memory_space<hbm>> -> memref<100x128xi32, #tpu.memory_space<hbm>>
      %dma_start3A_75 = arith.constant 0 : i32
      %dma_start3A_76 = tpu.memref_slice %arg3[%dma_start3A_75, %mul3A_2] : memref<200x4096xi32, #tpu.memory_space<hbm>> -> memref<100x128xi32, #tpu.memory_space<hbm>>
      tpu.enqueue_dma source(%dma_start3A_76 : memref<100x128xi32, #tpu.memory_space<hbm>>) target(%arg9 : memref<100x128xi32, #tpu.memory_space<vmem>>) target_semaphore(%run_scoped3A : memref<!tpu.dma_semaphore, #tpu.memory_space<semaphore_mem>>)
      %dma_wait3A_77 = arith.constant 0 : i32
      %dma_wait3A_78 = tpu.memref_slice %arg3[%dma_wait3A_77, %mul3A_2] : memref<200x4096xi32, #tpu.memory_space<hbm>> -> memref<100x128xi32, #tpu.memory_space<hbm>>
      %dma_wait3A_79 = arith.constant 0 : i32
      %dma_wait3A_80 = tpu.memref_slice %arg3[%dma_wait3A_79, %mul3A_2] : memref<200x4096xi32, #tpu.memory_space<hbm>> -> memref<100x128xi32, #tpu.memory_space<hbm>>
      tpu.wait_dma2 semaphore(%run_scoped3A : memref<!tpu.dma_semaphore, #tpu.memory_space<semaphore_mem>>) src(%dma_wait3A_80 : memref<100x128xi32, #tpu.memory_space<hbm>>) dst(%arg9 : memref<100x128xi32, #tpu.memory_space<vmem>>)
      tpu.yield
    }) : () -> ()
    %dma_start3A = arith.constant 0 : i32
    %dma_start3A_3 = arith.constant 0 : i32
    %dma_start3A_4 = tpu.memref_slice %arg2[%dma_start3A, %dma_start3A_3, %mul3A_2] : memref<200x64x4096xf32, #tpu.memory_space<hbm>> -> memref<1x64x128xf32, #tpu.memory_space<hbm>>
    %dma_start3A_5 = tpu.memref_squeeze %dma_start3A_4 : memref<1x64x128xf32, #tpu.memory_space<hbm>> -> memref<64x128xf32, #tpu.memory_space<hbm>>
    %dma_start3A_6 = arith.constant 0 : i32
    %dma_start3A_7 = tpu.memref_slice %arg2[%dma_start3A, %dma_start3A_6, %mul3A_2] : memref<200x64x4096xf32, #tpu.memory_space<hbm>> -> memref<1x64x128xf32, #tpu.memory_space<hbm>>
    %dma_start3A_8 = tpu.memref_squeeze %dma_start3A_7 : memref<1x64x128xf32, #tpu.memory_space<hbm>> -> memref<64x128xf32, #tpu.memory_space<hbm>>
    tpu.enqueue_dma source(%dma_start3A_8 : memref<64x128xf32, #tpu.memory_space<hbm>>) target(%arg10 : memref<64x128xf32, #tpu.memory_space<vmem>>) target_semaphore(%arg15 : memref<!tpu.dma_semaphore, #tpu.memory_space<semaphore_mem>>)
    %dma_start3A_9 = arith.constant 1 : i32
    %dma_start3A_10 = arith.constant 0 : i32
    %dma_start3A_11 = tpu.memref_slice %arg2[%dma_start3A_9, %dma_start3A_10, %mul3A_2] : memref<200x64x4096xf32, #tpu.memory_space<hbm>> -> memref<1x64x128xf32, #tpu.memory_space<hbm>>
    %dma_start3A_12 = tpu.memref_squeeze %dma_start3A_11 : memref<1x64x128xf32, #tpu.memory_space<hbm>> -> memref<64x128xf32, #tpu.memory_space<hbm>>
    %dma_start3A_13 = arith.constant 0 : i32
    %dma_start3A_14 = tpu.memref_slice %arg2[%dma_start3A_9, %dma_start3A_13, %mul3A_2] : memref<200x64x4096xf32, #tpu.memory_space<hbm>> -> memref<1x64x128xf32, #tpu.memory_space<hbm>>
    %dma_start3A_15 = tpu.memref_squeeze %dma_start3A_14 : memref<1x64x128xf32, #tpu.memory_space<hbm>> -> memref<64x128xf32, #tpu.memory_space<hbm>>
    tpu.enqueue_dma source(%dma_start3A_15 : memref<64x128xf32, #tpu.memory_space<hbm>>) target(%arg11 : memref<64x128xf32, #tpu.memory_space<vmem>>) target_semaphore(%arg16 : memref<!tpu.dma_semaphore, #tpu.memory_space<semaphore_mem>>)
    %dma_start3A_16 = arith.constant 2 : i32
    %dma_start3A_17 = arith.constant 0 : i32
    %dma_start3A_18 = tpu.memref_slice %arg2[%dma_start3A_16, %dma_start3A_17, %mul3A_2] : memref<200x64x4096xf32, #tpu.memory_space<hbm>> -> memref<1x64x128xf32, #tpu.memory_space<hbm>>
    %dma_start3A_19 = tpu.memref_squeeze %dma_start3A_18 : memref<1x64x128xf32, #tpu.memory_space<hbm>> -> memref<64x128xf32, #tpu.memory_space<hbm>>
    %dma_start3A_20 = arith.constant 0 : i32
    %dma_start3A_21 = tpu.memref_slice %arg2[%dma_start3A_16, %dma_start3A_20, %mul3A_2] : memref<200x64x4096xf32, #tpu.memory_space<hbm>> -> memref<1x64x128xf32, #tpu.memory_space<hbm>>
    %dma_start3A_22 = tpu.memref_squeeze %dma_start3A_21 : memref<1x64x128xf32, #tpu.memory_space<hbm>> -> memref<64x128xf32, #tpu.memory_space<hbm>>
    tpu.enqueue_dma source(%dma_start3A_22 : memref<64x128xf32, #tpu.memory_space<hbm>>) target(%arg12 : memref<64x128xf32, #tpu.memory_space<vmem>>) target_semaphore(%arg17 : memref<!tpu.dma_semaphore, #tpu.memory_space<semaphore_mem>>)
    %scan3A = arith.constant 0 : i32
    %scan3A_23 = arith.constant 0 : i32
    %scan3A_24 = arith.constant 40 : i32
    %scan3A_25 = arith.addi %scan3A_23, %scan3A_24 : i32
    %scan3A_26 = arith.constant 1 : i32
    %scan3A_27 = scf.for %scan3A_73 = %scan3A_23 to %scan3A_25 step %scan3A_26 iter_args(%scan3A_74 = %scan3A) -> (i32)  : i32 {
      %eq3A = arith.constant 20 : i32
      %eq3A_75 = arith.cmpi eq, %scan3A_73, %eq3A : i32
      %convert_element_type3A = arith.extui %eq3A_75 : i1 to i32
      %cond3A = arith.constant 0 : i32
      %cond3A_76 = arith.cmpi ne, %convert_element_type3A, %cond3A : i32
      scf.if %cond3A_76 {
        "tpu.region"() ({
          %run_scoped3A = tpu.sem_alloc : memref<!tpu.dma_semaphore, #tpu.memory_space<semaphore_mem>>
          %dma_start3A_349 = arith.constant 100 : i32
          %dma_start3A_350 = tpu.memref_slice %arg3[%dma_start3A_349, %mul3A_2] : memref<200x4096xi32, #tpu.memory_space<hbm>> -> memref<100x128xi32, #tpu.memory_space<hbm>>
          %dma_start3A_351 = arith.constant 100 : i32
          %dma_start3A_352 = tpu.memref_slice %arg3[%dma_start3A_351, %mul3A_2] : memref<200x4096xi32, #tpu.memory_space<hbm>> -> memref<100x128xi32, #tpu.memory_space<hbm>>
          tpu.enqueue_dma source(%dma_start3A_352 : memref<100x128xi32, #tpu.memory_space<hbm>>) target(%arg9 : memref<100x128xi32, #tpu.memory_space<vmem>>) target_semaphore(%run_scoped3A : memref<!tpu.dma_semaphore, #tpu.memory_space<semaphore_mem>>)
          %dma_wait3A_353 = arith.constant 100 : i32
          %dma_wait3A_354 = tpu.memref_slice %arg3[%dma_wait3A_353, %mul3A_2] : memref<200x4096xi32, #tpu.memory_space<hbm>> -> memref<100x128xi32, #tpu.memory_space<hbm>>
          %dma_wait3A_355 = arith.constant 100 : i32
          %dma_wait3A_356 = tpu.memref_slice %arg3[%dma_wait3A_355, %mul3A_2] : memref<200x4096xi32, #tpu.memory_space<hbm>> -> memref<100x128xi32, #tpu.memory_space<hbm>>
          tpu.wait_dma2 semaphore(%run_scoped3A : memref<!tpu.dma_semaphore, #tpu.memory_space<semaphore_mem>>) src(%dma_wait3A_356 : memref<100x128xi32, #tpu.memory_space<hbm>>) dst(%arg9 : memref<100x128xi32, #tpu.memory_space<vmem>>)
          tpu.yield
        }) : () -> ()
      } else {
      }
      %mul3A_77 = arith.constant 5 : i32
      %mul3A_78 = arith.muli %mul3A_77, %scan3A_73 : i32
      %add3A_79 = arith.constant 0 : i32
      %add3A_80 = arith.addi %mul3A_78, %add3A_79 : i32
      %add3A_81 = arith.constant 3 : i32
      %add3A_82 = arith.addi %add3A_80, %add3A_81 : i32
      %lt3A = arith.constant 200 : i32
      %lt3A_83 = arith.cmpi slt, %add3A_82, %lt3A : i32
      %convert_element_type3A_84 = arith.extui %lt3A_83 : i1 to i32
      %cond3A_85 = arith.constant 0 : i32
      %cond3A_86 = arith.cmpi ne, %convert_element_type3A_84, %cond3A_85 : i32
      scf.if %cond3A_86 {
        %ge3A = arith.constant 2 : i32
        %ge3A_349 = arith.cmpi sge, %add3A_80, %ge3A : i32
        %convert_element_type3A_350 = arith.extui %ge3A_349 : i1 to i32
        %cond3A_351 = arith.constant 0 : i32
        %cond3A_352 = arith.cmpi ne, %convert_element_type3A_350, %cond3A_351 : i32
        scf.if %cond3A_352 {
          %dma_wait3A_361 = arith.constant 0 : i32
          %dma_wait3A_362 = arith.constant 0 : i32
          %dma_wait3A_363 = arith.constant 0 : i32
          %dma_wait3A_364 = tpu.memref_slice %arg6[%dma_wait3A_361, %dma_wait3A_362, %dma_wait3A_363] : memref<200x64x4096xf32, #tpu.memory_space<hbm>> -> memref<1x64x128xf32, #tpu.memory_space<hbm>>
          %dma_wait3A_365 = tpu.memref_squeeze %dma_wait3A_364 : memref<1x64x128xf32, #tpu.memory_space<hbm>> -> memref<64x128xf32, #tpu.memory_space<hbm>>
          %dma_wait3A_366 = arith.constant 0 : i32
          %dma_wait3A_367 = arith.constant 0 : i32
          %dma_wait3A_368 = tpu.memref_slice %arg6[%dma_wait3A_361, %dma_wait3A_366, %dma_wait3A_367] : memref<200x64x4096xf32, #tpu.memory_space<hbm>> -> memref<1x64x128xf32, #tpu.memory_space<hbm>>
          %dma_wait3A_369 = tpu.memref_squeeze %dma_wait3A_368 : memref<1x64x128xf32, #tpu.memory_space<hbm>> -> memref<64x128xf32, #tpu.memory_space<hbm>>
          tpu.wait_dma2 semaphore(%arg23 : memref<!tpu.dma_semaphore, #tpu.memory_space<semaphore_mem>>) src(%arg13 : memref<64x128xf32, #tpu.memory_space<vmem>>) dst(%dma_wait3A_369 : memref<64x128xf32, #tpu.memory_space<hbm>>)
        } else {
        }
        %add3A_353 = arith.constant 3 : i32
        %add3A_354 = arith.addi %add3A_80, %add3A_353 : i32
        %dma_start3A_355 = arith.constant 0 : i32
        %dma_start3A_356 = tpu.memref_slice %arg2[%add3A_354, %dma_start3A_355, %mul3A_2] : memref<200x64x4096xf32, #tpu.memory_space<hbm>> -> memref<1x64x128xf32, #tpu.memory_space<hbm>>
        %dma_start3A_357 = tpu.memref_squeeze %dma_start3A_356 : memref<1x64x128xf32, #tpu.memory_space<hbm>> -> memref<64x128xf32, #tpu.memory_space<hbm>>
        %dma_start3A_358 = arith.constant 0 : i32
        %dma_start3A_359 = tpu.memref_slice %arg2[%add3A_354, %dma_start3A_358, %mul3A_2] : memref<200x64x4096xf32, #tpu.memory_space<hbm>> -> memref<1x64x128xf32, #tpu.memory_space<hbm>>
        %dma_start3A_360 = tpu.memref_squeeze %dma_start3A_359 : memref<1x64x128xf32, #tpu.memory_space<hbm>> -> memref<64x128xf32, #tpu.memory_space<hbm>>
        tpu.enqueue_dma source(%dma_start3A_360 : memref<64x128xf32, #tpu.memory_space<hbm>>) target(%arg13 : memref<64x128xf32, #tpu.memory_space<vmem>>) target_semaphore(%arg18 : memref<!tpu.dma_semaphore, #tpu.memory_space<semaphore_mem>>)
      } else {
      }
      %dma_wait3A_87 = arith.constant 0 : i32
      %dma_wait3A_88 = arith.constant 0 : i32
      %dma_wait3A_89 = arith.constant 0 : i32
      %dma_wait3A_90 = tpu.memref_slice %arg2[%dma_wait3A_87, %dma_wait3A_88, %dma_wait3A_89] : memref<200x64x4096xf32, #tpu.memory_space<hbm>> -> memref<1x64x128xf32, #tpu.memory_space<hbm>>
      %dma_wait3A_91 = tpu.memref_squeeze %dma_wait3A_90 : memref<1x64x128xf32, #tpu.memory_space<hbm>> -> memref<64x128xf32, #tpu.memory_space<hbm>>
      %dma_wait3A_92 = arith.constant 0 : i32
      %dma_wait3A_93 = arith.constant 0 : i32
      %dma_wait3A_94 = tpu.memref_slice %arg2[%dma_wait3A_87, %dma_wait3A_92, %dma_wait3A_93] : memref<200x64x4096xf32, #tpu.memory_space<hbm>> -> memref<1x64x128xf32, #tpu.memory_space<hbm>>
      %dma_wait3A_95 = tpu.memref_squeeze %dma_wait3A_94 : memref<1x64x128xf32, #tpu.memory_space<hbm>> -> memref<64x128xf32, #tpu.memory_space<hbm>>
      tpu.wait_dma2 semaphore(%arg15 : memref<!tpu.dma_semaphore, #tpu.memory_space<semaphore_mem>>) src(%dma_wait3A_95 : memref<64x128xf32, #tpu.memory_space<hbm>>) dst(%arg10 : memref<64x128xf32, #tpu.memory_space<vmem>>)
      %rem3A = arith.constant 100 : i32
      %rem3A_96 = arith.remsi %add3A_80, %rem3A : i32
      %get3A = arith.index_cast %rem3A_96 : i32 to index
      %get3A_97 = arith.constant 0 : index
      %get3A_98 = tpu.vector_load %arg9[%get3A, %get3A_97] {strides = array<i32>} : memref<100x128xi32, #tpu.memory_space<vmem>>, vector<16xi32>,
      %get3A_99 = arith.index_cast %rem3A_96 : i32 to index
      %get3A_100 = arith.constant 16 : index
      %get3A_101 = tpu.vector_load %arg9[%get3A_99, %get3A_100] {strides = array<i32>} : memref<100x128xi32, #tpu.memory_space<vmem>>, vector<16xi32>,
      %get3A_102 = arith.index_cast %rem3A_96 : i32 to index
      %get3A_103 = arith.constant 32 : index
      %get3A_104 = tpu.vector_load %arg9[%get3A_102, %get3A_103] {strides = array<i32>} : memref<100x128xi32, #tpu.memory_space<vmem>>, vector<16xi32>,
      %get3A_105 = arith.index_cast %rem3A_96 : i32 to index
      %get3A_106 = arith.constant 48 : index
      %get3A_107 = tpu.vector_load %arg9[%get3A_105, %get3A_106] {strides = array<i32>} : memref<100x128xi32, #tpu.memory_space<vmem>>, vector<16xi32>,
      %get3A_108 = arith.index_cast %rem3A_96 : i32 to index
      %get3A_109 = arith.constant 64 : index
      %get3A_110 = tpu.vector_load %arg9[%get3A_108, %get3A_109] {strides = array<i32>} : memref<100x128xi32, #tpu.memory_space<vmem>>, vector<16xi32>,
      %get3A_111 = arith.index_cast %rem3A_96 : i32 to index
      %get3A_112 = arith.constant 80 : index
      %get3A_113 = tpu.vector_load %arg9[%get3A_111, %get3A_112] {strides = array<i32>} : memref<100x128xi32, #tpu.memory_space<vmem>>, vector<16xi32>,
      %get3A_114 = arith.index_cast %rem3A_96 : i32 to index
      %get3A_115 = arith.constant 96 : index
      %get3A_116 = tpu.vector_load %arg9[%get3A_114, %get3A_115] {strides = array<i32>} : memref<100x128xi32, #tpu.memory_space<vmem>>, vector<16xi32>,
      %get3A_117 = arith.index_cast %rem3A_96 : i32 to index
      %get3A_118 = arith.constant 112 : index
      %get3A_119 = tpu.vector_load %arg9[%get3A_117, %get3A_118] {strides = array<i32>} : memref<100x128xi32, #tpu.memory_space<vmem>>, vector<16xi32>,
      %parallel_loop3A = arith.constant 0 : i32
      %parallel_loop3A_120 = arith.constant 64 : i32
      %parallel_loop3A_121 = arith.constant 1 : i32
      scf.for %parallel_loop3A_349 = %parallel_loop3A to %parallel_loop3A_120 step %parallel_loop3A_121  : i32 {
        %parallel_loop3A_350 = vector.broadcast %parallel_loop3A_349 : i32 to vector<16xi32>
        %parallel_loop3A_351 = tpu.vector_load_idx %arg7[%parallel_loop3A_350, %get3A_98] : memref<64x1000xf32, #tpu.memory_space<vmem>>[vector<16xi32>, vector<16xi32>], vector<16xf32>,
        %parallel_loop3A_352 = arith.index_cast %parallel_loop3A_349 : i32 to index
        %parallel_loop3A_353 = arith.constant 0 : index
        %parallel_loop3A_354 = tpu.vector_load %arg8[%parallel_loop3A_352, %parallel_loop3A_353] {strides = array<i32>} : memref<64x128xf32, #tpu.memory_space<vmem>>, vector<16xf32>,
        %parallel_loop3A_355 = arith.addf %parallel_loop3A_351, %parallel_loop3A_354 : vector<16xf32>
        %parallel_loop3A_356 = arith.index_cast %parallel_loop3A_349 : i32 to index
        %parallel_loop3A_357 = arith.constant 0 : index
        %parallel_loop3A_358 = tpu.vector_load %arg10[%parallel_loop3A_356, %parallel_loop3A_357] {strides = array<i32>} : memref<64x128xf32, #tpu.memory_space<vmem>>, vector<16xf32>,
        tpu.vector_store %arg10[%parallel_loop3A_356, %parallel_loop3A_357], %parallel_loop3A_355 {add = true, strides = array<i32>} : memref<64x128xf32, #tpu.memory_space<vmem>>, vector<16xf32>,
        %parallel_loop3A_359 = tpu.vector_load_idx %arg7[%parallel_loop3A_350, %get3A_101] : memref<64x1000xf32, #tpu.memory_space<vmem>>[vector<16xi32>, vector<16xi32>], vector<16xf32>,
        %parallel_loop3A_360 = arith.index_cast %parallel_loop3A_349 : i32 to index
        %parallel_loop3A_361 = arith.constant 16 : index
        %parallel_loop3A_362 = tpu.vector_load %arg8[%parallel_loop3A_360, %parallel_loop3A_361] {strides = array<i32>} : memref<64x128xf32, #tpu.memory_space<vmem>>, vector<16xf32>,
        %parallel_loop3A_363 = arith.addf %parallel_loop3A_359, %parallel_loop3A_362 : vector<16xf32>
        %parallel_loop3A_364 = arith.index_cast %parallel_loop3A_349 : i32 to index
        %parallel_loop3A_365 = arith.constant 16 : index
        %parallel_loop3A_366 = tpu.vector_load %arg10[%parallel_loop3A_364, %parallel_loop3A_365] {strides = array<i32>} : memref<64x128xf32, #tpu.memory_space<vmem>>, vector<16xf32>,
        tpu.vector_store %arg10[%parallel_loop3A_364, %parallel_loop3A_365], %parallel_loop3A_363 {add = true, strides = array<i32>} : memref<64x128xf32, #tpu.memory_space<vmem>>, vector<16xf32>,
        %parallel_loop3A_367 = tpu.vector_load_idx %arg7[%parallel_loop3A_350, %get3A_104] : memref<64x1000xf32, #tpu.memory_space<vmem>>[vector<16xi32>, vector<16xi32>], vector<16xf32>,
        %parallel_loop3A_368 = arith.index_cast %parallel_loop3A_349 : i32 to index
        %parallel_loop3A_369 = arith.constant 32 : index
        %parallel_loop3A_370 = tpu.vector_load %arg8[%parallel_loop3A_368, %parallel_loop3A_369] {strides = array<i32>} : memref<64x128xf32, #tpu.memory_space<vmem>>, vector<16xf32>,
        %parallel_loop3A_371 = arith.addf %parallel_loop3A_367, %parallel_loop3A_370 : vector<16xf32>
        %parallel_loop3A_372 = arith.index_cast %parallel_loop3A_349 : i32 to index
        %parallel_loop3A_373 = arith.constant 32 : index
        %parallel_loop3A_374 = tpu.vector_load %arg10[%parallel_loop3A_372, %parallel_loop3A_373] {strides = array<i32>} : memref<64x128xf32, #tpu.memory_space<vmem>>, vector<16xf32>,
        tpu.vector_store %arg10[%parallel_loop3A_372, %parallel_loop3A_373], %parallel_loop3A_371 {add = true, strides = array<i32>} : memref<64x128xf32, #tpu.memory_space<vmem>>, vector<16xf32>,
        %parallel_loop3A_375 = tpu.vector_load_idx %arg7[%parallel_loop3A_350, %get3A_107] : memref<64x1000xf32, #tpu.memory_space<vmem>>[vector<16xi32>, vector<16xi32>], vector<16xf32>,
        %parallel_loop3A_376 = arith.index_cast %parallel_loop3A_349 : i32 to index
        %parallel_loop3A_377 = arith.constant 48 : index
        %parallel_loop3A_378 = tpu.vector_load %arg8[%parallel_loop3A_376, %parallel_loop3A_377] {strides = array<i32>} : memref<64x128xf32, #tpu.memory_space<vmem>>, vector<16xf32>,
        %parallel_loop3A_379 = arith.addf %parallel_loop3A_375, %parallel_loop3A_378 : vector<16xf32>
        %parallel_loop3A_380 = arith.index_cast %parallel_loop3A_349 : i32 to index
        %parallel_loop3A_381 = arith.constant 48 : index
        %parallel_loop3A_382 = tpu.vector_load %arg10[%parallel_loop3A_380, %parallel_loop3A_381] {strides = array<i32>} : memref<64x128xf32, #tpu.memory_space<vmem>>, vector<16xf32>,
        tpu.vector_store %arg10[%parallel_loop3A_380, %parallel_loop3A_381], %parallel_loop3A_379 {add = true, strides = array<i32>} : memref<64x128xf32, #tpu.memory_space<vmem>>, vector<16xf32>,
        %parallel_loop3A_383 = tpu.vector_load_idx %arg7[%parallel_loop3A_350, %get3A_110] : memref<64x1000xf32, #tpu.memory_space<vmem>>[vector<16xi32>, vector<16xi32>], vector<16xf32>,
        %parallel_loop3A_384 = arith.index_cast %parallel_loop3A_349 : i32 to index
        %parallel_loop3A_385 = arith.constant 64 : index
        %parallel_loop3A_386 = tpu.vector_load %arg8[%parallel_loop3A_384, %parallel_loop3A_385] {strides = array<i32>} : memref<64x128xf32, #tpu.memory_space<vmem>>, vector<16xf32>,
        %parallel_loop3A_387 = arith.addf %parallel_loop3A_383, %parallel_loop3A_386 : vector<16xf32>
        %parallel_loop3A_388 = arith.index_cast %parallel_loop3A_349 : i32 to index
        %parallel_loop3A_389 = arith.constant 64 : index
        %parallel_loop3A_390 = tpu.vector_load %arg10[%parallel_loop3A_388, %parallel_loop3A_389] {strides = array<i32>} : memref<64x128xf32, #tpu.memory_space<vmem>>, vector<16xf32>,
        tpu.vector_store %arg10[%parallel_loop3A_388, %parallel_loop3A_389], %parallel_loop3A_387 {add = true, strides = array<i32>} : memref<64x128xf32, #tpu.memory_space<vmem>>, vector<16xf32>,
        %parallel_loop3A_391 = tpu.vector_load_idx %arg7[%parallel_loop3A_350, %get3A_113] : memref<64x1000xf32, #tpu.memory_space<vmem>>[vector<16xi32>, vector<16xi32>], vector<16xf32>,
        %parallel_loop3A_392 = arith.index_cast %parallel_loop3A_349 : i32 to index
        %parallel_loop3A_393 = arith.constant 80 : index
        %parallel_loop3A_394 = tpu.vector_load %arg8[%parallel_loop3A_392, %parallel_loop3A_393] {strides = array<i32>} : memref<64x128xf32, #tpu.memory_space<vmem>>, vector<16xf32>,
        %parallel_loop3A_395 = arith.addf %parallel_loop3A_391, %parallel_loop3A_394 : vector<16xf32>
        %parallel_loop3A_396 = arith.index_cast %parallel_loop3A_349 : i32 to index
        %parallel_loop3A_397 = arith.constant 80 : index
        %parallel_loop3A_398 = tpu.vector_load %arg10[%parallel_loop3A_396, %parallel_loop3A_397] {strides = array<i32>} : memref<64x128xf32, #tpu.memory_space<vmem>>, vector<16xf32>,
        tpu.vector_store %arg10[%parallel_loop3A_396, %parallel_loop3A_397], %parallel_loop3A_395 {add = true, strides = array<i32>} : memref<64x128xf32, #tpu.memory_space<vmem>>, vector<16xf32>,
        %parallel_loop3A_399 = tpu.vector_load_idx %arg7[%parallel_loop3A_350, %get3A_116] : memref<64x1000xf32, #tpu.memory_space<vmem>>[vector<16xi32>, vector<16xi32>], vector<16xf32>,
        %parallel_loop3A_400 = arith.index_cast %parallel_loop3A_349 : i32 to index
        %parallel_loop3A_401 = arith.constant 96 : index
        %parallel_loop3A_402 = tpu.vector_load %arg8[%parallel_loop3A_400, %parallel_loop3A_401] {strides = array<i32>} : memref<64x128xf32, #tpu.memory_space<vmem>>, vector<16xf32>,
        %parallel_loop3A_403 = arith.addf %parallel_loop3A_399, %parallel_loop3A_402 : vector<16xf32>
        %parallel_loop3A_404 = arith.index_cast %parallel_loop3A_349 : i32 to index
        %parallel_loop3A_405 = arith.constant 96 : index
        %parallel_loop3A_406 = tpu.vector_load %arg10[%parallel_loop3A_404, %parallel_loop3A_405] {strides = array<i32>} : memref<64x128xf32, #tpu.memory_space<vmem>>, vector<16xf32>,
        tpu.vector_store %arg10[%parallel_loop3A_404, %parallel_loop3A_405], %parallel_loop3A_403 {add = true, strides = array<i32>} : memref<64x128xf32, #tpu.memory_space<vmem>>, vector<16xf32>,
        %parallel_loop3A_407 = tpu.vector_load_idx %arg7[%parallel_loop3A_350, %get3A_119] : memref<64x1000xf32, #tpu.memory_space<vmem>>[vector<16xi32>, vector<16xi32>], vector<16xf32>,
        %parallel_loop3A_408 = arith.index_cast %parallel_loop3A_349 : i32 to index
        %parallel_loop3A_409 = arith.constant 112 : index
        %parallel_loop3A_410 = tpu.vector_load %arg8[%parallel_loop3A_408, %parallel_loop3A_409] {strides = array<i32>} : memref<64x128xf32, #tpu.memory_space<vmem>>, vector<16xf32>,
        %parallel_loop3A_411 = arith.addf %parallel_loop3A_407, %parallel_loop3A_410 : vector<16xf32>
        %parallel_loop3A_412 = arith.index_cast %parallel_loop3A_349 : i32 to index
        %parallel_loop3A_413 = arith.constant 112 : index
        %parallel_loop3A_414 = tpu.vector_load %arg10[%parallel_loop3A_412, %parallel_loop3A_413] {strides = array<i32>} : memref<64x128xf32, #tpu.memory_space<vmem>>, vector<16xf32>,
        tpu.vector_store %arg10[%parallel_loop3A_412, %parallel_loop3A_413], %parallel_loop3A_411 {add = true, strides = array<i32>} : memref<64x128xf32, #tpu.memory_space<vmem>>, vector<16xf32>,
      } {sc.loop_unroll_factor = 2 : i64, sc.parallel_access}
      %dma_start3A_122 = arith.constant 0 : i32
      %dma_start3A_123 = tpu.memref_slice %arg6[%add3A_80, %dma_start3A_122, %mul3A_2] : memref<200x64x4096xf32, #tpu.memory_space<hbm>> -> memref<1x64x128xf32, #tpu.memory_space<hbm>>
      %dma_start3A_124 = tpu.memref_squeeze %dma_start3A_123 : memref<1x64x128xf32, #tpu.memory_space<hbm>> -> memref<64x128xf32, #tpu.memory_space<hbm>>
      %dma_start3A_125 = arith.constant 0 : i32
      %dma_start3A_126 = tpu.memref_slice %arg6[%add3A_80, %dma_start3A_125, %mul3A_2] : memref<200x64x4096xf32, #tpu.memory_space<hbm>> -> memref<1x64x128xf32, #tpu.memory_space<hbm>>
      %dma_start3A_127 = tpu.memref_squeeze %dma_start3A_126 : memref<1x64x128xf32, #tpu.memory_space<hbm>> -> memref<64x128xf32, #tpu.memory_space<hbm>>
      tpu.enqueue_dma source(%arg10 : memref<64x128xf32, #tpu.memory_space<vmem>>) target(%dma_start3A_127 : memref<64x128xf32, #tpu.memory_space<hbm>>) target_semaphore(%arg20 : memref<!tpu.dma_semaphore, #tpu.memory_space<semaphore_mem>>)
      %mul3A_128 = arith.constant 5 : i32
      %mul3A_129 = arith.muli %mul3A_128, %scan3A_73 : i32
      %add3A_130 = arith.constant 1 : i32
      %add3A_131 = arith.addi %mul3A_129, %add3A_130 : i32
      %add3A_132 = arith.constant 3 : i32
      %add3A_133 = arith.addi %add3A_131, %add3A_132 : i32
      %lt3A_134 = arith.constant 200 : i32
      %lt3A_135 = arith.cmpi slt, %add3A_133, %lt3A_134 : i32
      %convert_element_type3A_136 = arith.extui %lt3A_135 : i1 to i32
      %cond3A_137 = arith.constant 0 : i32
      %cond3A_138 = arith.cmpi ne, %convert_element_type3A_136, %cond3A_137 : i32
      scf.if %cond3A_138 {
        %ge3A = arith.constant 2 : i32
        %ge3A_349 = arith.cmpi sge, %add3A_131, %ge3A : i32
        %convert_element_type3A_350 = arith.extui %ge3A_349 : i1 to i32
        %cond3A_351 = arith.constant 0 : i32
        %cond3A_352 = arith.cmpi ne, %convert_element_type3A_350, %cond3A_351 : i32
        scf.if %cond3A_352 {
          %dma_wait3A_361 = arith.constant 0 : i32
          %dma_wait3A_362 = arith.constant 0 : i32
          %dma_wait3A_363 = arith.constant 0 : i32
          %dma_wait3A_364 = tpu.memref_slice %arg6[%dma_wait3A_361, %dma_wait3A_362, %dma_wait3A_363] : memref<200x64x4096xf32, #tpu.memory_space<hbm>> -> memref<1x64x128xf32, #tpu.memory_space<hbm>>
          %dma_wait3A_365 = tpu.memref_squeeze %dma_wait3A_364 : memref<1x64x128xf32, #tpu.memory_space<hbm>> -> memref<64x128xf32, #tpu.memory_space<hbm>>
          %dma_wait3A_366 = arith.constant 0 : i32
          %dma_wait3A_367 = arith.constant 0 : i32
          %dma_wait3A_368 = tpu.memref_slice %arg6[%dma_wait3A_361, %dma_wait3A_366, %dma_wait3A_367] : memref<200x64x4096xf32, #tpu.memory_space<hbm>> -> memref<1x64x128xf32, #tpu.memory_space<hbm>>
          %dma_wait3A_369 = tpu.memref_squeeze %dma_wait3A_368 : memref<1x64x128xf32, #tpu.memory_space<hbm>> -> memref<64x128xf32, #tpu.memory_space<hbm>>
          tpu.wait_dma2 semaphore(%arg24 : memref<!tpu.dma_semaphore, #tpu.memory_space<semaphore_mem>>) src(%arg14 : memref<64x128xf32, #tpu.memory_space<vmem>>) dst(%dma_wait3A_369 : memref<64x128xf32, #tpu.memory_space<hbm>>)
        } else {
        }
        %add3A_353 = arith.constant 3 : i32
        %add3A_354 = arith.addi %add3A_131, %add3A_353 : i32
        %dma_start3A_355 = arith.constant 0 : i32
        %dma_start3A_356 = tpu.memref_slice %arg2[%add3A_354, %dma_start3A_355, %mul3A_2] : memref<200x64x4096xf32, #tpu.memory_space<hbm>> -> memref<1x64x128xf32, #tpu.memory_space<hbm>>
        %dma_start3A_357 = tpu.memref_squeeze %dma_start3A_356 : memref<1x64x128xf32, #tpu.memory_space<hbm>> -> memref<64x128xf32, #tpu.memory_space<hbm>>
        %dma_start3A_358 = arith.constant 0 : i32
        %dma_start3A_359 = tpu.memref_slice %arg2[%add3A_354, %dma_start3A_358, %mul3A_2] : memref<200x64x4096xf32, #tpu.memory_space<hbm>> -> memref<1x64x128xf32, #tpu.memory_space<hbm>>
        %dma_start3A_360 = tpu.memref_squeeze %dma_start3A_359 : memref<1x64x128xf32, #tpu.memory_space<hbm>> -> memref<64x128xf32, #tpu.memory_space<hbm>>
        tpu.enqueue_dma source(%dma_start3A_360 : memref<64x128xf32, #tpu.memory_space<hbm>>) target(%arg14 : memref<64x128xf32, #tpu.memory_space<vmem>>) target_semaphore(%arg19 : memref<!tpu.dma_semaphore, #tpu.memory_space<semaphore_mem>>)
      } else {
      }
      %dma_wait3A_139 = arith.constant 0 : i32
      %dma_wait3A_140 = arith.constant 0 : i32
      %dma_wait3A_141 = arith.constant 0 : i32
      %dma_wait3A_142 = tpu.memref_slice %arg2[%dma_wait3A_139, %dma_wait3A_140, %dma_wait3A_141] : memref<200x64x4096xf32, #tpu.memory_space<hbm>> -> memref<1x64x128xf32, #tpu.memory_space<hbm>>
      %dma_wait3A_143 = tpu.memref_squeeze %dma_wait3A_142 : memref<1x64x128xf32, #tpu.memory_space<hbm>> -> memref<64x128xf32, #tpu.memory_space<hbm>>
      %dma_wait3A_144 = arith.constant 0 : i32
      %dma_wait3A_145 = arith.constant 0 : i32
      %dma_wait3A_146 = tpu.memref_slice %arg2[%dma_wait3A_139, %dma_wait3A_144, %dma_wait3A_145] : memref<200x64x4096xf32, #tpu.memory_space<hbm>> -> memref<1x64x128xf32, #tpu.memory_space<hbm>>
      %dma_wait3A_147 = tpu.memref_squeeze %dma_wait3A_146 : memref<1x64x128xf32, #tpu.memory_space<hbm>> -> memref<64x128xf32, #tpu.memory_space<hbm>>
      tpu.wait_dma2 semaphore(%arg16 : memref<!tpu.dma_semaphore, #tpu.memory_space<semaphore_mem>>) src(%dma_wait3A_147 : memref<64x128xf32, #tpu.memory_space<hbm>>) dst(%arg11 : memref<64x128xf32, #tpu.memory_space<vmem>>)
      %rem3A_148 = arith.constant 100 : i32
      %rem3A_149 = arith.remsi %add3A_131, %rem3A_148 : i32
      %get3A_150 = arith.index_cast %rem3A_149 : i32 to index
      %get3A_151 = arith.constant 0 : index
      %get3A_152 = tpu.vector_load %arg9[%get3A_150, %get3A_151] {strides = array<i32>} : memref<100x128xi32, #tpu.memory_space<vmem>>, vector<16xi32>,
      %get3A_153 = arith.index_cast %rem3A_149 : i32 to index
      %get3A_154 = arith.constant 16 : index
      %get3A_155 = tpu.vector_load %arg9[%get3A_153, %get3A_154] {strides = array<i32>} : memref<100x128xi32, #tpu.memory_space<vmem>>, vector<16xi32>,
      %get3A_156 = arith.index_cast %rem3A_149 : i32 to index
      %get3A_157 = arith.constant 32 : index
      %get3A_158 = tpu.vector_load %arg9[%get3A_156, %get3A_157] {strides = array<i32>} : memref<100x128xi32, #tpu.memory_space<vmem>>, vector<16xi32>,
      %get3A_159 = arith.index_cast %rem3A_149 : i32 to index
      %get3A_160 = arith.constant 48 : index
      %get3A_161 = tpu.vector_load %arg9[%get3A_159, %get3A_160] {strides = array<i32>} : memref<100x128xi32, #tpu.memory_space<vmem>>, vector<16xi32>,
      %get3A_162 = arith.index_cast %rem3A_149 : i32 to index
      %get3A_163 = arith.constant 64 : index
      %get3A_164 = tpu.vector_load %arg9[%get3A_162, %get3A_163] {strides = array<i32>} : memref<100x128xi32, #tpu.memory_space<vmem>>, vector<16xi32>,
      %get3A_165 = arith.index_cast %rem3A_149 : i32 to index
      %get3A_166 = arith.constant 80 : index
      %get3A_167 = tpu.vector_load %arg9[%get3A_165, %get3A_166] {strides = array<i32>} : memref<100x128xi32, #tpu.memory_space<vmem>>, vector<16xi32>,
      %get3A_168 = arith.index_cast %rem3A_149 : i32 to index
      %get3A_169 = arith.constant 96 : index
      %get3A_170 = tpu.vector_load %arg9[%get3A_168, %get3A_169] {strides = array<i32>} : memref<100x128xi32, #tpu.memory_space<vmem>>, vector<16xi32>,
      %get3A_171 = arith.index_cast %rem3A_149 : i32 to index
      %get3A_172 = arith.constant 112 : index
      %get3A_173 = tpu.vector_load %arg9[%get3A_171, %get3A_172] {strides = array<i32>} : memref<100x128xi32, #tpu.memory_space<vmem>>, vector<16xi32>,
      %parallel_loop3A_174 = arith.constant 0 : i32
      %parallel_loop3A_175 = arith.constant 64 : i32
      %parallel_loop3A_176 = arith.constant 1 : i32
      scf.for %parallel_loop3A_349 = %parallel_loop3A_174 to %parallel_loop3A_175 step %parallel_loop3A_176  : i32 {
        %parallel_loop3A_350 = vector.broadcast %parallel_loop3A_349 : i32 to vector<16xi32>
        %parallel_loop3A_351 = tpu.vector_load_idx %arg7[%parallel_loop3A_350, %get3A_152] : memref<64x1000xf32, #tpu.memory_space<vmem>>[vector<16xi32>, vector<16xi32>], vector<16xf32>,
        %parallel_loop3A_352 = arith.index_cast %parallel_loop3A_349 : i32 to index
        %parallel_loop3A_353 = arith.constant 0 : index
        %parallel_loop3A_354 = tpu.vector_load %arg8[%parallel_loop3A_352, %parallel_loop3A_353] {strides = array<i32>} : memref<64x128xf32, #tpu.memory_space<vmem>>, vector<16xf32>,
        %parallel_loop3A_355 = arith.addf %parallel_loop3A_351, %parallel_loop3A_354 : vector<16xf32>
        %parallel_loop3A_356 = arith.index_cast %parallel_loop3A_349 : i32 to index
        %parallel_loop3A_357 = arith.constant 0 : index
        %parallel_loop3A_358 = tpu.vector_load %arg11[%parallel_loop3A_356, %parallel_loop3A_357] {strides = array<i32>} : memref<64x128xf32, #tpu.memory_space<vmem>>, vector<16xf32>,
        tpu.vector_store %arg11[%parallel_loop3A_356, %parallel_loop3A_357], %parallel_loop3A_355 {add = true, strides = array<i32>} : memref<64x128xf32, #tpu.memory_space<vmem>>, vector<16xf32>,
        %parallel_loop3A_359 = tpu.vector_load_idx %arg7[%parallel_loop3A_350, %get3A_155] : memref<64x1000xf32, #tpu.memory_space<vmem>>[vector<16xi32>, vector<16xi32>], vector<16xf32>,
        %parallel_loop3A_360 = arith.index_cast %parallel_loop3A_349 : i32 to index
        %parallel_loop3A_361 = arith.constant 16 : index
        %parallel_loop3A_362 = tpu.vector_load %arg8[%parallel_loop3A_360, %parallel_loop3A_361] {strides = array<i32>} : memref<64x128xf32, #tpu.memory_space<vmem>>, vector<16xf32>,
        %parallel_loop3A_363 = arith.addf %parallel_loop3A_359, %parallel_loop3A_362 : vector<16xf32>
        %parallel_loop3A_364 = arith.index_cast %parallel_loop3A_349 : i32 to index
        %parallel_loop3A_365 = arith.constant 16 : index
        %parallel_loop3A_366 = tpu.vector_load %arg11[%parallel_loop3A_364, %parallel_loop3A_365] {strides = array<i32>} : memref<64x128xf32, #tpu.memory_space<vmem>>, vector<16xf32>,
        tpu.vector_store %arg11[%parallel_loop3A_364, %parallel_loop3A_365], %parallel_loop3A_363 {add = true, strides = array<i32>} : memref<64x128xf32, #tpu.memory_space<vmem>>, vector<16xf32>,
        %parallel_loop3A_367 = tpu.vector_load_idx %arg7[%parallel_loop3A_350, %get3A_158] : memref<64x1000xf32, #tpu.memory_space<vmem>>[vector<16xi32>, vector<16xi32>], vector<16xf32>,
        %parallel_loop3A_368 = arith.index_cast %parallel_loop3A_349 : i32 to index
        %parallel_loop3A_369 = arith.constant 32 : index
        %parallel_loop3A_370 = tpu.vector_load %arg8[%parallel_loop3A_368, %parallel_loop3A_369] {strides = array<i32>} : memref<64x128xf32, #tpu.memory_space<vmem>>, vector<16xf32>,
        %parallel_loop3A_371 = arith.addf %parallel_loop3A_367, %parallel_loop3A_370 : vector<16xf32>
        %parallel_loop3A_372 = arith.index_cast %parallel_loop3A_349 : i32 to index
        %parallel_loop3A_373 = arith.constant 32 : index
        %parallel_loop3A_374 = tpu.vector_load %arg11[%parallel_loop3A_372, %parallel_loop3A_373] {strides = array<i32>} : memref<64x128xf32, #tpu.memory_space<vmem>>, vector<16xf32>,
        tpu.vector_store %arg11[%parallel_loop3A_372, %parallel_loop3A_373], %parallel_loop3A_371 {add = true, strides = array<i32>} : memref<64x128xf32, #tpu.memory_space<vmem>>, vector<16xf32>,
        %parallel_loop3A_375 = tpu.vector_load_idx %arg7[%parallel_loop3A_350, %get3A_161] : memref<64x1000xf32, #tpu.memory_space<vmem>>[vector<16xi32>, vector<16xi32>], vector<16xf32>,
        %parallel_loop3A_376 = arith.index_cast %parallel_loop3A_349 : i32 to index
        %parallel_loop3A_377 = arith.constant 48 : index
        %parallel_loop3A_378 = tpu.vector_load %arg8[%parallel_loop3A_376, %parallel_loop3A_377] {strides = array<i32>} : memref<64x128xf32, #tpu.memory_space<vmem>>, vector<16xf32>,
        %parallel_loop3A_379 = arith.addf %parallel_loop3A_375, %parallel_loop3A_378 : vector<16xf32>
        %parallel_loop3A_380 = arith.index_cast %parallel_loop3A_349 : i32 to index
        %parallel_loop3A_381 = arith.constant 48 : index
        %parallel_loop3A_382 = tpu.vector_load %arg11[%parallel_loop3A_380, %parallel_loop3A_381] {strides = array<i32>} : memref<64x128xf32, #tpu.memory_space<vmem>>, vector<16xf32>,
        tpu.vector_store %arg11[%parallel_loop3A_380, %parallel_loop3A_381], %parallel_loop3A_379 {add = true, strides = array<i32>} : memref<64x128xf32, #tpu.memory_space<vmem>>, vector<16xf32>,
        %parallel_loop3A_383 = tpu.vector_load_idx %arg7[%parallel_loop3A_350, %get3A_164] : memref<64x1000xf32, #tpu.memory_space<vmem>>[vector<16xi32>, vector<16xi32>], vector<16xf32>,
        %parallel_loop3A_384 = arith.index_cast %parallel_loop3A_349 : i32 to index
        %parallel_loop3A_385 = arith.constant 64 : index
        %parallel_loop3A_386 = tpu.vector_load %arg8[%parallel_loop3A_384, %parallel_loop3A_385] {strides = array<i32>} : memref<64x128xf32, #tpu.memory_space<vmem>>, vector<16xf32>,
        %parallel_loop3A_387 = arith.addf %parallel_loop3A_383, %parallel_loop3A_386 : vector<16xf32>
        %parallel_loop3A_388 = arith.index_cast %parallel_loop3A_349 : i32 to index
        %parallel_loop3A_389 = arith.constant 64 : index
        %parallel_loop3A_390 = tpu.vector_load %arg11[%parallel_loop3A_388, %parallel_loop3A_389] {strides = array<i32>} : memref<64x128xf32, #tpu.memory_space<vmem>>, vector<16xf32>,
        tpu.vector_store %arg11[%parallel_loop3A_388, %parallel_loop3A_389], %parallel_loop3A_387 {add = true, strides = array<i32>} : memref<64x128xf32, #tpu.memory_space<vmem>>, vector<16xf32>,
        %parallel_loop3A_391 = tpu.vector_load_idx %arg7[%parallel_loop3A_350, %get3A_167] : memref<64x1000xf32, #tpu.memory_space<vmem>>[vector<16xi32>, vector<16xi32>], vector<16xf32>,
        %parallel_loop3A_392 = arith.index_cast %parallel_loop3A_349 : i32 to index
        %parallel_loop3A_393 = arith.constant 80 : index
        %parallel_loop3A_394 = tpu.vector_load %arg8[%parallel_loop3A_392, %parallel_loop3A_393] {strides = array<i32>} : memref<64x128xf32, #tpu.memory_space<vmem>>, vector<16xf32>,
        %parallel_loop3A_395 = arith.addf %parallel_loop3A_391, %parallel_loop3A_394 : vector<16xf32>
        %parallel_loop3A_396 = arith.index_cast %parallel_loop3A_349 : i32 to index
        %parallel_loop3A_397 = arith.constant 80 : index
        %parallel_loop3A_398 = tpu.vector_load %arg11[%parallel_loop3A_396, %parallel_loop3A_397] {strides = array<i32>} : memref<64x128xf32, #tpu.memory_space<vmem>>, vector<16xf32>,
        tpu.vector_store %arg11[%parallel_loop3A_396, %parallel_loop3A_397], %parallel_loop3A_395 {add = true, strides = array<i32>} : memref<64x128xf32, #tpu.memory_space<vmem>>, vector<16xf32>,
        %parallel_loop3A_399 = tpu.vector_load_idx %arg7[%parallel_loop3A_350, %get3A_170] : memref<64x1000xf32, #tpu.memory_space<vmem>>[vector<16xi32>, vector<16xi32>], vector<16xf32>,
        %parallel_loop3A_400 = arith.index_cast %parallel_loop3A_349 : i32 to index
        %parallel_loop3A_401 = arith.constant 96 : index
        %parallel_loop3A_402 = tpu.vector_load %arg8[%parallel_loop3A_400, %parallel_loop3A_401] {strides = array<i32>} : memref<64x128xf32, #tpu.memory_space<vmem>>, vector<16xf32>,
        %parallel_loop3A_403 = arith.addf %parallel_loop3A_399, %parallel_loop3A_402 : vector<16xf32>
        %parallel_loop3A_404 = arith.index_cast %parallel_loop3A_349 : i32 to index
        %parallel_loop3A_405 = arith.constant 96 : index
        %parallel_loop3A_406 = tpu.vector_load %arg11[%parallel_loop3A_404, %parallel_loop3A_405] {strides = array<i32>} : memref<64x128xf32, #tpu.memory_space<vmem>>, vector<16xf32>,
        tpu.vector_store %arg11[%parallel_loop3A_404, %parallel_loop3A_405], %parallel_loop3A_403 {add = true, strides = array<i32>} : memref<64x128xf32, #tpu.memory_space<vmem>>, vector<16xf32>,
        %parallel_loop3A_407 = tpu.vector_load_idx %arg7[%parallel_loop3A_350, %get3A_173] : memref<64x1000xf32, #tpu.memory_space<vmem>>[vector<16xi32>, vector<16xi32>], vector<16xf32>,
        %parallel_loop3A_408 = arith.index_cast %parallel_loop3A_349 : i32 to index
        %parallel_loop3A_409 = arith.constant 112 : index
        %parallel_loop3A_410 = tpu.vector_load %arg8[%parallel_loop3A_408, %parallel_loop3A_409] {strides = array<i32>} : memref<64x128xf32, #tpu.memory_space<vmem>>, vector<16xf32>,
        %parallel_loop3A_411 = arith.addf %parallel_loop3A_407, %parallel_loop3A_410 : vector<16xf32>
        %parallel_loop3A_412 = arith.index_cast %parallel_loop3A_349 : i32 to index
        %parallel_loop3A_413 = arith.constant 112 : index
        %parallel_loop3A_414 = tpu.vector_load %arg11[%parallel_loop3A_412, %parallel_loop3A_413] {strides = array<i32>} : memref<64x128xf32, #tpu.memory_space<vmem>>, vector<16xf32>,
        tpu.vector_store %arg11[%parallel_loop3A_412, %parallel_loop3A_413], %parallel_loop3A_411 {add = true, strides = array<i32>} : memref<64x128xf32, #tpu.memory_space<vmem>>, vector<16xf32>,
      } {sc.loop_unroll_factor = 2 : i64, sc.parallel_access}
      %dma_start3A_177 = arith.constant 0 : i32
      %dma_start3A_178 = tpu.memref_slice %arg6[%add3A_131, %dma_start3A_177, %mul3A_2] : memref<200x64x4096xf32, #tpu.memory_space<hbm>> -> memref<1x64x128xf32, #tpu.memory_space<hbm>>
      %dma_start3A_179 = tpu.memref_squeeze %dma_start3A_178 : memref<1x64x128xf32, #tpu.memory_space<hbm>> -> memref<64x128xf32, #tpu.memory_space<hbm>>
      %dma_start3A_180 = arith.constant 0 : i32
      %dma_start3A_181 = tpu.memref_slice %arg6[%add3A_131, %dma_start3A_180, %mul3A_2] : memref<200x64x4096xf32, #tpu.memory_space<hbm>> -> memref<1x64x128xf32, #tpu.memory_space<hbm>>
      %dma_start3A_182 = tpu.memref_squeeze %dma_start3A_181 : memref<1x64x128xf32, #tpu.memory_space<hbm>> -> memref<64x128xf32, #tpu.memory_space<hbm>>
      tpu.enqueue_dma source(%arg11 : memref<64x128xf32, #tpu.memory_space<vmem>>) target(%dma_start3A_182 : memref<64x128xf32, #tpu.memory_space<hbm>>) target_semaphore(%arg21 : memref<!tpu.dma_semaphore, #tpu.memory_space<semaphore_mem>>)
      %mul3A_183 = arith.constant 5 : i32
      %mul3A_184 = arith.muli %mul3A_183, %scan3A_73 : i32
      %add3A_185 = arith.constant 2 : i32
      %add3A_186 = arith.addi %mul3A_184, %add3A_185 : i32
      %add3A_187 = arith.constant 3 : i32
      %add3A_188 = arith.addi %add3A_186, %add3A_187 : i32
      %lt3A_189 = arith.constant 200 : i32
      %lt3A_190 = arith.cmpi slt, %add3A_188, %lt3A_189 : i32
      %convert_element_type3A_191 = arith.extui %lt3A_190 : i1 to i32
      %cond3A_192 = arith.constant 0 : i32
      %cond3A_193 = arith.cmpi ne, %convert_element_type3A_191, %cond3A_192 : i32
      scf.if %cond3A_193 {
        %ge3A = arith.constant 2 : i32
        %ge3A_349 = arith.cmpi sge, %add3A_186, %ge3A : i32
        %convert_element_type3A_350 = arith.extui %ge3A_349 : i1 to i32
        %cond3A_351 = arith.constant 0 : i32
        %cond3A_352 = arith.cmpi ne, %convert_element_type3A_350, %cond3A_351 : i32
        scf.if %cond3A_352 {
          %dma_wait3A_361 = arith.constant 0 : i32
          %dma_wait3A_362 = arith.constant 0 : i32
          %dma_wait3A_363 = arith.constant 0 : i32
          %dma_wait3A_364 = tpu.memref_slice %arg6[%dma_wait3A_361, %dma_wait3A_362, %dma_wait3A_363] : memref<200x64x4096xf32, #tpu.memory_space<hbm>> -> memref<1x64x128xf32, #tpu.memory_space<hbm>>
          %dma_wait3A_365 = tpu.memref_squeeze %dma_wait3A_364 : memref<1x64x128xf32, #tpu.memory_space<hbm>> -> memref<64x128xf32, #tpu.memory_space<hbm>>
          %dma_wait3A_366 = arith.constant 0 : i32
          %dma_wait3A_367 = arith.constant 0 : i32
          %dma_wait3A_368 = tpu.memref_slice %arg6[%dma_wait3A_361, %dma_wait3A_366, %dma_wait3A_367] : memref<200x64x4096xf32, #tpu.memory_space<hbm>> -> memref<1x64x128xf32, #tpu.memory_space<hbm>>
          %dma_wait3A_369 = tpu.memref_squeeze %dma_wait3A_368 : memref<1x64x128xf32, #tpu.memory_space<hbm>> -> memref<64x128xf32, #tpu.memory_space<hbm>>
          tpu.wait_dma2 semaphore(%arg20 : memref<!tpu.dma_semaphore, #tpu.memory_space<semaphore_mem>>) src(%arg10 : memref<64x128xf32, #tpu.memory_space<vmem>>) dst(%dma_wait3A_369 : memref<64x128xf32, #tpu.memory_space<hbm>>)
        } else {
        }
        %add3A_353 = arith.constant 3 : i32
        %add3A_354 = arith.addi %add3A_186, %add3A_353 : i32
        %dma_start3A_355 = arith.constant 0 : i32
        %dma_start3A_356 = tpu.memref_slice %arg2[%add3A_354, %dma_start3A_355, %mul3A_2] : memref<200x64x4096xf32, #tpu.memory_space<hbm>> -> memref<1x64x128xf32, #tpu.memory_space<hbm>>
        %dma_start3A_357 = tpu.memref_squeeze %dma_start3A_356 : memref<1x64x128xf32, #tpu.memory_space<hbm>> -> memref<64x128xf32, #tpu.memory_space<hbm>>
        %dma_start3A_358 = arith.constant 0 : i32
        %dma_start3A_359 = tpu.memref_slice %arg2[%add3A_354, %dma_start3A_358, %mul3A_2] : memref<200x64x4096xf32, #tpu.memory_space<hbm>> -> memref<1x64x128xf32, #tpu.memory_space<hbm>>
        %dma_start3A_360 = tpu.memref_squeeze %dma_start3A_359 : memref<1x64x128xf32, #tpu.memory_space<hbm>> -> memref<64x128xf32, #tpu.memory_space<hbm>>
        tpu.enqueue_dma source(%dma_start3A_360 : memref<64x128xf32, #tpu.memory_space<hbm>>) target(%arg10 : memref<64x128xf32, #tpu.memory_space<vmem>>) target_semaphore(%arg15 : memref<!tpu.dma_semaphore, #tpu.memory_space<semaphore_mem>>)
      } else {
      }
      %dma_wait3A_194 = arith.constant 0 : i32
      %dma_wait3A_195 = arith.constant 0 : i32
      %dma_wait3A_196 = arith.constant 0 : i32
      %dma_wait3A_197 = tpu.memref_slice %arg2[%dma_wait3A_194, %dma_wait3A_195, %dma_wait3A_196] : memref<200x64x4096xf32, #tpu.memory_space<hbm>> -> memref<1x64x128xf32, #tpu.memory_space<hbm>>
      %dma_wait3A_198 = tpu.memref_squeeze %dma_wait3A_197 : memref<1x64x128xf32, #tpu.memory_space<hbm>> -> memref<64x128xf32, #tpu.memory_space<hbm>>
      %dma_wait3A_199 = arith.constant 0 : i32
      %dma_wait3A_200 = arith.constant 0 : i32
      %dma_wait3A_201 = tpu.memref_slice %arg2[%dma_wait3A_194, %dma_wait3A_199, %dma_wait3A_200] : memref<200x64x4096xf32, #tpu.memory_space<hbm>> -> memref<1x64x128xf32, #tpu.memory_space<hbm>>
      %dma_wait3A_202 = tpu.memref_squeeze %dma_wait3A_201 : memref<1x64x128xf32, #tpu.memory_space<hbm>> -> memref<64x128xf32, #tpu.memory_space<hbm>>
      tpu.wait_dma2 semaphore(%arg17 : memref<!tpu.dma_semaphore, #tpu.memory_space<semaphore_mem>>) src(%dma_wait3A_202 : memref<64x128xf32, #tpu.memory_space<hbm>>) dst(%arg12 : memref<64x128xf32, #tpu.memory_space<vmem>>)
      %rem3A_203 = arith.constant 100 : i32
      %rem3A_204 = arith.remsi %add3A_186, %rem3A_203 : i32
      %get3A_205 = arith.index_cast %rem3A_204 : i32 to index
      %get3A_206 = arith.constant 0 : index
      %get3A_207 = tpu.vector_load %arg9[%get3A_205, %get3A_206] {strides = array<i32>} : memref<100x128xi32, #tpu.memory_space<vmem>>, vector<16xi32>,
      %get3A_208 = arith.index_cast %rem3A_204 : i32 to index
      %get3A_209 = arith.constant 16 : index
      %get3A_210 = tpu.vector_load %arg9[%get3A_208, %get3A_209] {strides = array<i32>} : memref<100x128xi32, #tpu.memory_space<vmem>>, vector<16xi32>,
      %get3A_211 = arith.index_cast %rem3A_204 : i32 to index
      %get3A_212 = arith.constant 32 : index
      %get3A_213 = tpu.vector_load %arg9[%get3A_211, %get3A_212] {strides = array<i32>} : memref<100x128xi32, #tpu.memory_space<vmem>>, vector<16xi32>,
      %get3A_214 = arith.index_cast %rem3A_204 : i32 to index
      %get3A_215 = arith.constant 48 : index
      %get3A_216 = tpu.vector_load %arg9[%get3A_214, %get3A_215] {strides = array<i32>} : memref<100x128xi32, #tpu.memory_space<vmem>>, vector<16xi32>,
      %get3A_217 = arith.index_cast %rem3A_204 : i32 to index
      %get3A_218 = arith.constant 64 : index
      %get3A_219 = tpu.vector_load %arg9[%get3A_217, %get3A_218] {strides = array<i32>} : memref<100x128xi32, #tpu.memory_space<vmem>>, vector<16xi32>,
      %get3A_220 = arith.index_cast %rem3A_204 : i32 to index
      %get3A_221 = arith.constant 80 : index
      %get3A_222 = tpu.vector_load %arg9[%get3A_220, %get3A_221] {strides = array<i32>} : memref<100x128xi32, #tpu.memory_space<vmem>>, vector<16xi32>,
      %get3A_223 = arith.index_cast %rem3A_204 : i32 to index
      %get3A_224 = arith.constant 96 : index
      %get3A_225 = tpu.vector_load %arg9[%get3A_223, %get3A_224] {strides = array<i32>} : memref<100x128xi32, #tpu.memory_space<vmem>>, vector<16xi32>,
      %get3A_226 = arith.index_cast %rem3A_204 : i32 to index
      %get3A_227 = arith.constant 112 : index
      %get3A_228 = tpu.vector_load %arg9[%get3A_226, %get3A_227] {strides = array<i32>} : memref<100x128xi32, #tpu.memory_space<vmem>>, vector<16xi32>,
      %parallel_loop3A_229 = arith.constant 0 : i32
      %parallel_loop3A_230 = arith.constant 64 : i32
      %parallel_loop3A_231 = arith.constant 1 : i32
      scf.for %parallel_loop3A_349 = %parallel_loop3A_229 to %parallel_loop3A_230 step %parallel_loop3A_231  : i32 {
        %parallel_loop3A_350 = vector.broadcast %parallel_loop3A_349 : i32 to vector<16xi32>
        %parallel_loop3A_351 = tpu.vector_load_idx %arg7[%parallel_loop3A_350, %get3A_207] : memref<64x1000xf32, #tpu.memory_space<vmem>>[vector<16xi32>, vector<16xi32>], vector<16xf32>,
        %parallel_loop3A_352 = arith.index_cast %parallel_loop3A_349 : i32 to index
        %parallel_loop3A_353 = arith.constant 0 : index
        %parallel_loop3A_354 = tpu.vector_load %arg8[%parallel_loop3A_352, %parallel_loop3A_353] {strides = array<i32>} : memref<64x128xf32, #tpu.memory_space<vmem>>, vector<16xf32>,
        %parallel_loop3A_355 = arith.addf %parallel_loop3A_351, %parallel_loop3A_354 : vector<16xf32>
        %parallel_loop3A_356 = arith.index_cast %parallel_loop3A_349 : i32 to index
        %parallel_loop3A_357 = arith.constant 0 : index
        %parallel_loop3A_358 = tpu.vector_load %arg12[%parallel_loop3A_356, %parallel_loop3A_357] {strides = array<i32>} : memref<64x128xf32, #tpu.memory_space<vmem>>, vector<16xf32>,
        tpu.vector_store %arg12[%parallel_loop3A_356, %parallel_loop3A_357], %parallel_loop3A_355 {add = true, strides = array<i32>} : memref<64x128xf32, #tpu.memory_space<vmem>>, vector<16xf32>,
        %parallel_loop3A_359 = tpu.vector_load_idx %arg7[%parallel_loop3A_350, %get3A_210] : memref<64x1000xf32, #tpu.memory_space<vmem>>[vector<16xi32>, vector<16xi32>], vector<16xf32>,
        %parallel_loop3A_360 = arith.index_cast %parallel_loop3A_349 : i32 to index
        %parallel_loop3A_361 = arith.constant 16 : index
        %parallel_loop3A_362 = tpu.vector_load %arg8[%parallel_loop3A_360, %parallel_loop3A_361] {strides = array<i32>} : memref<64x128xf32, #tpu.memory_space<vmem>>, vector<16xf32>,
        %parallel_loop3A_363 = arith.addf %parallel_loop3A_359, %parallel_loop3A_362 : vector<16xf32>
        %parallel_loop3A_364 = arith.index_cast %parallel_loop3A_349 : i32 to index
        %parallel_loop3A_365 = arith.constant 16 : index
        %parallel_loop3A_366 = tpu.vector_load %arg12[%parallel_loop3A_364, %parallel_loop3A_365] {strides = array<i32>} : memref<64x128xf32, #tpu.memory_space<vmem>>, vector<16xf32>,
        tpu.vector_store %arg12[%parallel_loop3A_364, %parallel_loop3A_365], %parallel_loop3A_363 {add = true, strides = array<i32>} : memref<64x128xf32, #tpu.memory_space<vmem>>, vector<16xf32>,
        %parallel_loop3A_367 = tpu.vector_load_idx %arg7[%parallel_loop3A_350, %get3A_213] : memref<64x1000xf32, #tpu.memory_space<vmem>>[vector<16xi32>, vector<16xi32>], vector<16xf32>,
        %parallel_loop3A_368 = arith.index_cast %parallel_loop3A_349 : i32 to index
        %parallel_loop3A_369 = arith.constant 32 : index
        %parallel_loop3A_370 = tpu.vector_load %arg8[%parallel_loop3A_368, %parallel_loop3A_369] {strides = array<i32>} : memref<64x128xf32, #tpu.memory_space<vmem>>, vector<16xf32>,
        %parallel_loop3A_371 = arith.addf %parallel_loop3A_367, %parallel_loop3A_370 : vector<16xf32>
        %parallel_loop3A_372 = arith.index_cast %parallel_loop3A_349 : i32 to index
        %parallel_loop3A_373 = arith.constant 32 : index
        %parallel_loop3A_374 = tpu.vector_load %arg12[%parallel_loop3A_372, %parallel_loop3A_373] {strides = array<i32>} : memref<64x128xf32, #tpu.memory_space<vmem>>, vector<16xf32>,
        tpu.vector_store %arg12[%parallel_loop3A_372, %parallel_loop3A_373], %parallel_loop3A_371 {add = true, strides = array<i32>} : memref<64x128xf32, #tpu.memory_space<vmem>>, vector<16xf32>,
        %parallel_loop3A_375 = tpu.vector_load_idx %arg7[%parallel_loop3A_350, %get3A_216] : memref<64x1000xf32, #tpu.memory_space<vmem>>[vector<16xi32>, vector<16xi32>], vector<16xf32>,
        %parallel_loop3A_376 = arith.index_cast %parallel_loop3A_349 : i32 to index
        %parallel_loop3A_377 = arith.constant 48 : index
        %parallel_loop3A_378 = tpu.vector_load %arg8[%parallel_loop3A_376, %parallel_loop3A_377] {strides = array<i32>} : memref<64x128xf32, #tpu.memory_space<vmem>>, vector<16xf32>,
        %parallel_loop3A_379 = arith.addf %parallel_loop3A_375, %parallel_loop3A_378 : vector<16xf32>
        %parallel_loop3A_380 = arith.index_cast %parallel_loop3A_349 : i32 to index
        %parallel_loop3A_381 = arith.constant 48 : index
        %parallel_loop3A_382 = tpu.vector_load %arg12[%parallel_loop3A_380, %parallel_loop3A_381] {strides = array<i32>} : memref<64x128xf32, #tpu.memory_space<vmem>>, vector<16xf32>,
        tpu.vector_store %arg12[%parallel_loop3A_380, %parallel_loop3A_381], %parallel_loop3A_379 {add = true, strides = array<i32>} : memref<64x128xf32, #tpu.memory_space<vmem>>, vector<16xf32>,
        %parallel_loop3A_383 = tpu.vector_load_idx %arg7[%parallel_loop3A_350, %get3A_219] : memref<64x1000xf32, #tpu.memory_space<vmem>>[vector<16xi32>, vector<16xi32>], vector<16xf32>,
        %parallel_loop3A_384 = arith.index_cast %parallel_loop3A_349 : i32 to index
        %parallel_loop3A_385 = arith.constant 64 : index
        %parallel_loop3A_386 = tpu.vector_load %arg8[%parallel_loop3A_384, %parallel_loop3A_385] {strides = array<i32>} : memref<64x128xf32, #tpu.memory_space<vmem>>, vector<16xf32>,
        %parallel_loop3A_387 = arith.addf %parallel_loop3A_383, %parallel_loop3A_386 : vector<16xf32>
        %parallel_loop3A_388 = arith.index_cast %parallel_loop3A_349 : i32 to index
        %parallel_loop3A_389 = arith.constant 64 : index
        %parallel_loop3A_390 = tpu.vector_load %arg12[%parallel_loop3A_388, %parallel_loop3A_389] {strides = array<i32>} : memref<64x128xf32, #tpu.memory_space<vmem>>, vector<16xf32>,
        tpu.vector_store %arg12[%parallel_loop3A_388, %parallel_loop3A_389], %parallel_loop3A_387 {add = true, strides = array<i32>} : memref<64x128xf32, #tpu.memory_space<vmem>>, vector<16xf32>,
        %parallel_loop3A_391 = tpu.vector_load_idx %arg7[%parallel_loop3A_350, %get3A_222] : memref<64x1000xf32, #tpu.memory_space<vmem>>[vector<16xi32>, vector<16xi32>], vector<16xf32>,
        %parallel_loop3A_392 = arith.index_cast %parallel_loop3A_349 : i32 to index
        %parallel_loop3A_393 = arith.constant 80 : index
        %parallel_loop3A_394 = tpu.vector_load %arg8[%parallel_loop3A_392, %parallel_loop3A_393] {strides = array<i32>} : memref<64x128xf32, #tpu.memory_space<vmem>>, vector<16xf32>,
        %parallel_loop3A_395 = arith.addf %parallel_loop3A_391, %parallel_loop3A_394 : vector<16xf32>
        %parallel_loop3A_396 = arith.index_cast %parallel_loop3A_349 : i32 to index
        %parallel_loop3A_397 = arith.constant 80 : index
        %parallel_loop3A_398 = tpu.vector_load %arg12[%parallel_loop3A_396, %parallel_loop3A_397] {strides = array<i32>} : memref<64x128xf32, #tpu.memory_space<vmem>>, vector<16xf32>,
        tpu.vector_store %arg12[%parallel_loop3A_396, %parallel_loop3A_397], %parallel_loop3A_395 {add = true, strides = array<i32>} : memref<64x128xf32, #tpu.memory_space<vmem>>, vector<16xf32>,
        %parallel_loop3A_399 = tpu.vector_load_idx %arg7[%parallel_loop3A_350, %get3A_225] : memref<64x1000xf32, #tpu.memory_space<vmem>>[vector<16xi32>, vector<16xi32>], vector<16xf32>,
        %parallel_loop3A_400 = arith.index_cast %parallel_loop3A_349 : i32 to index
        %parallel_loop3A_401 = arith.constant 96 : index
        %parallel_loop3A_402 = tpu.vector_load %arg8[%parallel_loop3A_400, %parallel_loop3A_401] {strides = array<i32>} : memref<64x128xf32, #tpu.memory_space<vmem>>, vector<16xf32>,
        %parallel_loop3A_403 = arith.addf %parallel_loop3A_399, %parallel_loop3A_402 : vector<16xf32>
        %parallel_loop3A_404 = arith.index_cast %parallel_loop3A_349 : i32 to index
        %parallel_loop3A_405 = arith.constant 96 : index
        %parallel_loop3A_406 = tpu.vector_load %arg12[%parallel_loop3A_404, %parallel_loop3A_405] {strides = array<i32>} : memref<64x128xf32, #tpu.memory_space<vmem>>, vector<16xf32>,
        tpu.vector_store %arg12[%parallel_loop3A_404, %parallel_loop3A_405], %parallel_loop3A_403 {add = true, strides = array<i32>} : memref<64x128xf32, #tpu.memory_space<vmem>>, vector<16xf32>,
        %parallel_loop3A_407 = tpu.vector_load_idx %arg7[%parallel_loop3A_350, %get3A_228] : memref<64x1000xf32, #tpu.memory_space<vmem>>[vector<16xi32>, vector<16xi32>], vector<16xf32>,
        %parallel_loop3A_408 = arith.index_cast %parallel_loop3A_349 : i32 to index
        %parallel_loop3A_409 = arith.constant 112 : index
        %parallel_loop3A_410 = tpu.vector_load %arg8[%parallel_loop3A_408, %parallel_loop3A_409] {strides = array<i32>} : memref<64x128xf32, #tpu.memory_space<vmem>>, vector<16xf32>,
        %parallel_loop3A_411 = arith.addf %parallel_loop3A_407, %parallel_loop3A_410 : vector<16xf32>
        %parallel_loop3A_412 = arith.index_cast %parallel_loop3A_349 : i32 to index
        %parallel_loop3A_413 = arith.constant 112 : index
        %parallel_loop3A_414 = tpu.vector_load %arg12[%parallel_loop3A_412, %parallel_loop3A_413] {strides = array<i32>} : memref<64x128xf32, #tpu.memory_space<vmem>>, vector<16xf32>,
        tpu.vector_store %arg12[%parallel_loop3A_412, %parallel_loop3A_413], %parallel_loop3A_411 {add = true, strides = array<i32>} : memref<64x128xf32, #tpu.memory_space<vmem>>, vector<16xf32>,
      } {sc.loop_unroll_factor = 2 : i64, sc.parallel_access}
      %dma_start3A_232 = arith.constant 0 : i32
      %dma_start3A_233 = tpu.memref_slice %arg6[%add3A_186, %dma_start3A_232, %mul3A_2] : memref<200x64x4096xf32, #tpu.memory_space<hbm>> -> memref<1x64x128xf32, #tpu.memory_space<hbm>>
      %dma_start3A_234 = tpu.memref_squeeze %dma_start3A_233 : memref<1x64x128xf32, #tpu.memory_space<hbm>> -> memref<64x128xf32, #tpu.memory_space<hbm>>
      %dma_start3A_235 = arith.constant 0 : i32
      %dma_start3A_236 = tpu.memref_slice %arg6[%add3A_186, %dma_start3A_235, %mul3A_2] : memref<200x64x4096xf32, #tpu.memory_space<hbm>> -> memref<1x64x128xf32, #tpu.memory_space<hbm>>
      %dma_start3A_237 = tpu.memref_squeeze %dma_start3A_236 : memref<1x64x128xf32, #tpu.memory_space<hbm>> -> memref<64x128xf32, #tpu.memory_space<hbm>>
      tpu.enqueue_dma source(%arg12 : memref<64x128xf32, #tpu.memory_space<vmem>>) target(%dma_start3A_237 : memref<64x128xf32, #tpu.memory_space<hbm>>) target_semaphore(%arg22 : memref<!tpu.dma_semaphore, #tpu.memory_space<semaphore_mem>>)
      %mul3A_238 = arith.constant 5 : i32
      %mul3A_239 = arith.muli %mul3A_238, %scan3A_73 : i32
      %add3A_240 = arith.constant 3 : i32
      %add3A_241 = arith.addi %mul3A_239, %add3A_240 : i32
      %add3A_242 = arith.constant 3 : i32
      %add3A_243 = arith.addi %add3A_241, %add3A_242 : i32
      %lt3A_244 = arith.constant 200 : i32
      %lt3A_245 = arith.cmpi slt, %add3A_243, %lt3A_244 : i32
      %convert_element_type3A_246 = arith.extui %lt3A_245 : i1 to i32
      %cond3A_247 = arith.constant 0 : i32
      %cond3A_248 = arith.cmpi ne, %convert_element_type3A_246, %cond3A_247 : i32
      scf.if %cond3A_248 {
        %ge3A = arith.constant 2 : i32
        %ge3A_349 = arith.cmpi sge, %add3A_241, %ge3A : i32
        %convert_element_type3A_350 = arith.extui %ge3A_349 : i1 to i32
        %cond3A_351 = arith.constant 0 : i32
        %cond3A_352 = arith.cmpi ne, %convert_element_type3A_350, %cond3A_351 : i32
        scf.if %cond3A_352 {
          %dma_wait3A_361 = arith.constant 0 : i32
          %dma_wait3A_362 = arith.constant 0 : i32
          %dma_wait3A_363 = arith.constant 0 : i32
          %dma_wait3A_364 = tpu.memref_slice %arg6[%dma_wait3A_361, %dma_wait3A_362, %dma_wait3A_363] : memref<200x64x4096xf32, #tpu.memory_space<hbm>> -> memref<1x64x128xf32, #tpu.memory_space<hbm>>
          %dma_wait3A_365 = tpu.memref_squeeze %dma_wait3A_364 : memref<1x64x128xf32, #tpu.memory_space<hbm>> -> memref<64x128xf32, #tpu.memory_space<hbm>>
          %dma_wait3A_366 = arith.constant 0 : i32
          %dma_wait3A_367 = arith.constant 0 : i32
          %dma_wait3A_368 = tpu.memref_slice %arg6[%dma_wait3A_361, %dma_wait3A_366, %dma_wait3A_367] : memref<200x64x4096xf32, #tpu.memory_space<hbm>> -> memref<1x64x128xf32, #tpu.memory_space<hbm>>
          %dma_wait3A_369 = tpu.memref_squeeze %dma_wait3A_368 : memref<1x64x128xf32, #tpu.memory_space<hbm>> -> memref<64x128xf32, #tpu.memory_space<hbm>>
          tpu.wait_dma2 semaphore(%arg21 : memref<!tpu.dma_semaphore, #tpu.memory_space<semaphore_mem>>) src(%arg11 : memref<64x128xf32, #tpu.memory_space<vmem>>) dst(%dma_wait3A_369 : memref<64x128xf32, #tpu.memory_space<hbm>>)
        } else {
        }
        %add3A_353 = arith.constant 3 : i32
        %add3A_354 = arith.addi %add3A_241, %add3A_353 : i32
        %dma_start3A_355 = arith.constant 0 : i32
        %dma_start3A_356 = tpu.memref_slice %arg2[%add3A_354, %dma_start3A_355, %mul3A_2] : memref<200x64x4096xf32, #tpu.memory_space<hbm>> -> memref<1x64x128xf32, #tpu.memory_space<hbm>>
        %dma_start3A_357 = tpu.memref_squeeze %dma_start3A_356 : memref<1x64x128xf32, #tpu.memory_space<hbm>> -> memref<64x128xf32, #tpu.memory_space<hbm>>
        %dma_start3A_358 = arith.constant 0 : i32
        %dma_start3A_359 = tpu.memref_slice %arg2[%add3A_354, %dma_start3A_358, %mul3A_2] : memref<200x64x4096xf32, #tpu.memory_space<hbm>> -> memref<1x64x128xf32, #tpu.memory_space<hbm>>
        %dma_start3A_360 = tpu.memref_squeeze %dma_start3A_359 : memref<1x64x128xf32, #tpu.memory_space<hbm>> -> memref<64x128xf32, #tpu.memory_space<hbm>>
        tpu.enqueue_dma source(%dma_start3A_360 : memref<64x128xf32, #tpu.memory_space<hbm>>) target(%arg11 : memref<64x128xf32, #tpu.memory_space<vmem>>) target_semaphore(%arg16 : memref<!tpu.dma_semaphore, #tpu.memory_space<semaphore_mem>>)
      } else {
      }
      %dma_wait3A_249 = arith.constant 0 : i32
      %dma_wait3A_250 = arith.constant 0 : i32
      %dma_wait3A_251 = arith.constant 0 : i32
      %dma_wait3A_252 = tpu.memref_slice %arg2[%dma_wait3A_249, %dma_wait3A_250, %dma_wait3A_251] : memref<200x64x4096xf32, #tpu.memory_space<hbm>> -> memref<1x64x128xf32, #tpu.memory_space<hbm>>
      %dma_wait3A_253 = tpu.memref_squeeze %dma_wait3A_252 : memref<1x64x128xf32, #tpu.memory_space<hbm>> -> memref<64x128xf32, #tpu.memory_space<hbm>>
      %dma_wait3A_254 = arith.constant 0 : i32
      %dma_wait3A_255 = arith.constant 0 : i32
      %dma_wait3A_256 = tpu.memref_slice %arg2[%dma_wait3A_249, %dma_wait3A_254, %dma_wait3A_255] : memref<200x64x4096xf32, #tpu.memory_space<hbm>> -> memref<1x64x128xf32, #tpu.memory_space<hbm>>
      %dma_wait3A_257 = tpu.memref_squeeze %dma_wait3A_256 : memref<1x64x128xf32, #tpu.memory_space<hbm>> -> memref<64x128xf32, #tpu.memory_space<hbm>>
      tpu.wait_dma2 semaphore(%arg18 : memref<!tpu.dma_semaphore, #tpu.memory_space<semaphore_mem>>) src(%dma_wait3A_257 : memref<64x128xf32, #tpu.memory_space<hbm>>) dst(%arg13 : memref<64x128xf32, #tpu.memory_space<vmem>>)
      %rem3A_258 = arith.constant 100 : i32
      %rem3A_259 = arith.remsi %add3A_241, %rem3A_258 : i32
      %get3A_260 = arith.index_cast %rem3A_259 : i32 to index
      %get3A_261 = arith.constant 0 : index
      %get3A_262 = tpu.vector_load %arg9[%get3A_260, %get3A_261] {strides = array<i32>} : memref<100x128xi32, #tpu.memory_space<vmem>>, vector<16xi32>,
      %get3A_263 = arith.index_cast %rem3A_259 : i32 to index
      %get3A_264 = arith.constant 16 : index
      %get3A_265 = tpu.vector_load %arg9[%get3A_263, %get3A_264] {strides = array<i32>} : memref<100x128xi32, #tpu.memory_space<vmem>>, vector<16xi32>,
      %get3A_266 = arith.index_cast %rem3A_259 : i32 to index
      %get3A_267 = arith.constant 32 : index
      %get3A_268 = tpu.vector_load %arg9[%get3A_266, %get3A_267] {strides = array<i32>} : memref<100x128xi32, #tpu.memory_space<vmem>>, vector<16xi32>,
      %get3A_269 = arith.index_cast %rem3A_259 : i32 to index
      %get3A_270 = arith.constant 48 : index
      %get3A_271 = tpu.vector_load %arg9[%get3A_269, %get3A_270] {strides = array<i32>} : memref<100x128xi32, #tpu.memory_space<vmem>>, vector<16xi32>,
      %get3A_272 = arith.index_cast %rem3A_259 : i32 to index
      %get3A_273 = arith.constant 64 : index
      %get3A_274 = tpu.vector_load %arg9[%get3A_272, %get3A_273] {strides = array<i32>} : memref<100x128xi32, #tpu.memory_space<vmem>>, vector<16xi32>,
      %get3A_275 = arith.index_cast %rem3A_259 : i32 to index
      %get3A_276 = arith.constant 80 : index
      %get3A_277 = tpu.vector_load %arg9[%get3A_275, %get3A_276] {strides = array<i32>} : memref<100x128xi32, #tpu.memory_space<vmem>>, vector<16xi32>,
      %get3A_278 = arith.index_cast %rem3A_259 : i32 to index
      %get3A_279 = arith.constant 96 : index
      %get3A_280 = tpu.vector_load %arg9[%get3A_278, %get3A_279] {strides = array<i32>} : memref<100x128xi32, #tpu.memory_space<vmem>>, vector<16xi32>,
      %get3A_281 = arith.index_cast %rem3A_259 : i32 to index
      %get3A_282 = arith.constant 112 : index
      %get3A_283 = tpu.vector_load %arg9[%get3A_281, %get3A_282] {strides = array<i32>} : memref<100x128xi32, #tpu.memory_space<vmem>>, vector<16xi32>,
      %parallel_loop3A_284 = arith.constant 0 : i32
      %parallel_loop3A_285 = arith.constant 64 : i32
      %parallel_loop3A_286 = arith.constant 1 : i32
      scf.for %parallel_loop3A_349 = %parallel_loop3A_284 to %parallel_loop3A_285 step %parallel_loop3A_286  : i32 {
        %parallel_loop3A_350 = vector.broadcast %parallel_loop3A_349 : i32 to vector<16xi32>
        %parallel_loop3A_351 = tpu.vector_load_idx %arg7[%parallel_loop3A_350, %get3A_262] : memref<64x1000xf32, #tpu.memory_space<vmem>>[vector<16xi32>, vector<16xi32>], vector<16xf32>,
        %parallel_loop3A_352 = arith.index_cast %parallel_loop3A_349 : i32 to index
        %parallel_loop3A_353 = arith.constant 0 : index
        %parallel_loop3A_354 = tpu.vector_load %arg8[%parallel_loop3A_352, %parallel_loop3A_353] {strides = array<i32>} : memref<64x128xf32, #tpu.memory_space<vmem>>, vector<16xf32>,
        %parallel_loop3A_355 = arith.addf %parallel_loop3A_351, %parallel_loop3A_354 : vector<16xf32>
        %parallel_loop3A_356 = arith.index_cast %parallel_loop3A_349 : i32 to index
        %parallel_loop3A_357 = arith.constant 0 : index
        %parallel_loop3A_358 = tpu.vector_load %arg13[%parallel_loop3A_356, %parallel_loop3A_357] {strides = array<i32>} : memref<64x128xf32, #tpu.memory_space<vmem>>, vector<16xf32>,
        tpu.vector_store %arg13[%parallel_loop3A_356, %parallel_loop3A_357], %parallel_loop3A_355 {add = true, strides = array<i32>} : memref<64x128xf32, #tpu.memory_space<vmem>>, vector<16xf32>,
        %parallel_loop3A_359 = tpu.vector_load_idx %arg7[%parallel_loop3A_350, %get3A_265] : memref<64x1000xf32, #tpu.memory_space<vmem>>[vector<16xi32>, vector<16xi32>], vector<16xf32>,
        %parallel_loop3A_360 = arith.index_cast %parallel_loop3A_349 : i32 to index
        %parallel_loop3A_361 = arith.constant 16 : index
        %parallel_loop3A_362 = tpu.vector_load %arg8[%parallel_loop3A_360, %parallel_loop3A_361] {strides = array<i32>} : memref<64x128xf32, #tpu.memory_space<vmem>>, vector<16xf32>,
        %parallel_loop3A_363 = arith.addf %parallel_loop3A_359, %parallel_loop3A_362 : vector<16xf32>
        %parallel_loop3A_364 = arith.index_cast %parallel_loop3A_349 : i32 to index
        %parallel_loop3A_365 = arith.constant 16 : index
        %parallel_loop3A_366 = tpu.vector_load %arg13[%parallel_loop3A_364, %parallel_loop3A_365] {strides = array<i32>} : memref<64x128xf32, #tpu.memory_space<vmem>>, vector<16xf32>,
        tpu.vector_store %arg13[%parallel_loop3A_364, %parallel_loop3A_365], %parallel_loop3A_363 {add = true, strides = array<i32>} : memref<64x128xf32, #tpu.memory_space<vmem>>, vector<16xf32>,
        %parallel_loop3A_367 = tpu.vector_load_idx %arg7[%parallel_loop3A_350, %get3A_268] : memref<64x1000xf32, #tpu.memory_space<vmem>>[vector<16xi32>, vector<16xi32>], vector<16xf32>,
        %parallel_loop3A_368 = arith.index_cast %parallel_loop3A_349 : i32 to index
        %parallel_loop3A_369 = arith.constant 32 : index
        %parallel_loop3A_370 = tpu.vector_load %arg8[%parallel_loop3A_368, %parallel_loop3A_369] {strides = array<i32>} : memref<64x128xf32, #tpu.memory_space<vmem>>, vector<16xf32>,
        %parallel_loop3A_371 = arith.addf %parallel_loop3A_367, %parallel_loop3A_370 : vector<16xf32>
        %parallel_loop3A_372 = arith.index_cast %parallel_loop3A_349 : i32 to index
        %parallel_loop3A_373 = arith.constant 32 : index
        %parallel_loop3A_374 = tpu.vector_load %arg13[%parallel_loop3A_372, %parallel_loop3A_373] {strides = array<i32>} : memref<64x128xf32, #tpu.memory_space<vmem>>, vector<16xf32>,
        tpu.vector_store %arg13[%parallel_loop3A_372, %parallel_loop3A_373], %parallel_loop3A_371 {add = true, strides = array<i32>} : memref<64x128xf32, #tpu.memory_space<vmem>>, vector<16xf32>,
        %parallel_loop3A_375 = tpu.vector_load_idx %arg7[%parallel_loop3A_350, %get3A_271] : memref<64x1000xf32, #tpu.memory_space<vmem>>[vector<16xi32>, vector<16xi32>], vector<16xf32>,
        %parallel_loop3A_376 = arith.index_cast %parallel_loop3A_349 : i32 to index
        %parallel_loop3A_377 = arith.constant 48 : index
        %parallel_loop3A_378 = tpu.vector_load %arg8[%parallel_loop3A_376, %parallel_loop3A_377] {strides = array<i32>} : memref<64x128xf32, #tpu.memory_space<vmem>>, vector<16xf32>,
        %parallel_loop3A_379 = arith.addf %parallel_loop3A_375, %parallel_loop3A_378 : vector<16xf32>
        %parallel_loop3A_380 = arith.index_cast %parallel_loop3A_349 : i32 to index
        %parallel_loop3A_381 = arith.constant 48 : index
        %parallel_loop3A_382 = tpu.vector_load %arg13[%parallel_loop3A_380, %parallel_loop3A_381] {strides = array<i32>} : memref<64x128xf32, #tpu.memory_space<vmem>>, vector<16xf32>,
        tpu.vector_store %arg13[%parallel_loop3A_380, %parallel_loop3A_381], %parallel_loop3A_379 {add = true, strides = array<i32>} : memref<64x128xf32, #tpu.memory_space<vmem>>, vector<16xf32>,
        %parallel_loop3A_383 = tpu.vector_load_idx %arg7[%parallel_loop3A_350, %get3A_274] : memref<64x1000xf32, #tpu.memory_space<vmem>>[vector<16xi32>, vector<16xi32>], vector<16xf32>,
        %parallel_loop3A_384 = arith.index_cast %parallel_loop3A_349 : i32 to index
        %parallel_loop3A_385 = arith.constant 64 : index
        %parallel_loop3A_386 = tpu.vector_load %arg8[%parallel_loop3A_384, %parallel_loop3A_385] {strides = array<i32>} : memref<64x128xf32, #tpu.memory_space<vmem>>, vector<16xf32>,
        %parallel_loop3A_387 = arith.addf %parallel_loop3A_383, %parallel_loop3A_386 : vector<16xf32>
        %parallel_loop3A_388 = arith.index_cast %parallel_loop3A_349 : i32 to index
        %parallel_loop3A_389 = arith.constant 64 : index
        %parallel_loop3A_390 = tpu.vector_load %arg13[%parallel_loop3A_388, %parallel_loop3A_389] {strides = array<i32>} : memref<64x128xf32, #tpu.memory_space<vmem>>, vector<16xf32>,
        tpu.vector_store %arg13[%parallel_loop3A_388, %parallel_loop3A_389], %parallel_loop3A_387 {add = true, strides = array<i32>} : memref<64x128xf32, #tpu.memory_space<vmem>>, vector<16xf32>,
        %parallel_loop3A_391 = tpu.vector_load_idx %arg7[%parallel_loop3A_350, %get3A_277] : memref<64x1000xf32, #tpu.memory_space<vmem>>[vector<16xi32>, vector<16xi32>], vector<16xf32>,
        %parallel_loop3A_392 = arith.index_cast %parallel_loop3A_349 : i32 to index
        %parallel_loop3A_393 = arith.constant 80 : index
        %parallel_loop3A_394 = tpu.vector_load %arg8[%parallel_loop3A_392, %parallel_loop3A_393] {strides = array<i32>} : memref<64x128xf32, #tpu.memory_space<vmem>>, vector<16xf32>,
        %parallel_loop3A_395 = arith.addf %parallel_loop3A_391, %parallel_loop3A_394 : vector<16xf32>
        %parallel_loop3A_396 = arith.index_cast %parallel_loop3A_349 : i32 to index
        %parallel_loop3A_397 = arith.constant 80 : index
        %parallel_loop3A_398 = tpu.vector_load %arg13[%parallel_loop3A_396, %parallel_loop3A_397] {strides = array<i32>} : memref<64x128xf32, #tpu.memory_space<vmem>>, vector<16xf32>,
        tpu.vector_store %arg13[%parallel_loop3A_396, %parallel_loop3A_397], %parallel_loop3A_395 {add = true, strides = array<i32>} : memref<64x128xf32, #tpu.memory_space<vmem>>, vector<16xf32>,
        %parallel_loop3A_399 = tpu.vector_load_idx %arg7[%parallel_loop3A_350, %get3A_280] : memref<64x1000xf32, #tpu.memory_space<vmem>>[vector<16xi32>, vector<16xi32>], vector<16xf32>,
        %parallel_loop3A_400 = arith.index_cast %parallel_loop3A_349 : i32 to index
        %parallel_loop3A_401 = arith.constant 96 : index
        %parallel_loop3A_402 = tpu.vector_load %arg8[%parallel_loop3A_400, %parallel_loop3A_401] {strides = array<i32>} : memref<64x128xf32, #tpu.memory_space<vmem>>, vector<16xf32>,
        %parallel_loop3A_403 = arith.addf %parallel_loop3A_399, %parallel_loop3A_402 : vector<16xf32>
        %parallel_loop3A_404 = arith.index_cast %parallel_loop3A_349 : i32 to index
        %parallel_loop3A_405 = arith.constant 96 : index
        %parallel_loop3A_406 = tpu.vector_load %arg13[%parallel_loop3A_404, %parallel_loop3A_405] {strides = array<i32>} : memref<64x128xf32, #tpu.memory_space<vmem>>, vector<16xf32>,
        tpu.vector_store %arg13[%parallel_loop3A_404, %parallel_loop3A_405], %parallel_loop3A_403 {add = true, strides = array<i32>} : memref<64x128xf32, #tpu.memory_space<vmem>>, vector<16xf32>,
        %parallel_loop3A_407 = tpu.vector_load_idx %arg7[%parallel_loop3A_350, %get3A_283] : memref<64x1000xf32, #tpu.memory_space<vmem>>[vector<16xi32>, vector<16xi32>], vector<16xf32>,
        %parallel_loop3A_408 = arith.index_cast %parallel_loop3A_349 : i32 to index
        %parallel_loop3A_409 = arith.constant 112 : index
        %parallel_loop3A_410 = tpu.vector_load %arg8[%parallel_loop3A_408, %parallel_loop3A_409] {strides = array<i32>} : memref<64x128xf32, #tpu.memory_space<vmem>>, vector<16xf32>,
        %parallel_loop3A_411 = arith.addf %parallel_loop3A_407, %parallel_loop3A_410 : vector<16xf32>
        %parallel_loop3A_412 = arith.index_cast %parallel_loop3A_349 : i32 to index
        %parallel_loop3A_413 = arith.constant 112 : index
        %parallel_loop3A_414 = tpu.vector_load %arg13[%parallel_loop3A_412, %parallel_loop3A_413] {strides = array<i32>} : memref<64x128xf32, #tpu.memory_space<vmem>>, vector<16xf32>,
        tpu.vector_store %arg13[%parallel_loop3A_412, %parallel_loop3A_413], %parallel_loop3A_411 {add = true, strides = array<i32>} : memref<64x128xf32, #tpu.memory_space<vmem>>, vector<16xf32>,
      } {sc.loop_unroll_factor = 2 : i64, sc.parallel_access}
      %dma_start3A_287 = arith.constant 0 : i32
      %dma_start3A_288 = tpu.memref_slice %arg6[%add3A_241, %dma_start3A_287, %mul3A_2] : memref<200x64x4096xf32, #tpu.memory_space<hbm>> -> memref<1x64x128xf32, #tpu.memory_space<hbm>>
      %dma_start3A_289 = tpu.memref_squeeze %dma_start3A_288 : memref<1x64x128xf32, #tpu.memory_space<hbm>> -> memref<64x128xf32, #tpu.memory_space<hbm>>
      %dma_start3A_290 = arith.constant 0 : i32
      %dma_start3A_291 = tpu.memref_slice %arg6[%add3A_241, %dma_start3A_290, %mul3A_2] : memref<200x64x4096xf32, #tpu.memory_space<hbm>> -> memref<1x64x128xf32, #tpu.memory_space<hbm>>
      %dma_start3A_292 = tpu.memref_squeeze %dma_start3A_291 : memref<1x64x128xf32, #tpu.memory_space<hbm>> -> memref<64x128xf32, #tpu.memory_space<hbm>>
      tpu.enqueue_dma source(%arg13 : memref<64x128xf32, #tpu.memory_space<vmem>>) target(%dma_start3A_292 : memref<64x128xf32, #tpu.memory_space<hbm>>) target_semaphore(%arg23 : memref<!tpu.dma_semaphore, #tpu.memory_space<semaphore_mem>>)
      %mul3A_293 = arith.constant 5 : i32
      %mul3A_294 = arith.muli %mul3A_293, %scan3A_73 : i32
      %add3A_295 = arith.constant 4 : i32
      %add3A_296 = arith.addi %mul3A_294, %add3A_295 : i32
      %add3A_297 = arith.constant 3 : i32
      %add3A_298 = arith.addi %add3A_296, %add3A_297 : i32
      %lt3A_299 = arith.constant 200 : i32
      %lt3A_300 = arith.cmpi slt, %add3A_298, %lt3A_299 : i32
      %convert_element_type3A_301 = arith.extui %lt3A_300 : i1 to i32
      %cond3A_302 = arith.constant 0 : i32
      %cond3A_303 = arith.cmpi ne, %convert_element_type3A_301, %cond3A_302 : i32
      scf.if %cond3A_303 {
        %ge3A = arith.constant 2 : i32
        %ge3A_349 = arith.cmpi sge, %add3A_296, %ge3A : i32
        %convert_element_type3A_350 = arith.extui %ge3A_349 : i1 to i32
        %cond3A_351 = arith.constant 0 : i32
        %cond3A_352 = arith.cmpi ne, %convert_element_type3A_350, %cond3A_351 : i32
        scf.if %cond3A_352 {
          %dma_wait3A_361 = arith.constant 0 : i32
          %dma_wait3A_362 = arith.constant 0 : i32
          %dma_wait3A_363 = arith.constant 0 : i32
          %dma_wait3A_364 = tpu.memref_slice %arg6[%dma_wait3A_361, %dma_wait3A_362, %dma_wait3A_363] : memref<200x64x4096xf32, #tpu.memory_space<hbm>> -> memref<1x64x128xf32, #tpu.memory_space<hbm>>
          %dma_wait3A_365 = tpu.memref_squeeze %dma_wait3A_364 : memref<1x64x128xf32, #tpu.memory_space<hbm>> -> memref<64x128xf32, #tpu.memory_space<hbm>>
          %dma_wait3A_366 = arith.constant 0 : i32
          %dma_wait3A_367 = arith.constant 0 : i32
          %dma_wait3A_368 = tpu.memref_slice %arg6[%dma_wait3A_361, %dma_wait3A_366, %dma_wait3A_367] : memref<200x64x4096xf32, #tpu.memory_space<hbm>> -> memref<1x64x128xf32, #tpu.memory_space<hbm>>
          %dma_wait3A_369 = tpu.memref_squeeze %dma_wait3A_368 : memref<1x64x128xf32, #tpu.memory_space<hbm>> -> memref<64x128xf32, #tpu.memory_space<hbm>>
          tpu.wait_dma2 semaphore(%arg22 : memref<!tpu.dma_semaphore, #tpu.memory_space<semaphore_mem>>) src(%arg12 : memref<64x128xf32, #tpu.memory_space<vmem>>) dst(%dma_wait3A_369 : memref<64x128xf32, #tpu.memory_space<hbm>>)
        } else {
        }
        %add3A_353 = arith.constant 3 : i32
        %add3A_354 = arith.addi %add3A_296, %add3A_353 : i32
        %dma_start3A_355 = arith.constant 0 : i32
        %dma_start3A_356 = tpu.memref_slice %arg2[%add3A_354, %dma_start3A_355, %mul3A_2] : memref<200x64x4096xf32, #tpu.memory_space<hbm>> -> memref<1x64x128xf32, #tpu.memory_space<hbm>>
        %dma_start3A_357 = tpu.memref_squeeze %dma_start3A_356 : memref<1x64x128xf32, #tpu.memory_space<hbm>> -> memref<64x128xf32, #tpu.memory_space<hbm>>
        %dma_start3A_358 = arith.constant 0 : i32
        %dma_start3A_359 = tpu.memref_slice %arg2[%add3A_354, %dma_start3A_358, %mul3A_2] : memref<200x64x4096xf32, #tpu.memory_space<hbm>> -> memref<1x64x128xf32, #tpu.memory_space<hbm>>
        %dma_start3A_360 = tpu.memref_squeeze %dma_start3A_359 : memref<1x64x128xf32, #tpu.memory_space<hbm>> -> memref<64x128xf32, #tpu.memory_space<hbm>>
        tpu.enqueue_dma source(%dma_start3A_360 : memref<64x128xf32, #tpu.memory_space<hbm>>) target(%arg12 : memref<64x128xf32, #tpu.memory_space<vmem>>) target_semaphore(%arg17 : memref<!tpu.dma_semaphore, #tpu.memory_space<semaphore_mem>>)
      } else {
      }
      %dma_wait3A_304 = arith.constant 0 : i32
      %dma_wait3A_305 = arith.constant 0 : i32
      %dma_wait3A_306 = arith.constant 0 : i32
      %dma_wait3A_307 = tpu.memref_slice %arg2[%dma_wait3A_304, %dma_wait3A_305, %dma_wait3A_306] : memref<200x64x4096xf32, #tpu.memory_space<hbm>> -> memref<1x64x128xf32, #tpu.memory_space<hbm>>
      %dma_wait3A_308 = tpu.memref_squeeze %dma_wait3A_307 : memref<1x64x128xf32, #tpu.memory_space<hbm>> -> memref<64x128xf32, #tpu.memory_space<hbm>>
      %dma_wait3A_309 = arith.constant 0 : i32
      %dma_wait3A_310 = arith.constant 0 : i32
      %dma_wait3A_311 = tpu.memref_slice %arg2[%dma_wait3A_304, %dma_wait3A_309, %dma_wait3A_310] : memref<200x64x4096xf32, #tpu.memory_space<hbm>> -> memref<1x64x128xf32, #tpu.memory_space<hbm>>
      %dma_wait3A_312 = tpu.memref_squeeze %dma_wait3A_311 : memref<1x64x128xf32, #tpu.memory_space<hbm>> -> memref<64x128xf32, #tpu.memory_space<hbm>>
      tpu.wait_dma2 semaphore(%arg19 : memref<!tpu.dma_semaphore, #tpu.memory_space<semaphore_mem>>) src(%dma_wait3A_312 : memref<64x128xf32, #tpu.memory_space<hbm>>) dst(%arg14 : memref<64x128xf32, #tpu.memory_space<vmem>>)
      %rem3A_313 = arith.constant 100 : i32
      %rem3A_314 = arith.remsi %add3A_296, %rem3A_313 : i32
      %get3A_315 = arith.index_cast %rem3A_314 : i32 to index
      %get3A_316 = arith.constant 0 : index
      %get3A_317 = tpu.vector_load %arg9[%get3A_315, %get3A_316] {strides = array<i32>} : memref<100x128xi32, #tpu.memory_space<vmem>>, vector<16xi32>,
      %get3A_318 = arith.index_cast %rem3A_314 : i32 to index
      %get3A_319 = arith.constant 16 : index
      %get3A_320 = tpu.vector_load %arg9[%get3A_318, %get3A_319] {strides = array<i32>} : memref<100x128xi32, #tpu.memory_space<vmem>>, vector<16xi32>,
      %get3A_321 = arith.index_cast %rem3A_314 : i32 to index
      %get3A_322 = arith.constant 32 : index
      %get3A_323 = tpu.vector_load %arg9[%get3A_321, %get3A_322] {strides = array<i32>} : memref<100x128xi32, #tpu.memory_space<vmem>>, vector<16xi32>,
      %get3A_324 = arith.index_cast %rem3A_314 : i32 to index
      %get3A_325 = arith.constant 48 : index
      %get3A_326 = tpu.vector_load %arg9[%get3A_324, %get3A_325] {strides = array<i32>} : memref<100x128xi32, #tpu.memory_space<vmem>>, vector<16xi32>,
      %get3A_327 = arith.index_cast %rem3A_314 : i32 to index
      %get3A_328 = arith.constant 64 : index
      %get3A_329 = tpu.vector_load %arg9[%get3A_327, %get3A_328] {strides = array<i32>} : memref<100x128xi32, #tpu.memory_space<vmem>>, vector<16xi32>,
      %get3A_330 = arith.index_cast %rem3A_314 : i32 to index
      %get3A_331 = arith.constant 80 : index
      %get3A_332 = tpu.vector_load %arg9[%get3A_330, %get3A_331] {strides = array<i32>} : memref<100x128xi32, #tpu.memory_space<vmem>>, vector<16xi32>,
      %get3A_333 = arith.index_cast %rem3A_314 : i32 to index
      %get3A_334 = arith.constant 96 : index
      %get3A_335 = tpu.vector_load %arg9[%get3A_333, %get3A_334] {strides = array<i32>} : memref<100x128xi32, #tpu.memory_space<vmem>>, vector<16xi32>,
      %get3A_336 = arith.index_cast %rem3A_314 : i32 to index
      %get3A_337 = arith.constant 112 : index
      %get3A_338 = tpu.vector_load %arg9[%get3A_336, %get3A_337] {strides = array<i32>} : memref<100x128xi32, #tpu.memory_space<vmem>>, vector<16xi32>,
      %parallel_loop3A_339 = arith.constant 0 : i32
      %parallel_loop3A_340 = arith.constant 64 : i32
      %parallel_loop3A_341 = arith.constant 1 : i32
      scf.for %parallel_loop3A_349 = %parallel_loop3A_339 to %parallel_loop3A_340 step %parallel_loop3A_341  : i32 {
        %parallel_loop3A_350 = vector.broadcast %parallel_loop3A_349 : i32 to vector<16xi32>
        %parallel_loop3A_351 = tpu.vector_load_idx %arg7[%parallel_loop3A_350, %get3A_317] : memref<64x1000xf32, #tpu.memory_space<vmem>>[vector<16xi32>, vector<16xi32>], vector<16xf32>,
        %parallel_loop3A_352 = arith.index_cast %parallel_loop3A_349 : i32 to index
        %parallel_loop3A_353 = arith.constant 0 : index
        %parallel_loop3A_354 = tpu.vector_load %arg8[%parallel_loop3A_352, %parallel_loop3A_353] {strides = array<i32>} : memref<64x128xf32, #tpu.memory_space<vmem>>, vector<16xf32>,
        %parallel_loop3A_355 = arith.addf %parallel_loop3A_351, %parallel_loop3A_354 : vector<16xf32>
        %parallel_loop3A_356 = arith.index_cast %parallel_loop3A_349 : i32 to index
        %parallel_loop3A_357 = arith.constant 0 : index
        %parallel_loop3A_358 = tpu.vector_load %arg14[%parallel_loop3A_356, %parallel_loop3A_357] {strides = array<i32>} : memref<64x128xf32, #tpu.memory_space<vmem>>, vector<16xf32>,
        tpu.vector_store %arg14[%parallel_loop3A_356, %parallel_loop3A_357], %parallel_loop3A_355 {add = true, strides = array<i32>} : memref<64x128xf32, #tpu.memory_space<vmem>>, vector<16xf32>,
        %parallel_loop3A_359 = tpu.vector_load_idx %arg7[%parallel_loop3A_350, %get3A_320] : memref<64x1000xf32, #tpu.memory_space<vmem>>[vector<16xi32>, vector<16xi32>], vector<16xf32>,
        %parallel_loop3A_360 = arith.index_cast %parallel_loop3A_349 : i32 to index
        %parallel_loop3A_361 = arith.constant 16 : index
        %parallel_loop3A_362 = tpu.vector_load %arg8[%parallel_loop3A_360, %parallel_loop3A_361] {strides = array<i32>} : memref<64x128xf32, #tpu.memory_space<vmem>>, vector<16xf32>,
        %parallel_loop3A_363 = arith.addf %parallel_loop3A_359, %parallel_loop3A_362 : vector<16xf32>
        %parallel_loop3A_364 = arith.index_cast %parallel_loop3A_349 : i32 to index
        %parallel_loop3A_365 = arith.constant 16 : index
        %parallel_loop3A_366 = tpu.vector_load %arg14[%parallel_loop3A_364, %parallel_loop3A_365] {strides = array<i32>} : memref<64x128xf32, #tpu.memory_space<vmem>>, vector<16xf32>,
        tpu.vector_store %arg14[%parallel_loop3A_364, %parallel_loop3A_365], %parallel_loop3A_363 {add = true, strides = array<i32>} : memref<64x128xf32, #tpu.memory_space<vmem>>, vector<16xf32>,
        %parallel_loop3A_367 = tpu.vector_load_idx %arg7[%parallel_loop3A_350, %get3A_323] : memref<64x1000xf32, #tpu.memory_space<vmem>>[vector<16xi32>, vector<16xi32>], vector<16xf32>,
        %parallel_loop3A_368 = arith.index_cast %parallel_loop3A_349 : i32 to index
        %parallel_loop3A_369 = arith.constant 32 : index
        %parallel_loop3A_370 = tpu.vector_load %arg8[%parallel_loop3A_368, %parallel_loop3A_369] {strides = array<i32>} : memref<64x128xf32, #tpu.memory_space<vmem>>, vector<16xf32>,
        %parallel_loop3A_371 = arith.addf %parallel_loop3A_367, %parallel_loop3A_370 : vector<16xf32>
        %parallel_loop3A_372 = arith.index_cast %parallel_loop3A_349 : i32 to index
        %parallel_loop3A_373 = arith.constant 32 : index
        %parallel_loop3A_374 = tpu.vector_load %arg14[%parallel_loop3A_372, %parallel_loop3A_373] {strides = array<i32>} : memref<64x128xf32, #tpu.memory_space<vmem>>, vector<16xf32>,
        tpu.vector_store %arg14[%parallel_loop3A_372, %parallel_loop3A_373], %parallel_loop3A_371 {add = true, strides = array<i32>} : memref<64x128xf32, #tpu.memory_space<vmem>>, vector<16xf32>,
        %parallel_loop3A_375 = tpu.vector_load_idx %arg7[%parallel_loop3A_350, %get3A_326] : memref<64x1000xf32, #tpu.memory_space<vmem>>[vector<16xi32>, vector<16xi32>], vector<16xf32>,
        %parallel_loop3A_376 = arith.index_cast %parallel_loop3A_349 : i32 to index
        %parallel_loop3A_377 = arith.constant 48 : index
        %parallel_loop3A_378 = tpu.vector_load %arg8[%parallel_loop3A_376, %parallel_loop3A_377] {strides = array<i32>} : memref<64x128xf32, #tpu.memory_space<vmem>>, vector<16xf32>,
        %parallel_loop3A_379 = arith.addf %parallel_loop3A_375, %parallel_loop3A_378 : vector<16xf32>
        %parallel_loop3A_380 = arith.index_cast %parallel_loop3A_349 : i32 to index
        %parallel_loop3A_381 = arith.constant 48 : index
        %parallel_loop3A_382 = tpu.vector_load %arg14[%parallel_loop3A_380, %parallel_loop3A_381] {strides = array<i32>} : memref<64x128xf32, #tpu.memory_space<vmem>>, vector<16xf32>,
        tpu.vector_store %arg14[%parallel_loop3A_380, %parallel_loop3A_381], %parallel_loop3A_379 {add = true, strides = array<i32>} : memref<64x128xf32, #tpu.memory_space<vmem>>, vector<16xf32>,
        %parallel_loop3A_383 = tpu.vector_load_idx %arg7[%parallel_loop3A_350, %get3A_329] : memref<64x1000xf32, #tpu.memory_space<vmem>>[vector<16xi32>, vector<16xi32>], vector<16xf32>,
        %parallel_loop3A_384 = arith.index_cast %parallel_loop3A_349 : i32 to index
        %parallel_loop3A_385 = arith.constant 64 : index
        %parallel_loop3A_386 = tpu.vector_load %arg8[%parallel_loop3A_384, %parallel_loop3A_385] {strides = array<i32>} : memref<64x128xf32, #tpu.memory_space<vmem>>, vector<16xf32>,
        %parallel_loop3A_387 = arith.addf %parallel_loop3A_383, %parallel_loop3A_386 : vector<16xf32>
        %parallel_loop3A_388 = arith.index_cast %parallel_loop3A_349 : i32 to index
        %parallel_loop3A_389 = arith.constant 64 : index
        %parallel_loop3A_390 = tpu.vector_load %arg14[%parallel_loop3A_388, %parallel_loop3A_389] {strides = array<i32>} : memref<64x128xf32, #tpu.memory_space<vmem>>, vector<16xf32>,
        tpu.vector_store %arg14[%parallel_loop3A_388, %parallel_loop3A_389], %parallel_loop3A_387 {add = true, strides = array<i32>} : memref<64x128xf32, #tpu.memory_space<vmem>>, vector<16xf32>,
        %parallel_loop3A_391 = tpu.vector_load_idx %arg7[%parallel_loop3A_350, %get3A_332] : memref<64x1000xf32, #tpu.memory_space<vmem>>[vector<16xi32>, vector<16xi32>], vector<16xf32>,
        %parallel_loop3A_392 = arith.index_cast %parallel_loop3A_349 : i32 to index
        %parallel_loop3A_393 = arith.constant 80 : index
        %parallel_loop3A_394 = tpu.vector_load %arg8[%parallel_loop3A_392, %parallel_loop3A_393] {strides = array<i32>} : memref<64x128xf32, #tpu.memory_space<vmem>>, vector<16xf32>,
        %parallel_loop3A_395 = arith.addf %parallel_loop3A_391, %parallel_loop3A_394 : vector<16xf32>
        %parallel_loop3A_396 = arith.index_cast %parallel_loop3A_349 : i32 to index
        %parallel_loop3A_397 = arith.constant 80 : index
        %parallel_loop3A_398 = tpu.vector_load %arg14[%parallel_loop3A_396, %parallel_loop3A_397] {strides = array<i32>} : memref<64x128xf32, #tpu.memory_space<vmem>>, vector<16xf32>,
        tpu.vector_store %arg14[%parallel_loop3A_396, %parallel_loop3A_397], %parallel_loop3A_395 {add = true, strides = array<i32>} : memref<64x128xf32, #tpu.memory_space<vmem>>, vector<16xf32>,
        %parallel_loop3A_399 = tpu.vector_load_idx %arg7[%parallel_loop3A_350, %get3A_335] : memref<64x1000xf32, #tpu.memory_space<vmem>>[vector<16xi32>, vector<16xi32>], vector<16xf32>,
        %parallel_loop3A_400 = arith.index_cast %parallel_loop3A_349 : i32 to index
        %parallel_loop3A_401 = arith.constant 96 : index
        %parallel_loop3A_402 = tpu.vector_load %arg8[%parallel_loop3A_400, %parallel_loop3A_401] {strides = array<i32>} : memref<64x128xf32, #tpu.memory_space<vmem>>, vector<16xf32>,
        %parallel_loop3A_403 = arith.addf %parallel_loop3A_399, %parallel_loop3A_402 : vector<16xf32>
        %parallel_loop3A_404 = arith.index_cast %parallel_loop3A_349 : i32 to index
        %parallel_loop3A_405 = arith.constant 96 : index
        %parallel_loop3A_406 = tpu.vector_load %arg14[%parallel_loop3A_404, %parallel_loop3A_405] {strides = array<i32>} : memref<64x128xf32, #tpu.memory_space<vmem>>, vector<16xf32>,
        tpu.vector_store %arg14[%parallel_loop3A_404, %parallel_loop3A_405], %parallel_loop3A_403 {add = true, strides = array<i32>} : memref<64x128xf32, #tpu.memory_space<vmem>>, vector<16xf32>,
        %parallel_loop3A_407 = tpu.vector_load_idx %arg7[%parallel_loop3A_350, %get3A_338] : memref<64x1000xf32, #tpu.memory_space<vmem>>[vector<16xi32>, vector<16xi32>], vector<16xf32>,
        %parallel_loop3A_408 = arith.index_cast %parallel_loop3A_349 : i32 to index
        %parallel_loop3A_409 = arith.constant 112 : index
        %parallel_loop3A_410 = tpu.vector_load %arg8[%parallel_loop3A_408, %parallel_loop3A_409] {strides = array<i32>} : memref<64x128xf32, #tpu.memory_space<vmem>>, vector<16xf32>,
        %parallel_loop3A_411 = arith.addf %parallel_loop3A_407, %parallel_loop3A_410 : vector<16xf32>
        %parallel_loop3A_412 = arith.index_cast %parallel_loop3A_349 : i32 to index
        %parallel_loop3A_413 = arith.constant 112 : index
        %parallel_loop3A_414 = tpu.vector_load %arg14[%parallel_loop3A_412, %parallel_loop3A_413] {strides = array<i32>} : memref<64x128xf32, #tpu.memory_space<vmem>>, vector<16xf32>,
        tpu.vector_store %arg14[%parallel_loop3A_412, %parallel_loop3A_413], %parallel_loop3A_411 {add = true, strides = array<i32>} : memref<64x128xf32, #tpu.memory_space<vmem>>, vector<16xf32>,
      } {sc.loop_unroll_factor = 2 : i64, sc.parallel_access}
      %dma_start3A_342 = arith.constant 0 : i32
      %dma_start3A_343 = tpu.memref_slice %arg6[%add3A_296, %dma_start3A_342, %mul3A_2] : memref<200x64x4096xf32, #tpu.memory_space<hbm>> -> memref<1x64x128xf32, #tpu.memory_space<hbm>>
      %dma_start3A_344 = tpu.memref_squeeze %dma_start3A_343 : memref<1x64x128xf32, #tpu.memory_space<hbm>> -> memref<64x128xf32, #tpu.memory_space<hbm>>
      %dma_start3A_345 = arith.constant 0 : i32
      %dma_start3A_346 = tpu.memref_slice %arg6[%add3A_296, %dma_start3A_345, %mul3A_2] : memref<200x64x4096xf32, #tpu.memory_space<hbm>> -> memref<1x64x128xf32, #tpu.memory_space<hbm>>
      %dma_start3A_347 = tpu.memref_squeeze %dma_start3A_346 : memref<1x64x128xf32, #tpu.memory_space<hbm>> -> memref<64x128xf32, #tpu.memory_space<hbm>>
      tpu.enqueue_dma source(%arg14 : memref<64x128xf32, #tpu.memory_space<vmem>>) target(%dma_start3A_347 : memref<64x128xf32, #tpu.memory_space<hbm>>) target_semaphore(%arg24 : memref<!tpu.dma_semaphore, #tpu.memory_space<semaphore_mem>>)
      %scan3A_348 = arith.constant 0 : i32
      scf.yield %scan3A_348 : i32
    }
    %scan3A_28 = arith.constant 40 : i32
    %dma_wait3A = arith.constant 0 : i32
    %dma_wait3A_29 = arith.constant 0 : i32
    %dma_wait3A_30 = arith.constant 0 : i32
    %dma_wait3A_31 = tpu.memref_slice %arg6[%dma_wait3A, %dma_wait3A_29, %dma_wait3A_30] : memref<200x64x4096xf32, #tpu.memory_space<hbm>> -> memref<1x64x128xf32, #tpu.memory_space<hbm>>
    %dma_wait3A_32 = tpu.memref_squeeze %dma_wait3A_31 : memref<1x64x128xf32, #tpu.memory_space<hbm>> -> memref<64x128xf32, #tpu.memory_space<hbm>>
    %dma_wait3A_33 = arith.constant 0 : i32
    %dma_wait3A_34 = arith.constant 0 : i32
    %dma_wait3A_35 = tpu.memref_slice %arg6[%dma_wait3A, %dma_wait3A_33, %dma_wait3A_34] : memref<200x64x4096xf32, #tpu.memory_space<hbm>> -> memref<1x64x128xf32, #tpu.memory_space<hbm>>
    %dma_wait3A_36 = tpu.memref_squeeze %dma_wait3A_35 : memref<1x64x128xf32, #tpu.memory_space<hbm>> -> memref<64x128xf32, #tpu.memory_space<hbm>>
    tpu.wait_dma2 semaphore(%arg20 : memref<!tpu.dma_semaphore, #tpu.memory_space<semaphore_mem>>) src(%arg10 : memref<64x128xf32, #tpu.memory_space<vmem>>) dst(%dma_wait3A_36 : memref<64x128xf32, #tpu.memory_space<hbm>>)
    %dma_wait3A_37 = arith.constant 0 : i32
    %dma_wait3A_38 = arith.constant 0 : i32
    %dma_wait3A_39 = arith.constant 0 : i32
    %dma_wait3A_40 = tpu.memref_slice %arg6[%dma_wait3A_37, %dma_wait3A_38, %dma_wait3A_39] : memref<200x64x4096xf32, #tpu.memory_space<hbm>> -> memref<1x64x128xf32, #tpu.memory_space<hbm>>
    %dma_wait3A_41 = tpu.memref_squeeze %dma_wait3A_40 : memref<1x64x128xf32, #tpu.memory_space<hbm>> -> memref<64x128xf32, #tpu.memory_space<hbm>>
    %dma_wait3A_42 = arith.constant 0 : i32
    %dma_wait3A_43 = arith.constant 0 : i32
    %dma_wait3A_44 = tpu.memref_slice %arg6[%dma_wait3A_37, %dma_wait3A_42, %dma_wait3A_43] : memref<200x64x4096xf32, #tpu.memory_space<hbm>> -> memref<1x64x128xf32, #tpu.memory_space<hbm>>
    %dma_wait3A_45 = tpu.memref_squeeze %dma_wait3A_44 : memref<1x64x128xf32, #tpu.memory_space<hbm>> -> memref<64x128xf32, #tpu.memory_space<hbm>>
    tpu.wait_dma2 semaphore(%arg21 : memref<!tpu.dma_semaphore, #tpu.memory_space<semaphore_mem>>) src(%arg11 : memref<64x128xf32, #tpu.memory_space<vmem>>) dst(%dma_wait3A_45 : memref<64x128xf32, #tpu.memory_space<hbm>>)
    %dma_wait3A_46 = arith.constant 0 : i32
    %dma_wait3A_47 = arith.constant 0 : i32
    %dma_wait3A_48 = arith.constant 0 : i32
    %dma_wait3A_49 = tpu.memref_slice %arg6[%dma_wait3A_46, %dma_wait3A_47, %dma_wait3A_48] : memref<200x64x4096xf32, #tpu.memory_space<hbm>> -> memref<1x64x128xf32, #tpu.memory_space<hbm>>
    %dma_wait3A_50 = tpu.memref_squeeze %dma_wait3A_49 : memref<1x64x128xf32, #tpu.memory_space<hbm>> -> memref<64x128xf32, #tpu.memory_space<hbm>>
    %dma_wait3A_51 = arith.constant 0 : i32
    %dma_wait3A_52 = arith.constant 0 : i32
    %dma_wait3A_53 = tpu.memref_slice %arg6[%dma_wait3A_46, %dma_wait3A_51, %dma_wait3A_52] : memref<200x64x4096xf32, #tpu.memory_space<hbm>> -> memref<1x64x128xf32, #tpu.memory_space<hbm>>
    %dma_wait3A_54 = tpu.memref_squeeze %dma_wait3A_53 : memref<1x64x128xf32, #tpu.memory_space<hbm>> -> memref<64x128xf32, #tpu.memory_space<hbm>>
    tpu.wait_dma2 semaphore(%arg22 : memref<!tpu.dma_semaphore, #tpu.memory_space<semaphore_mem>>) src(%arg12 : memref<64x128xf32, #tpu.memory_space<vmem>>) dst(%dma_wait3A_54 : memref<64x128xf32, #tpu.memory_space<hbm>>)
    %dma_wait3A_55 = arith.constant 0 : i32
    %dma_wait3A_56 = arith.constant 0 : i32
    %dma_wait3A_57 = arith.constant 0 : i32
    %dma_wait3A_58 = tpu.memref_slice %arg6[%dma_wait3A_55, %dma_wait3A_56, %dma_wait3A_57] : memref<200x64x4096xf32, #tpu.memory_space<hbm>> -> memref<1x64x128xf32, #tpu.memory_space<hbm>>
    %dma_wait3A_59 = tpu.memref_squeeze %dma_wait3A_58 : memref<1x64x128xf32, #tpu.memory_space<hbm>> -> memref<64x128xf32, #tpu.memory_space<hbm>>
    %dma_wait3A_60 = arith.constant 0 : i32
    %dma_wait3A_61 = arith.constant 0 : i32
    %dma_wait3A_62 = tpu.memref_slice %arg6[%dma_wait3A_55, %dma_wait3A_60, %dma_wait3A_61] : memref<200x64x4096xf32, #tpu.memory_space<hbm>> -> memref<1x64x128xf32, #tpu.memory_space<hbm>>
    %dma_wait3A_63 = tpu.memref_squeeze %dma_wait3A_62 : memref<1x64x128xf32, #tpu.memory_space<hbm>> -> memref<64x128xf32, #tpu.memory_space<hbm>>
    tpu.wait_dma2 semaphore(%arg23 : memref<!tpu.dma_semaphore, #tpu.memory_space<semaphore_mem>>) src(%arg13 : memref<64x128xf32, #tpu.memory_space<vmem>>) dst(%dma_wait3A_63 : memref<64x128xf32, #tpu.memory_space<hbm>>)
    %dma_wait3A_64 = arith.constant 0 : i32
    %dma_wait3A_65 = arith.constant 0 : i32
    %dma_wait3A_66 = arith.constant 0 : i32
    %dma_wait3A_67 = tpu.memref_slice %arg6[%dma_wait3A_64, %dma_wait3A_65, %dma_wait3A_66] : memref<200x64x4096xf32, #tpu.memory_space<hbm>> -> memref<1x64x128xf32, #tpu.memory_space<hbm>>
    %dma_wait3A_68 = tpu.memref_squeeze %dma_wait3A_67 : memref<1x64x128xf32, #tpu.memory_space<hbm>> -> memref<64x128xf32, #tpu.memory_space<hbm>>
    %dma_wait3A_69 = arith.constant 0 : i32
    %dma_wait3A_70 = arith.constant 0 : i32
    %dma_wait3A_71 = tpu.memref_slice %arg6[%dma_wait3A_64, %dma_wait3A_69, %dma_wait3A_70] : memref<200x64x4096xf32, #tpu.memory_space<hbm>> -> memref<1x64x128xf32, #tpu.memory_space<hbm>>
    %dma_wait3A_72 = tpu.memref_squeeze %dma_wait3A_71 : memref<1x64x128xf32, #tpu.memory_space<hbm>> -> memref<64x128xf32, #tpu.memory_space<hbm>>
    tpu.wait_dma2 semaphore(%arg24 : memref<!tpu.dma_semaphore, #tpu.memory_space<semaphore_mem>>) src(%arg14 : memref<64x128xf32, #tpu.memory_space<vmem>>) dst(%dma_wait3A_72 : memref<64x128xf32, #tpu.memory_space<hbm>>)
    return
  }
}

</mosaic_0001>

<sc_bundles>
// kernel: kernel.4.cloned.1.call-start
scs
__scs_entry_jumppad:
0x0: {  	(pc) =	sbr.rel $0x88, $3  }
0x1: {  	(tag) =	ssettag $0x0;
	lr =	simm.s32 $0x1  }
0x2: {  	[smem:$0x3F9C] =	sst lr;
	_ =	strace $0xD0000000  }
0x3: {  	_ = 	snop  }
0x4: {  	_ = 	snop  }
0x5: {  	_ = 	snop  }
0x6: {  	_ = 	snop  }
0x7: {  	_ = 	snop  }
__scs_overlays_trampoline_lowered:
0x8: {  	[smem:$0x3FAB] =	sst s0  }
0x9: {  	[smem:$0x3FAC] =	sst s1  }
0xa: {  	[smem:$0x3FAD] =	sst s2  }
0xb: {  	[smem:$0x3FAE] =	sst s3  }
0xc: {  	[smem:$0x3FAF] =	sst s4  }
0xd: {  	[smem:$0x3FB0] =	sst s5  }
0xe: {  	[smem:$0x3FB1] =	sst s6  }
0xf: {  	[smem:$0x3FB2] =	sst s7  }
0x10: {  	[smem:$0x3FB3] =	sst s8  }
0x11: {  	[smem:$0x3FB4] =	sst s9;
	s0 =	simm.s32 @!p0 $0x0  }
0x12: {  	s1 =	sld [smem:$0x3F9A];
	s0 =	simm.s32 @p0 $0x1  }
0x13: {  	[smem:$0x3FB5] =	sst s0;
	s0 =	simm.s32 @!p1 $0x0  }
0x14: {  	s2 =	sld [smem:$0x3F99];
	s0 =	simm.s32 @p1 $0x1  }
0x15: {  	[smem:$0x3FB6] =	sst s0;
	s0 =	simm.s32 @!p2 $0x0  }
0x16: {  	s3 =	sld [smem:$0x3FDB];
	s0 =	simm.s32 @p2 $0x1  }
0x17: {  	s4 =	simm.s32 $0x1BF5;
	[smem:$0x3FB8] =	sst s0  }
0x18: {  	s0 =	sld [smem:$0x3F9B];
	_ =	swait.ge [sflag:s4], $0x0  }
0x19: {  	s7 =	sld [smem:$0x3F9C]  }
0x1a: {  	s8 =	sadd.s32 $0xFFFFE003, lr  }
0x1b: {  	s9 =	sadd.s32 $0xFFFFFEF7, lr;
	s5 =	simm.s32 $0xFFFFFFFF;
	p2 =	slt.u32 s8, $0xFFFFF086  }
0x1c: {  	p1 =	slt.u32 s9, $0xF7A;
	s5 =	simm.s32 @!p2 $0x0  }
0x1d: {  	s5 =	simm.s32 @p1 $0x1;
	p0 =	seq.s32 s7, s2  }
0x1e: {  	s7 =	smul.u32 @!p0 $0xF7A, s2;
	p2 =	seq.s32 @!p0 s5, $0x0  }
0x1f: {  	s9 =	smul.u32 $0xF7A, s1;
	s8 =	simm.s32 @!p0 $0x1BF5;
	p2 =	por !p2, p0  }
0x20: {  	[sflag:s8] =	ssyncset.s32 @!p0 $0xFFFFF086;
	s6 =	sadd.s32 @!p0 s3, s7;
	s7 =	simm.s32 @!p0 $0x108  }
0x21: {  	s3 =	sadd.s32 s3, s9;
	s6 =	sadd.s32 @!p0 $0x88, s6;
	s7 =	simm.s32 @p2 $0x1082  }
0x22: {  	[simem:s7], [sflag:s8] =	dma.local @!p0 [hbm:s6], $0xF7A  }
0x23: {  	s9 =	sor.u32 $0xD0000000, s2;
	s6 =	simm.s32 $0x108;
	_ =	swait.ge @!p0 [sflag:s8], $0x0  }
0x24: {  	s3 =	sadd.s32 $0x88, s3;
	s6 =	simm.s32 @!p1 $0x1082;
	[sflag:s4] =	ssyncset.s32 $0xFFFFF086  }
0x25: {  	[simem:s6], [sflag:s4] =	dma.local [hbm:s3], $0xF7A  }
0x26: {  	[smem:$0x3F9C] =	sst s1;
	(tag) =	ssettag s2;
	_ =	strace s9  }
0x27: {  	s1 =	sld [smem:$0x3FAC]  }
0x28: {  	s2 =	sld [smem:$0x3FAD]  }
0x29: {  	s4 =	sld [smem:$0x3FAF]  }
0x2a: {  	p0 =	seq.s32 s5, $0x0;
	s5 =	sld [smem:$0x3FB0]  }
0x2b: {  	s6 =	sld [smem:$0x3FB1]  }
0x2c: {  	s7 =	sld [smem:$0x3FB2]  }
0x2d: {  	s3 =	simm.s32 $0x108;
	s8 =	sld [smem:$0x3FB3]  }
0x2e: {  	s3 =	simm.s32 @!p0 $0x1082;
	s9 =	sld [smem:$0x3FB4]  }
0x2f: {  	lr =	sadd.s32 s0, s3;
	s0 =	sld [smem:$0x3FAB]  }
0x30: {  	s3 =	sld [smem:$0x3FAE]  }
0x31: {  	[smem:$0x3FB7] =	sst s10  }
0x32: {  	s10 =	sld [smem:$0x3FB5];
	_ =	sdelay $0x3  }
0x33: {  	p0 =	seq.s32 s10, $0x1;
	s10 =	sld [smem:$0x3FB7];
	_ =	sdelay $0x3  }
0x34: {  	[smem:$0x3FB7] =	sst s10  }
0x35: {  	s10 =	sld [smem:$0x3FB6];
	_ =	sdelay $0x3  }
0x36: {  	p1 =	seq.s32 s10, $0x1;
	s10 =	sld [smem:$0x3FB7];
	_ =	sdelay $0x3  }
0x37: {  	[smem:$0x3FB7] =	sst s10  }
0x38: {  	s10 =	sld [smem:$0x3FB8]  }
0x39: {  	_ = 	snop;
	(pc) =	sbr.ind lr, $3  }
0x3a: {  	_ = 	snop  }
0x3b: {  	_ = 	snop  }
0x3c: {  	p2 =	seq.s32 s10, $0x1;
	s10 =	sld [smem:$0x3FB7]  }
0x3d: {  	_ =	shalt  }
0x3e: {  	_ =	shalt  }
0x3f: {  	_ =	shalt  }
0x40: {  	_ =	shalt  }
0x41: {  	_ =	shalt  }
0x42: {  	_ =	shalt  }
0x43: {  	_ =	shalt  }
0x44: {  	_ =	shalt  }
0x45: {  	_ =	shalt  }
0x46: {  	_ =	shalt  }
0x47: {  	_ =	shalt  }
0x48: {  	_ =	shalt  }
0x49: {  	_ =	shalt  }
0x4a: {  	_ =	shalt  }
0x4b: {  	_ =	shalt  }
0x4c: {  	_ =	shalt  }
0x4d: {  	_ =	shalt  }
0x4e: {  	_ =	shalt  }
0x4f: {  	_ =	shalt  }
0x50: {  	_ =	shalt  }
0x51: {  	_ =	shalt  }
0x52: {  	_ =	shalt  }
0x53: {  	_ =	shalt  }
0x54: {  	_ =	shalt  }
0x55: {  	_ =	shalt  }
0x56: {  	_ =	shalt  }
0x57: {  	_ =	shalt  }
0x58: {  	_ =	shalt  }
0x59: {  	_ =	shalt  }
0x5a: {  	_ =	shalt  }
0x5b: {  	_ =	shalt  }
0x5c: {  	_ =	shalt  }
0x5d: {  	_ =	shalt  }
0x5e: {  	_ =	shalt  }
0x5f: {  	_ =	shalt  }
0x60: {  	_ =	shalt  }
0x61: {  	_ =	shalt  }
0x62: {  	_ =	shalt  }
0x63: {  	_ =	shalt  }
0x64: {  	_ =	shalt  }
0x65: {  	_ =	shalt  }
0x66: {  	_ =	shalt  }
0x67: {  	_ =	shalt  }
0x68: {  	_ =	shalt  }
0x69: {  	_ =	shalt  }
0x6a: {  	_ =	shalt  }
0x6b: {  	_ =	shalt  }
0x6c: {  	_ =	shalt  }
0x6d: {  	_ =	shalt  }
0x6e: {  	_ =	shalt  }
0x6f: {  	_ =	shalt  }
0x70: {  	_ =	shalt  }
0x71: {  	_ =	shalt  }
0x72: {  	_ =	shalt  }
0x73: {  	_ =	shalt  }
0x74: {  	_ =	shalt  }
0x75: {  	_ =	shalt  }
0x76: {  	_ =	shalt  }
0x77: {  	_ =	shalt  }
0x78: {  	_ =	shalt  }
0x79: {  	_ =	shalt  }
0x7a: {  	_ =	shalt  }
0x7b: {  	_ =	shalt  }
0x7c: {  	_ =	shalt  }
0x7d: {  	_ =	shalt  }
0x7e: {  	_ =	shalt  }
0x7f: {  	_ =	shalt  }
0x80: {  	_ =	shalt  }
0x81: {  	_ =	shalt  }
0x82: {  	_ =	shalt  }
0x83: {  	_ =	shalt  }
0x84: {  	_ =	shalt  }
0x85: {  	_ =	shalt  }
0x86: {  	_ =	shalt  }
0x87: {  	_ =	shalt  }
.Lfunc_end0:
.L_simem_size_0:
called_computation.1_lowered:
.L_overlay_start_0:
0x88: {  	s2 =	sld [smem:$0x3FD9]  }
0x89: {  	s3 =	sld [smem:$0x3FFE];
	_ =	sdelay $0x1  }
0x8a: {  	s1 =	srdreg.scid  }
0x8b: {  	s0 =	sand.u32 $0x1, s1  }
0x8c: {  	s17 =	sshll.u32 s0, $0xA;
	s2 =	sadd.s32 s3, s2  }
0x8d: {  	s2 =	sadd.s32 s2, s17  }
0x8e: {  	[smem:$0x3FC3] =	sst s2  }
0x8f: {  	_ = 	snop  }
0x90: {  	s18 =	sld [smem:$0x3FC8];
	(tm) =	ssettm $0x1  }
0x91: {  	s19 =	sld [smem:$0x3FFB];
	_ =	sdelay $0x3  }
0x92: {  	_ =	strace s19  }
0x93: {  	s2 =	sld [smem:$0x3FFC];
	_ =	sdelay $0x3  }
0x94: {  	_ =	strace s2  }
0x95: {  	s2 =	sld [smem:$0x3FFD];
	_ =	sdelay $0x3  }
0x96: {  	_ =	strace s2  }
0x97: {  	_ =	strace $0x8FFFFFFF  }
0x98: {  	s20 =	sld [smem:$0x3FDB];
	_ =	sdelay $0x1  }
0x99: {  	s4 =	simm.s32 $_scs_section_size  }
0x9a: {  	s5 =	simm.s32 $_size__tile_overlayer_lowered;
	s6 =	simm.s32 $_tile_overlayer_lowered  }
0x9b: {  	s7 =	simm.s32 $0x1BFF;
	s21 =	sshll.u32 s6, $0x1;
	s4 =	sadd.s32 s4, s20  }
0x9c: {  	s22 =	simm.s32 $0x0;
	s5 =	sshll.u32 s5, $0x1;
	s6 =	sadd.s32 s21, s4  }
0x9d: {  	[timem:s22], [sflag:s7] =	dma.local [hbm:s6], s5  }
0x9e: {  	_ =	swait.ge [sflag:s7], s5  }
0x9f: {  	s5 =	ssub.s32 $0x0, s5;
	[sflag:s7] =	ssyncset.done $0x0  }
0xa0: {  	[sflag:s7] =	ssyncadd.s32 s5;
	_ =	sdelay $0x1  }
0xa1: {  	s23 =	simm.s32 $0x1B8B  }
0xa2: {  	_ =	swait.ge [sflag:s23], $0x1  }
0xa3: {  	[sflag:s23] =	ssyncset.done $0x0  }
0xa4: {  	[sflag:s23] =	ssyncadd.s32 $0xFFFFFFFF  }
0xa5: {  	s5 =	sld [smem:$0x0]  }
0xa6: {  	s6 =	sand.u32 $0xFFFFFFFE, s1  }
0xa7: {  	p0 =	sne.s32 s1, s6  }
0xa8: {  	s6 =	sshll.u32 @p0 s6, $0xE  }
0xa9: {  	s6 =	sadd.s32 @p0 $0x11B8D, s6;
	s7 =	sshll.u32 @p0 s5, $0x11  }
0xaa: {  	s6 =	sor.u32 @p0 s7, s6  }
0xab: {  	[sflag:s6] =	ssyncadd.remote.s32 @p0 $0x1;
	_ =	sdelay $0x1  }
0xac: {  	s6 =	simm.s32 @p0 $0x1B8D  }
0xad: {  	_ =	swait.eq @p0 [sflag:s6], $0x1  }
0xae: {  	[sflag:s6] =	ssyncadd.s32 @p0 $0xFFFFFFFF  }
0xaf: {  	s7 =	sshll.u32 @!p0 s1, $0xE  }
0xb0: {  	s7 =	sor.u32 @!p0 $0x4000, s7;
	s6 =	simm.s32 @!p0 $0x1B8D  }
0xb1: {  	s5 =	sshll.u32 @!p0 s5, $0x11;
	s7 =	sadd.s32 @!p0 $0x11B8D, s7;
	_ =	swait.eq @!p0 [sflag:s6], $0x1  }
0xb2: {  	s5 =	sor.u32 @!p0 s5, s7;
	[sflag:s6] =	ssyncadd.s32 @!p0 $0xFFFFFFFF  }
0xb3: {  	s25 =	simm.s32 $0x1B8E;
	s24 =	sld [smem:$0x3FFE];
	[sflag:s5] =	ssyncadd.remote.s32 @!p0 $0x1  }
0xb4: {  	s26 =	simm.s32 $execute0_lowered;
	[smem:$0x3FD2] =	sst s25  }
0xb5: {  	s6 =	sshll.u32 s26, $0x1;
	_ =	strace $0x80000049;
	[dreg:$0x1] =	wrdreg $0xFFFFFFFF  }
0xb6: {  	s28 =	simm.s32 $_size_execute0_lowered;
	s4 =	sadd.s32 s4, s6;
	[dreg:$0x0] =	wrdreg $0x0  }
0xb7: {  	s6 =	sshll.u32 s28, $0x1;
	[dreg:$0x2] =	wrdreg s4  }
0xb8: {  	[dreg:$0x3] =	wrdreg s6  }
0xb9: {  	[dreg:$0x4] =	wrdreg $0xC0  }
0xba: {  	_ =	task [dreg:s22], $0x5FFFF  }
0xbb: {  	[dreg:$0x1] =	wrdreg $0xFFFFFFFF  }
0xbc: {  	[dreg:$0x0] =	wrdreg $0x60  }
0xbd: {  	[dreg:$0x2] =	wrdreg s24  }
0xbe: {  	[dreg:$0x3] =	wrdreg s18  }
0xbf: {  	[dreg:$0x4] =	wrdreg $0xA  }
0xc0: {  	_ =	task.clear_ibuf [dreg:s22], $0x5FFFF;
	_ =	strace $0x90000049  }
0xc1: {  	s29 =	simm.s32 $0xA;
	_ =	strace $0x8000004B  }
0xc2: {  	_ =	swait.ge [sflag:s29], $0x1  }
0xc3: {  	[sflag:s29] =	ssyncadd.s32 $0xFFFFFFFF  }
0xc4: {  	_ =	strace $0x9000004B  }
0xc5: {  	_ =	sfence  }
0xc6: {  	s30 =	sld [smem:$0x0];
	_ =	sdelay $0x2  }
0xc7: {  	s31 =	sshll.u32 s1, $0xD;
	s1 =	sshrl.u32 s1, $0x2  }
0xc8: {  	s4 =	sand.u32 $0x4000, s31;
	s1 =	sadd.s32 s1, s30  }
0xc9: {  	s0 =	sor.u32 s4, s0;
	s1 =	sshll.u32 s1, $0x11  }
0xca: {  	s0 =	sor.u32 s1, s0  }
0xcb: {  	s0 =	sadd.s32 $0x8F2B, s0  }
0xcc: {  	[sflag:s0] =	ssyncadd.remote.s32 $0x1  }
0xcd: {  	_ =	sfence.sel $0xFFFF  }
0xce: {  	[dreg:$0x0] =	wrdreg $0xFFFFFFFF;
	(pc) =	sbr.abs _section_cstart, $3  }
0xcf: {  	[dreg:$0x1] =	wrdreg $0xFFFFFFFF  }
0xd0: {  	_ =	task.clear_ibuf [dreg:s22], $0x2FFFF;
	_ =	strace $0x9FFFFFFF  }
0xd1: {  	(tm) =	ssettm $0x7FFFFFFF  }
tec
execute0_lowered:
.L_overlay_start_1:
0x0: {  	(tag) =	ssettag $0x1  }
0x1: {  	s4 =	rddreg [dreg:$0x0]  }
0x2: {  	s2 =	rddreg [dreg:$0x1]  }
0x3: {  	s0 =	rddreg [dreg:$0x2];
	s5 =	srdreg.scid  }
0x4: {  	s3 =	simm.s32 $0x0;
	s1 =	stileid.u32;
	s5 =	sand.u32 $0x1, s5  }
0x5: {  	[smem:$0x7FF] =	sst s3;
	s6 =	sshll.u32 s1, $0x2;
	s8 =	sadd.s32 $0x1200, s4  }
0x6: {  	s10 =	sadd.s32 $0xC4800, s4;
	s7 =	sshll.u32 s5, $0x1;
	s5 =	ssub.s32 $0x2, s5  }
0x7: {  	_ =	strace $0x8000004A;
	s6 =	sor.u32 s7, s6;
	s29 =	sshrl.u32 s5, $0x1  }
0x8: {  	s7 =	smul.u32 $0x30D4, s6;
	s9 =	sor.u32 $0x1, s6;
	s30 =	sshll.u32 s6, $0x9  }
0x9: {  	s12 =	ssub.s32 s5, s29;
	s11 =	smul.u32 $0x30D4, s9;
	s5 =	sadd.s32 s10, s30  }
0xa: {  	s31 =	sshll.u32 s9, $0x9;
	s9 =	simm.s32 $0x186A0;
	s4 =	sadd.s32 s8, s7  }
0xb: {  	s7 =	sadd.s32 s10, s31;
	s10 =	simm.s32 $0x1;
	s6 =	sadd.s32 s8, s11  }
0xc: {  	s8 =	smax.u32 s12, $0x1;
	s11 =	simm.s32 $0x196A0;
	s12 =	simm.s32 $0x0  }
.LBB2_1:
0xd: {  	[tilespmem:s9], [sflag:$0x1] =	stream.linear.gather [hbm4b:s2+s3], $0x1000, $0x38;
	[tilespmem:$0x1A6A0] =	vst v63  }
0xe: {  	_ =	swait.ge [sflag:s10], $0x1000  }
0xf: {  	[sflag:s10] =	ssyncset.done $0x0  }
0x10: {  	[sflag:s10] =	ssyncadd.s32 $0xFFFFF000  }
0x11: {  	[tilespmem:s3], [sflag:$0x1] =	stream.linear.gather [hbm4b:s4+s3], $0x186A0, $0x38;
	[tilespmem:$0x1A6A0] =	vst v63  }
0x12: {  	_ =	swait.ge [sflag:s10], $0x186A0  }
0x13: {  	[sflag:s10] =	ssyncset.done $0x0  }
0x14: {  	s13 =	simm.s32 $0x186C0;
	[sflag:s10] =	ssyncadd.s32 $0xFFFE7960  }
0x15: {  	v0 =	vld [tilespmem:s13+$0x10];
	_ =	sdelay $0x1  }
0x16: {  	v2 =	vld [tilespmem:s13+$0xFFFFFFE0]  }
0x17: {  	v3 =	vld [tilespmem:s13+$0xFFFFFFF0]  }
0x18: {  	s31 =	simm.s32 $0x18700;
	v4 =	vld [tilespmem:s13+$0x0]  }
0x19: {  	v7 =	vld [tilespmem:s31+$0x10]  }
0x1a: {  	v1 =	vld [tilespmem:s31+$0xFFFFFFF0]  }
0x1b: {  	v6 =	vld [tilespmem:s31+$0xFFFFFFE0]  }
0x1c: {  	v8 =	vld.idx.msk [tilespmem:v0+s3+$0x0], $0xffff  }
0x1d: {  	v0 =	vld [tilespmem:s31+$0x0]  }
0x1e: {  	v5 =	vld.idx.msk [tilespmem:v2+s3+$0x0], $0xffff  }
0x1f: {  	v2 =	vld.idx.msk [tilespmem:v3+s3+$0x0], $0xffff  }
0x20: {  	s13 =	simm.s32 $0x196C0;
	v3 =	vld.idx.msk [tilespmem:v4+s3+$0x0], $0xffff  }
0x21: {  	s14 =	simm.s32 $0x4;
	s15 =	simm.s32 $0x18740;
	v4 =	vld.idx.msk [tilespmem:v7+s3+$0x0], $0xffff;
	[tilespmem:s13+$0x10] =	vst v8  }
.LBB2_2:
0x22: {  	v7 =	vld [tilespmem:s15+$0x10];
	s14 =	sadd.s32 $0x4, s14  }
0x23: {  	v8 =	vld [tilespmem:s15+$0xFFFFFFF0];
	p0 =	slt.u32 s14, $0xFC;
	[tilespmem:s13+$0xFFFFFFE0] =	vst v5  }
0x24: {  	v9 =	vld [tilespmem:s15+$0x0];
	[tilespmem:s13+$0xFFFFFFF0] =	vst v2  }
0x25: {  	v10 =	vld [tilespmem:s15+$0xFFFFFFE0];
	[tilespmem:s13+$0x0] =	vst v3  }
.Ltmp0:
0x26: {  	s13 =	sadd.s32 $0x40, s13;
	v5 =	vld.idx.msk [tilespmem:v6+s3+$0x0], $0xffff;
	(pc) =	sbr.rel @p0 .LBB2_2-.Ltmp0, $4  }
0x27: {  	v2 =	vld.idx.msk [tilespmem:v1+s3+$0x0], $0xffff;
	[tilespmem:s13+$0x10] =	vst v4  }
0x28: {  	v3 =	vld.idx.msk [tilespmem:v0+s3+$0x0], $0xffff;
	v1 =	vmov v8  }
0x29: {  	v0 =	vmov v9  }
0x2a: {  	s15 =	sadd.s32 $0x40, s15;
	v4 =	vld.idx.msk [tilespmem:v7+s3+$0x0], $0xffff;
	v6 =	vmov v10  }
0x2b: {  	_ =	sdelay $0x3  }
0x2c: {  	v6 =	vld.idx.msk [tilespmem:v6+s3+$0x0], $0xffff  }
0x2d: {  	[tilespmem:s13+$0xFFFFFFE0] =	vst v5;
	v1 =	vld.idx.msk [tilespmem:v1+s3+$0x0], $0xffff  }
0x2e: {  	v0 =	vld.idx.msk [tilespmem:v0+s3+$0x0], $0xffff;
	[tilespmem:s13+$0xFFFFFFF0] =	vst v2  }
0x2f: {  	s29 =	sadd.s32 $0x40, s13;
	[tilespmem:s13+$0x0] =	vst v3  }
0x30: {  	[tilespmem:s29+$0x10] =	vst v4  }
0x31: {  	[tilespmem:s29+$0xFFFFFFE0] =	vst v6  }
0x32: {  	[tilespmem:s29+$0xFFFFFFF0] =	vst v1  }
0x33: {  	[tilespmem:s29+$0x0] =	vst v0  }
0x34: {  	[hbm4b:s5+s3] =	stream.linear.scatter [tilespmem:s11], [sflag:$0x1], $0x1000, $0x38;
	[tilespmem:$0x1A6A0] =	vst v63  }
0x35: {  	_ =	swait.ge [sflag:s10], $0x1000  }
0x36: {  	[sflag:s10] =	ssyncset.done $0x0  }
0x37: {  	[sflag:s10] =	ssyncadd.s32 $0xFFFFF000  }
0x38: {  	[tilespmem:s3], [sflag:$0x1] =	stream.linear.gather [hbm4b:s6+s3], $0x186A0, $0x38;
	[tilespmem:$0x1A6A0] =	vst v63  }
0x39: {  	_ =	swait.ge [sflag:s10], $0x186A0  }
0x3a: {  	[sflag:s10] =	ssyncset.done $0x0  }
0x3b: {  	s30 =	simm.s32 $0x186C0;
	[sflag:s10] =	ssyncadd.s32 $0xFFFE7960  }
0x3c: {  	v0 =	vld [tilespmem:s30+$0x10];
	_ =	sdelay $0x1  }
0x3d: {  	v2 =	vld [tilespmem:s30+$0xFFFFFFE0]  }
0x3e: {  	v3 =	vld [tilespmem:s30+$0xFFFFFFF0]  }
0x3f: {  	s31 =	simm.s32 $0x18700;
	v4 =	vld [tilespmem:s30+$0x0]  }
0x40: {  	v7 =	vld [tilespmem:s31+$0x10]  }
0x41: {  	v1 =	vld [tilespmem:s31+$0xFFFFFFF0]  }
0x42: {  	v6 =	vld [tilespmem:s31+$0xFFFFFFE0]  }
0x43: {  	v8 =	vld.idx.msk [tilespmem:v0+s3+$0x0], $0xffff  }
0x44: {  	v0 =	vld [tilespmem:s31+$0x0]  }
0x45: {  	v5 =	vld.idx.msk [tilespmem:v2+s3+$0x0], $0xffff  }
0x46: {  	v2 =	vld.idx.msk [tilespmem:v3+s3+$0x0], $0xffff  }
0x47: {  	s13 =	simm.s32 $0x196C0;
	v3 =	vld.idx.msk [tilespmem:v4+s3+$0x0], $0xffff  }
0x48: {  	s14 =	simm.s32 $0x4;
	s15 =	simm.s32 $0x18740;
	v4 =	vld.idx.msk [tilespmem:v7+s3+$0x0], $0xffff;
	[tilespmem:s13+$0x10] =	vst v8  }
.LBB2_4:
0x49: {  	v7 =	vld [tilespmem:s15+$0x10];
	s14 =	sadd.s32 $0x4, s14  }
0x4a: {  	v8 =	vld [tilespmem:s15+$0xFFFFFFF0];
	p0 =	slt.u32 s14, $0xFC;
	[tilespmem:s13+$0xFFFFFFE0] =	vst v5  }
0x4b: {  	v9 =	vld [tilespmem:s15+$0x0];
	[tilespmem:s13+$0xFFFFFFF0] =	vst v2  }
0x4c: {  	v10 =	vld [tilespmem:s15+$0xFFFFFFE0];
	[tilespmem:s13+$0x0] =	vst v3  }
.Ltmp1:
0x4d: {  	s13 =	sadd.s32 $0x40, s13;
	v5 =	vld.idx.msk [tilespmem:v6+s3+$0x0], $0xffff;
	(pc) =	sbr.rel @p0 .LBB2_4-.Ltmp1, $4  }
0x4e: {  	v2 =	vld.idx.msk [tilespmem:v1+s3+$0x0], $0xffff;
	[tilespmem:s13+$0x10] =	vst v4  }
0x4f: {  	v3 =	vld.idx.msk [tilespmem:v0+s3+$0x0], $0xffff;
	v1 =	vmov v8  }
0x50: {  	v0 =	vmov v9  }
0x51: {  	s15 =	sadd.s32 $0x40, s15;
	v4 =	vld.idx.msk [tilespmem:v7+s3+$0x0], $0xffff;
	v6 =	vmov v10  }
0x52: {  	_ =	sdelay $0x3  }
0x53: {  	v6 =	vld.idx.msk [tilespmem:v6+s3+$0x0], $0xffff  }
0x54: {  	[tilespmem:s13+$0xFFFFFFE0] =	vst v5;
	v1 =	vld.idx.msk [tilespmem:v1+s3+$0x0], $0xffff  }
0x55: {  	v0 =	vld.idx.msk [tilespmem:v0+s3+$0x0], $0xffff;
	[tilespmem:s13+$0xFFFFFFF0] =	vst v2  }
0x56: {  	s31 =	sadd.s32 $0x40, s13;
	[tilespmem:s13+$0x0] =	vst v3  }
0x57: {  	[tilespmem:s31+$0x10] =	vst v4  }
0x58: {  	s12 =	sadd.s32 $0x1, s12;
	[tilespmem:s31+$0xFFFFFFE0] =	vst v6  }
0x59: {  	p0 =	sne.s32 s12, s8;
	[tilespmem:s31+$0xFFFFFFF0] =	vst v1  }
.Ltmp2:
0x5a: {  	[tilespmem:s31+$0x0] =	vst v0;
	(pc) =	sbr.rel @p0 .LBB2_1-.Ltmp2, $4  }
0x5b: {  	[hbm4b:s7+s3] =	stream.linear.scatter [tilespmem:s11], [sflag:$0x1], $0x1000, $0x38;
	[tilespmem:$0x1A6A0] =	vst v63  }
0x5c: {  	_ =	swait.ge [sflag:s10], $0x1000  }
0x5d: {  	[sflag:s10] =	ssyncset.done $0x0  }
0x5e: {  	[sflag:s10] =	ssyncadd.s32 $0xFFFFF000  }
0x5f: {  	_ =	sfence.sel $0x180000  }
0x60: {  	[bflag:$0x0] =	sbarrier.arrive $0xFFFF  }
0x61: {  	p0 =	sne.s32 s1, $0x0;
	_ =	strace $0x9000004A  }
0x62: {  	s0 =	sadd.s32 @!p0 $0x100000, s0;
	[bflag:$0x2] =	sbarrier.arrive $0xFFFF  }
0x63: {  	[sflag:s0] =	ssyncadd.tile.s32 @!p0 $0x1;
	_ =	shalt  }
.Lfunc_end2:
_tile_overlayer_lowered:
.L_overlay_start_2:
0x64: {  	(tag) =	ssettag $0x2  }
0x65: {  	s0 =	rddreg [dreg:$0x0];
	s2 =	stileid.u32  }
0x66: {  	s1 =	rddreg [dreg:$0x1];
	p0 =	sne.s32 s2, $0x0  }
0x67: {  	s3 =	rddreg [dreg:$0x2];
	[bflag:$0x3] =	sbarrier.arrive $0xFFFF;
	s2 =	simm.s32 @!p0 $0x1C01  }
0x68: {  	[timem:s3], [sflag:s2] =	dma.local @!p0 [hbm:s0], s1  }
0x69: {  	s0 =	simm.s32 @!p0 $0x1  }
0x6a: {  	_ =	swait.ge @!p0 [sflag:s0], s1  }
0x6b: {  	s1 =	ssub.s32 @!p0 $0x0, s1;
	[sflag:s0] =	ssyncset.done @!p0 $0x0  }
0x6c: {  	[sflag:s0] =	ssyncadd.s32 @!p0 s1  }
0x6d: {  	[bflag:$0x3] =	sbarrier.arrive $0xFFFF  }
0x6e: {  	_ =	shalt  }

// kernel: kernel.7.cloned.1.call-start
scs
__scs_entry_jumppad:
0x0: {  	(pc) =	sbr.rel $0x88, $3  }
0x1: {  	(tag) =	ssettag $0x0;
	lr =	simm.s32 $0x1  }
0x2: {  	[smem:$0x3F9C] =	sst lr;
	_ =	strace $0xD0000000  }
0x3: {  	_ = 	snop  }
0x4: {  	_ = 	snop  }
0x5: {  	_ = 	snop  }
0x6: {  	_ = 	snop  }
0x7: {  	_ = 	snop  }
__scs_overlays_trampoline_lowered:
0x8: {  	[smem:$0x3FAB] =	sst s0  }
0x9: {  	[smem:$0x3FAC] =	sst s1  }
0xa: {  	[smem:$0x3FAD] =	sst s2  }
0xb: {  	[smem:$0x3FAE] =	sst s3  }
0xc: {  	[smem:$0x3FAF] =	sst s4  }
0xd: {  	[smem:$0x3FB0] =	sst s5  }
0xe: {  	[smem:$0x3FB1] =	sst s6  }
0xf: {  	[smem:$0x3FB2] =	sst s7  }
0x10: {  	[smem:$0x3FB3] =	sst s8  }
0x11: {  	[smem:$0x3FB4] =	sst s9;
	s0 =	simm.s32 @!p0 $0x0  }
0x12: {  	s1 =	sld [smem:$0x3F9A];
	s0 =	simm.s32 @p0 $0x1  }
0x13: {  	[smem:$0x3FB5] =	sst s0;
	s0 =	simm.s32 @!p1 $0x0  }
0x14: {  	s2 =	sld [smem:$0x3F99];
	s0 =	simm.s32 @p1 $0x1  }
0x15: {  	[smem:$0x3FB6] =	sst s0;
	s0 =	simm.s32 @!p2 $0x0  }
0x16: {  	s3 =	sld [smem:$0x3FDB];
	s0 =	simm.s32 @p2 $0x1  }
0x17: {  	s4 =	simm.s32 $0x1BF5;
	[smem:$0x3FB8] =	sst s0  }
0x18: {  	s0 =	sld [smem:$0x3F9B];
	_ =	swait.ge [sflag:s4], $0x0  }
0x19: {  	s7 =	sld [smem:$0x3F9C]  }
0x1a: {  	s8 =	sadd.s32 $0xFFFFE003, lr  }
0x1b: {  	s9 =	sadd.s32 $0xFFFFFEF7, lr;
	s5 =	simm.s32 $0xFFFFFFFF;
	p2 =	slt.u32 s8, $0xFFFFF086  }
0x1c: {  	p1 =	slt.u32 s9, $0xF7A;
	s5 =	simm.s32 @!p2 $0x0  }
0x1d: {  	s5 =	simm.s32 @p1 $0x1;
	p0 =	seq.s32 s7, s2  }
0x1e: {  	s7 =	smul.u32 @!p0 $0xF7A, s2;
	p2 =	seq.s32 @!p0 s5, $0x0  }
0x1f: {  	s9 =	smul.u32 $0xF7A, s1;
	s8 =	simm.s32 @!p0 $0x1BF5;
	p2 =	por !p2, p0  }
0x20: {  	[sflag:s8] =	ssyncset.s32 @!p0 $0xFFFFF086;
	s6 =	sadd.s32 @!p0 s3, s7;
	s7 =	simm.s32 @!p0 $0x108  }
0x21: {  	s3 =	sadd.s32 s3, s9;
	s6 =	sadd.s32 @!p0 $0x88, s6;
	s7 =	simm.s32 @p2 $0x1082  }
0x22: {  	[simem:s7], [sflag:s8] =	dma.local @!p0 [hbm:s6], $0xF7A  }
0x23: {  	s9 =	sor.u32 $0xD0000000, s2;
	s6 =	simm.s32 $0x108;
	_ =	swait.ge @!p0 [sflag:s8], $0x0  }
0x24: {  	s3 =	sadd.s32 $0x88, s3;
	s6 =	simm.s32 @!p1 $0x1082;
	[sflag:s4] =	ssyncset.s32 $0xFFFFF086  }
0x25: {  	[simem:s6], [sflag:s4] =	dma.local [hbm:s3], $0xF7A  }
0x26: {  	[smem:$0x3F9C] =	sst s1;
	(tag) =	ssettag s2;
	_ =	strace s9  }
0x27: {  	s1 =	sld [smem:$0x3FAC]  }
0x28: {  	s2 =	sld [smem:$0x3FAD]  }
0x29: {  	s4 =	sld [smem:$0x3FAF]  }
0x2a: {  	p0 =	seq.s32 s5, $0x0;
	s5 =	sld [smem:$0x3FB0]  }
0x2b: {  	s6 =	sld [smem:$0x3FB1]  }
0x2c: {  	s7 =	sld [smem:$0x3FB2]  }
0x2d: {  	s3 =	simm.s32 $0x108;
	s8 =	sld [smem:$0x3FB3]  }
0x2e: {  	s3 =	simm.s32 @!p0 $0x1082;
	s9 =	sld [smem:$0x3FB4]  }
0x2f: {  	lr =	sadd.s32 s0, s3;
	s0 =	sld [smem:$0x3FAB]  }
0x30: {  	s3 =	sld [smem:$0x3FAE]  }
0x31: {  	[smem:$0x3FB7] =	sst s10  }
0x32: {  	s10 =	sld [smem:$0x3FB5];
	_ =	sdelay $0x3  }
0x33: {  	p0 =	seq.s32 s10, $0x1;
	s10 =	sld [smem:$0x3FB7];
	_ =	sdelay $0x3  }
0x34: {  	[smem:$0x3FB7] =	sst s10  }
0x35: {  	s10 =	sld [smem:$0x3FB6];
	_ =	sdelay $0x3  }
0x36: {  	p1 =	seq.s32 s10, $0x1;
	s10 =	sld [smem:$0x3FB7];
	_ =	sdelay $0x3  }
0x37: {  	[smem:$0x3FB7] =	sst s10  }
0x38: {  	s10 =	sld [smem:$0x3FB8]  }
0x39: {  	_ = 	snop;
	(pc) =	sbr.ind lr, $3  }
0x3a: {  	_ = 	snop  }
0x3b: {  	_ = 	snop  }
0x3c: {  	p2 =	seq.s32 s10, $0x1;
	s10 =	sld [smem:$0x3FB7]  }
0x3d: {  	_ =	shalt  }
0x3e: {  	_ =	shalt  }
0x3f: {  	_ =	shalt  }
0x40: {  	_ =	shalt  }
0x41: {  	_ =	shalt  }
0x42: {  	_ =	shalt  }
0x43: {  	_ =	shalt  }
0x44: {  	_ =	shalt  }
0x45: {  	_ =	shalt  }
0x46: {  	_ =	shalt  }
0x47: {  	_ =	shalt  }
0x48: {  	_ =	shalt  }
0x49: {  	_ =	shalt  }
0x4a: {  	_ =	shalt  }
0x4b: {  	_ =	shalt  }
0x4c: {  	_ =	shalt  }
0x4d: {  	_ =	shalt  }
0x4e: {  	_ =	shalt  }
0x4f: {  	_ =	shalt  }
0x50: {  	_ =	shalt  }
0x51: {  	_ =	shalt  }
0x52: {  	_ =	shalt  }
0x53: {  	_ =	shalt  }
0x54: {  	_ =	shalt  }
0x55: {  	_ =	shalt  }
0x56: {  	_ =	shalt  }
0x57: {  	_ =	shalt  }
0x58: {  	_ =	shalt  }
0x59: {  	_ =	shalt  }
0x5a: {  	_ =	shalt  }
0x5b: {  	_ =	shalt  }
0x5c: {  	_ =	shalt  }
0x5d: {  	_ =	shalt  }
0x5e: {  	_ =	shalt  }
0x5f: {  	_ =	shalt  }
0x60: {  	_ =	shalt  }
0x61: {  	_ =	shalt  }
0x62: {  	_ =	shalt  }
0x63: {  	_ =	shalt  }
0x64: {  	_ =	shalt  }
0x65: {  	_ =	shalt  }
0x66: {  	_ =	shalt  }
0x67: {  	_ =	shalt  }
0x68: {  	_ =	shalt  }
0x69: {  	_ =	shalt  }
0x6a: {  	_ =	shalt  }
0x6b: {  	_ =	shalt  }
0x6c: {  	_ =	shalt  }
0x6d: {  	_ =	shalt  }
0x6e: {  	_ =	shalt  }
0x6f: {  	_ =	shalt  }
0x70: {  	_ =	shalt  }
0x71: {  	_ =	shalt  }
0x72: {  	_ =	shalt  }
0x73: {  	_ =	shalt  }
0x74: {  	_ =	shalt  }
0x75: {  	_ =	shalt  }
0x76: {  	_ =	shalt  }
0x77: {  	_ =	shalt  }
0x78: {  	_ =	shalt  }
0x79: {  	_ =	shalt  }
0x7a: {  	_ =	shalt  }
0x7b: {  	_ =	shalt  }
0x7c: {  	_ =	shalt  }
0x7d: {  	_ =	shalt  }
0x7e: {  	_ =	shalt  }
0x7f: {  	_ =	shalt  }
0x80: {  	_ =	shalt  }
0x81: {  	_ =	shalt  }
0x82: {  	_ =	shalt  }
0x83: {  	_ =	shalt  }
0x84: {  	_ =	shalt  }
0x85: {  	_ =	shalt  }
0x86: {  	_ =	shalt  }
0x87: {  	_ =	shalt  }
.Lfunc_end0:
.L_simem_size_0:
called_computation.2_lowered:
.L_overlay_start_0:
0x88: {  	s2 =	sld [smem:$0x3FD9]  }
0x89: {  	s3 =	sld [smem:$0x3FFE];
	_ =	sdelay $0x1  }
0x8a: {  	s1 =	srdreg.scid  }
0x8b: {  	s0 =	sand.u32 $0x1, s1  }
0x8c: {  	s17 =	sshll.u32 s0, $0xA;
	s2 =	sadd.s32 s3, s2  }
0x8d: {  	s2 =	sadd.s32 s2, s17  }
0x8e: {  	[smem:$0x3FC3] =	sst s2  }
0x8f: {  	_ = 	snop  }
0x90: {  	s2 =	sld [smem:$0x3FD0];
	(tm) =	ssettm $0x1  }
0x91: {  	s18 =	sld [smem:$0x3FFB];
	_ =	sdelay $0x3  }
0x92: {  	_ =	strace s18  }
0x93: {  	s3 =	sld [smem:$0x3FFC];
	_ =	sdelay $0x3  }
0x94: {  	_ =	strace s3  }
0x95: {  	s3 =	sld [smem:$0x3FFD];
	_ =	sdelay $0x3  }
0x96: {  	_ =	strace s3  }
0x97: {  	_ =	strace $0x8FFFFFFF  }
0x98: {  	s19 =	sld [smem:$0x3FDB];
	_ =	sdelay $0x1  }
0x99: {  	s4 =	simm.s32 $_scs_section_size  }
0x9a: {  	s5 =	simm.s32 $_size__tile_overlayer_lowered;
	s6 =	simm.s32 $_tile_overlayer_lowered  }
0x9b: {  	s22 =	simm.s32 $0x1BFF;
	s21 =	sshll.u32 s6, $0x1;
	s3 =	sadd.s32 s4, s19  }
0x9c: {  	s7 =	simm.s32 $0x0;
	s20 =	sshll.u32 s5, $0x1;
	s5 =	sadd.s32 s21, s3  }
0x9d: {  	[timem:s7], [sflag:s22] =	dma.local [hbm:s5], s20  }
0x9e: {  	_ =	swait.ge [sflag:s22], s20  }
0x9f: {  	s4 =	ssub.s32 $0x0, s20;
	[sflag:s22] =	ssyncset.done $0x0  }
0xa0: {  	[sflag:s22] =	ssyncadd.s32 s4;
	_ =	sdelay $0x1  }
0xa1: {  	s23 =	simm.s32 $0x1B8B  }
0xa2: {  	_ =	swait.ge [sflag:s23], $0x1  }
0xa3: {  	[sflag:s23] =	ssyncset.done $0x0  }
0xa4: {  	s25 =	simm.s32 $0x1B8E;
	s24 =	sld [smem:$0x3FFE];
	[sflag:s23] =	ssyncadd.s32 $0xFFFFFFFF  }
0xa5: {  	s26 =	simm.s32 $execute0_lowered;
	[smem:$0x3FD2] =	sst s25  }
0xa6: {  	s5 =	sshll.u32 s26, $0x1;
	_ =	strace $0x8000004C;
	[dreg:$0x1] =	wrdreg $0xFFFFFFFF  }
0xa7: {  	s28 =	simm.s32 $_size_execute0_lowered;
	s3 =	sadd.s32 s3, s5;
	[dreg:$0x0] =	wrdreg $0x0  }
0xa8: {  	s5 =	sshll.u32 s28, $0x1;
	[dreg:$0x2] =	wrdreg s3  }
0xa9: {  	[dreg:$0x3] =	wrdreg s5  }
0xaa: {  	[dreg:$0x4] =	wrdreg $0xC0  }
0xab: {  	_ =	task [dreg:s7], $0x5FFFF  }
0xac: {  	[dreg:$0x1] =	wrdreg $0xFFFFFFFF  }
0xad: {  	[dreg:$0x0] =	wrdreg $0x60  }
0xae: {  	[dreg:$0x2] =	wrdreg s2  }
0xaf: {  	[dreg:$0x3] =	wrdreg s24  }
0xb0: {  	[dreg:$0x4] =	wrdreg $0x9  }
0xb1: {  	_ =	task.clear_ibuf [dreg:s7], $0x5FFFF;
	_ =	strace $0x9000004C  }
0xb2: {  	s29 =	simm.s32 $0x9;
	_ =	strace $0x8000004E  }
0xb3: {  	_ =	swait.ge [sflag:s29], $0x1  }
0xb4: {  	[sflag:s29] =	ssyncadd.s32 $0xFFFFFFFF  }
0xb5: {  	_ =	strace $0x9000004E  }
0xb6: {  	_ =	sfence  }
0xb7: {  	s30 =	sld [smem:$0x0];
	_ =	sdelay $0x2  }
0xb8: {  	s31 =	sshll.u32 s1, $0xD;
	s1 =	sshrl.u32 s1, $0x2  }
0xb9: {  	s3 =	sand.u32 $0x4000, s31;
	s1 =	sadd.s32 s1, s30  }
0xba: {  	s0 =	sor.u32 s3, s0;
	s1 =	sshll.u32 s1, $0x11  }
0xbb: {  	s0 =	sor.u32 s1, s0  }
0xbc: {  	s0 =	sadd.s32 $0x8F2B, s0  }
0xbd: {  	[sflag:s0] =	ssyncadd.remote.s32 $0x1  }
0xbe: {  	_ =	sfence.sel $0xFFFF  }
0xbf: {  	[dreg:$0x0] =	wrdreg $0xFFFFFFFF;
	(pc) =	sbr.abs _section_cstart, $3  }
0xc0: {  	[dreg:$0x1] =	wrdreg $0xFFFFFFFF  }
0xc1: {  	_ =	task.clear_ibuf [dreg:s7], $0x2FFFF;
	_ =	strace $0x9FFFFFFF  }
0xc2: {  	(tm) =	ssettm $0x7FFFFFFF  }
0xc3: {  	_ =	shalt  }
tec
execute0_lowered:
.L_overlay_start_1:
0x0: {  	(tag) =	ssettag $0x1  }
0x1: {  	s2 =	rddreg [dreg:$0x0]  }
0x2: {  	s0 =	rddreg [dreg:$0x1];
	s1 =	srdreg.scid  }
0x3: {  	s4 =	stileid.u32;
	s3 =	simm.s32 $0x0;
	s18 =	simm.s32 $0x80  }
0x4: {  	s19 =	simm.s32 $0x1000;
	s28 =	simm.s32 $0x1;
	s29 =	simm.s32 $0x1CC00  }
0x5: {  	s30 =	simm.s32 $0x2;
	s1 =	sand.u32 $0x1, s1;
	s4 =	sshll.u32 s4, $0x8  }
0x6: {  	[smem:$0x7FF] =	sst s3;
	s6 =	sadd.s32 $0xCC800, s0;
	s5 =	sshll.u32 s1, $0x7  }
0x7: {  	_ =	strace $0x8000004D;
	s1 =	ssub.s32 $0x2, s1;
	s4 =	sor.u32 s5, s4  }
0x8: {  	[dreg:$0x3] =	wrdreg s6;
	s8 =	sshrl.u32 s1, $0x1;
	s5 =	sshrl.u32 s4, $0x3  }
0x9: {  	s6 =	sadd.s32 $0xE7800, s0;
	s21 =	ssub.s32 s1, s8;
	s22 =	sadd.s32 s2, s5  }
0xa: {  	s7 =	sadd.s32 s5, s0;
	s0 =	smax.u32 s21, $0x1;
	[dreg:$0x4] =	wrdreg s22  }
0xb: {  	s31 =	simm.s32 $0x3;
	s23 =	sadd.s32 $0xC4800, s7;
	[dreg:$0xa] =	wrdreg s0  }
0xc: {  	s12 =	sor.u32 $0x140000, s4;
	s24 =	sadd.s32 $0xCE800, s7;
	[dreg:$0x5] =	wrdreg s23  }
.Ltmp0:
0xd: {  	s25 =	sadd.s32 $0x8000, s22;
	[dreg:$0x6] =	wrdreg s24;
	(pc) =	sbr.rel .LBB2_1-.Ltmp0, $4  }
0xe: {  	s13 =	sor.u32 $0x180000, s4;
	s1 =	sadd.s32 $0x10000, s22;
	[dreg:$0x7] =	wrdreg s25  }
0xf: {  	s14 =	sor.u32 $0x1C0000, s4;
	s26 =	sadd.s32 $0xDB000, s7;
	[dreg:$0x8] =	wrdreg s1  }
0x10: {  	s8 =	simm.s32 $0x0;
	s0 =	simm.s32 $0x4;
	[dreg:$0x9] =	wrdreg s26  }
0x11: {  	s25 =	simm.s32 $0x9;
	s26 =	simm.s32 $0x1AC00;
	s1 =	simm.s32 $0x5  }
.LBB2_18:
0x12: {  	s5 =	simm.s32 $0x6  }
0x13: {  	_ =	swait.ge [sflag:s5], $0x2000  }
0x14: {  	[sflag:s5] =	ssyncset.done $0x0  }
0x15: {  	s22 =	simm.s32 $0x7;
	[sflag:s5] =	ssyncadd.s32 $0xFFFFE000  }
0x16: {  	_ =	swait.ge [sflag:s22], $0x2000  }
0x17: {  	[sflag:s22] =	ssyncset.done $0x0  }
0x18: {  	s23 =	simm.s32 $0x8;
	[sflag:s22] =	ssyncadd.s32 $0xFFFFE000  }
0x19: {  	_ =	swait.ge [sflag:s23], $0x2000  }
0x1a: {  	[sflag:s23] =	ssyncset.done $0x0  }
0x1b: {  	[sflag:s23] =	ssyncadd.s32 $0xFFFFE000  }
0x1c: {  	_ =	swait.ge [sflag:s25], $0x2000  }
0x1d: {  	[sflag:s25] =	ssyncset.done $0x0  }
0x1e: {  	s7 =	simm.s32 $0xA;
	[sflag:s25] =	ssyncadd.s32 $0xFFFFE000  }
0x1f: {  	_ =	swait.ge [sflag:s7], $0x2000  }
0x20: {  	s8 =	rddreg [dreg:$0xb]  }
0x21: {  	s24 =	rddreg [dreg:$0xa];
	s8 =	sadd.s32 $0x1, s8  }
0x22: {  	p0 =	sne.s32 s8, s24  }
.Ltmp1:
0x23: {  	_ = 	snop;
	(pc) =	sbr.rel @!p0 .LBB2_19-.Ltmp1, $3  }
0x24: {  	_ =	sdelay $0x1  }
0x25: {  	[sflag:s7] =	ssyncset.done $0x0  }
0x26: {  	[sflag:s7] =	ssyncadd.s32 $0xFFFFE000  }
.LBB2_1:
0x27: {  	[dreg:$0xb] =	wrdreg s8  }
0x28: {  	s5 =	rddreg [dreg:$0x3];
	s7 =	simm.s32 $0xB  }
0x29: {  	[tilespmem:s3], [sflag:$0xB] =	stream.linear.gather [hbm4b:s5+s3], $0xFA00, $0x38;
	[tilespmem:$0x1EC00] =	vst v63  }
0x2a: {  	_ =	swait.ge [sflag:s7], $0xFA00  }
0x2b: {  	[sflag:s7] =	ssyncset.done $0x0  }
0x2c: {  	s11 =	simm.s32 $0xFA00;
	s10 =	rddreg [dreg:$0x5];
	[sflag:s7] =	ssyncadd.s32 $0xFFFF0600  }
0x2d: {  	[tilespmem:s11], [sflag:$0xB] =	stream.strided.gather [hbm4b:s10+s18], $0x2000, s19, s18, $0x38;
	[tilespmem:$0x1EC00] =	vst v63  }
0x2e: {  	_ =	swait.ge [sflag:s7], $0x2000  }
0x2f: {  	[sflag:s7] =	ssyncset.done $0x0  }
0x30: {  	s16 =	simm.s32 $0x11A00;
	s15 =	rddreg [dreg:$0x6];
	[sflag:s7] =	ssyncadd.s32 $0xFFFFE000  }
0x31: {  	[tilespmem:s16], [sflag:$0xB] =	stream.strided.gather [hbm4b:s15+s18], $0x3200, s19, s18, $0x38;
	[tilespmem:$0x1EC00] =	vst v63  }
0x32: {  	_ =	swait.ge [sflag:s7], $0x3200  }
0x33: {  	[sflag:s7] =	ssyncset.done $0x0  }
0x34: {  	s20 =	simm.s32 $0x14C00;
	s17 =	rddreg [dreg:$0x4];
	[sflag:s7] =	ssyncadd.s32 $0xFFFFCE00  }
0x35: {  	[tilespmem:s20], [sflag:$0x1] =	stream.strided.gather [hbm4b:s17+s18], $0x2000, s19, s18, $0x38;
	[tilespmem:$0x1EC00] =	vst v63  }
0x36: {  	s22 =	simm.s32 $0x16C00;
	s21 =	rddreg [dreg:$0x7]  }
0x37: {  	[tilespmem:s22], [sflag:$0x2] =	stream.strided.gather [hbm4b:s21+s18], $0x2000, s19, s18, $0x38;
	[tilespmem:$0x1EC00] =	vst v63  }
0x38: {  	s24 =	simm.s32 $0x18C00;
	s11 =	simm.s32 $0x0;
	s23 =	rddreg [dreg:$0x8]  }
0x39: {  	[tilespmem:s24], [sflag:$0x3] =	stream.strided.gather [hbm4b:s23+s18], $0x2000, s19, s18, $0x38;
	[tilespmem:$0x1EC00] =	vst v63  }
.LBB2_2:
0x3a: {  	p0 =	sne.s32 s11, $0x14  }
.Ltmp2:
0x3b: {  	_ = 	snop;
	(pc) =	sbr.rel @p0 .LBB2_5-.Ltmp2, $1  }
0x3c: {  	_ =	sdelay $0x3  }
0x3d: {  	s5 =	rddreg [dreg:$0x9]  }
.Ltmp3:
0x3e: {  	s7 =	simm.s32 $0x11A00;
	s24 =	simm.s32 $0xB;
	(pc) =	sbr.rel .LBB2_4-.Ltmp3, $4  }
0x3f: {  	[tilespmem:s7], [sflag:$0xB] =	stream.strided.gather [hbm4b:s5+s18], $0x3200, s19, s18, $0x38;
	[tilespmem:$0x1EC00] =	vst v63  }
0x40: {  	_ =	swait.ge [sflag:s24], $0x3200  }
0x41: {  	[sflag:s24] =	ssyncset.done $0x0  }
0x42: {  	s9 =	simm.s32 $0x64;
	s20 =	simm.s32 $0x67;
	[sflag:s24] =	ssyncadd.s32 $0xFFFFCE00  }
.LBB2_5:
0x43: {  	p0 =	seq.s32 s11, $0x0  }
.Ltmp4:
0x44: {  	_ = 	snop;
	(pc) =	sbr.rel @p0 .LBB2_6-.Ltmp4, $3  }
0x45: {  	_ = 	snop  }
0x46: {  	s9 =	smul.u32 $0x5, s11;
	_ =	sdelay $0x1  }
0x47: {  	s20 =	sadd.s32 $0x3, s9  }
.LBB2_4:
0x48: {  	_ =	swait.ge [sflag:s25], $0x2000  }
0x49: {  	[sflag:s25] =	ssyncset.done $0x0  }
0x4a: {  	p0 =	por $0x0, $0x0;
	[sflag:s25] =	ssyncadd.s32 $0xFFFFE000  }
.LBB2_7:
0x4b: {  	s5 =	sshll.u32 s20, $0x12  }
0x4c: {  	s5 =	sor.u32 s4, s5  }
0x4d: {  	s16 =	sshrl.u32 s5, $0x3  }
0x4e: {  	s5 =	sadd.s32 s2, s16  }
0x4f: {  	[tilespmem:s26], [sflag:$0x4] =	stream.strided.gather [hbm4b:s5+s18], $0x2000, s19, s18, $0x38;
	[tilespmem:$0x1EC00] =	vst v63  }
0x50: {  	s5 =	sshll.u32 s9, $0x7;
	_ =	swait.ge [sflag:s28], $0x2000  }
0x51: {  	p1 =	slt.u32 s9, $0x64;
	s7 =	sadd.s32 $0xFFFFCE00, s5;
	[sflag:s28] =	ssyncset.done $0x0  }
0x52: {  	s15 =	simm.s32 $0x1;
	s7 =	smov.u32 @p1 s5;
	[sflag:s28] =	ssyncadd.s32 $0xFFFFE000  }
0x53: {  	v0 =	vmov s15;
	v7 =	vld [tilespmem:s7+$0x11A00]  }
0x54: {  	v0 =	vmul.u32 $0x3E8, v0;
	_ =	sdelay $0x1  }
0x55: {  	v9 =	vbroadcast v0, $0x0  }
0x56: {  	s17 =	simm.s32 $0x0  }
0x57: {  	v1 =	vmov s17;
	v0 =	vadd.s32 v7, v9  }
0x58: {  	v1 =	vmul.u32 $0x3E8, v1;
	v6 =	vld [tilespmem:s7+$0x11A10]  }
0x59: {  	v5 =	vld [tilespmem:s7+$0x11A20]  }
0x5a: {  	v8 =	vbroadcast v1, $0x0;
	s5 =	simm.s32 $0x0;
	v4 =	vld [tilespmem:s7+$0x11A30]  }
0x5b: {  	v12 =	vld [tilespmem:s5+$0xFA80]  }
0x5c: {  	v11 =	vadd.s32 v7, v8;
	v10 =	vld.idx.msk [tilespmem:v0+s3+$0x0], $0xffff  }
0x5d: {  	v3 =	vld [tilespmem:s7+$0x11A40]  }
0x5e: {  	v2 =	vld [tilespmem:s7+$0x11A50]  }
0x5f: {  	v1 =	vld [tilespmem:s7+$0x11A60];
	v13 =	vadd.s32 v6, v9  }
0x60: {  	v0 =	vld [tilespmem:s7+$0x11A70]  }
0x61: {  	v11 =	vld.idx.msk [tilespmem:v11+s3+$0x0], $0xffff;
	v10 =	vadd.f32 v12, v10  }
0x62: {  	v12 =	vld [tilespmem:s5+$0xFA00]  }
0x63: {  	[tilespmem:s5+$0x14C80] =	vst.add.f32.msk $0xffff, v10  }
0x64: {  	v10 =	vld.idx.msk [tilespmem:v13+s3+$0x0], $0xffff  }
0x65: {  	v13 =	vld [tilespmem:s5+$0xFA90]  }
0x66: {  	v14 =	vadd.s32 v6, v8;
	_ =	sdelay $0x1  }
0x67: {  	v11 =	vadd.f32 v12, v11;
	v12 =	vadd.s32 v5, v9  }
0x68: {  	v15 =	vld [tilespmem:s5+$0xFA10]  }
0x69: {  	[tilespmem:s5+$0x14C00] =	vst.add.f32.msk $0xffff, v11;
	v10 =	vadd.f32 v13, v10  }
0x6a: {  	v11 =	vld.idx.msk [tilespmem:v14+s3+$0x0], $0xffff  }
0x6b: {  	[tilespmem:s5+$0x14C90] =	vst.add.f32.msk $0xffff, v10  }
0x6c: {  	v10 =	vld.idx.msk [tilespmem:v12+s3+$0x0], $0xffff  }
0x6d: {  	v13 =	vadd.s32 v5, v8;
	v12 =	vld [tilespmem:s5+$0xFAA0];
	_ =	sdelay $0x1  }
0x6e: {  	v11 =	vadd.f32 v15, v11  }
0x6f: {  	v16 =	vld [tilespmem:s5+$0xFA20];
	v14 =	vadd.s32 v4, v9  }
0x70: {  	[tilespmem:s5+$0x14C10] =	vst.add.f32.msk $0xffff, v11  }
0x71: {  	v10 =	vadd.f32 v12, v10;
	v11 =	vld.idx.msk [tilespmem:v13+s3+$0x0], $0xffff  }
0x72: {  	v12 =	vld [tilespmem:s5+$0xFAB0]  }
0x73: {  	[tilespmem:s5+$0x14CA0] =	vst.add.f32.msk $0xffff, v10  }
0x74: {  	v13 =	vadd.s32 v4, v8;
	v10 =	vld.idx.msk [tilespmem:v14+s3+$0x0], $0xffff;
	_ =	sdelay $0x1  }
0x75: {  	v17 =	vld [tilespmem:s5+$0xFA50];
	v11 =	vadd.f32 v16, v11  }
0x76: {  	v15 =	vld [tilespmem:s5+$0xFA30];
	v16 =	vadd.s32 v3, v9  }
0x77: {  	[tilespmem:s5+$0x14C20] =	vst.add.f32.msk $0xffff, v11  }
0x78: {  	v10 =	vadd.f32 v12, v10;
	v11 =	vld.idx.msk [tilespmem:v13+s3+$0x0], $0xffff  }
0x79: {  	v12 =	vld [tilespmem:s5+$0xFAC0]  }
0x7a: {  	[tilespmem:s5+$0x14CB0] =	vst.add.f32.msk $0xffff, v10  }
0x7b: {  	s21 =	simm.s32 $0x3;
	v10 =	vld.idx.msk [tilespmem:v16+s3+$0x0], $0xffff  }
0x7c: {  	s10 =	simm.s32 $0x200;
	v19 =	vld [tilespmem:s5+$0xFA60];
	v13 =	vmov s21;
	v16 =	vadd.s32 v3, v8  }
0x7d: {  	s22 =	simm.s32 $0x2;
	v25 =	vld [tilespmem:s10+$0xFA20];
	s7 =	simm.s32 $0x100;
	v18 =	vmul.u32 $0x3E8, v13  }
0x7e: {  	v20 =	vadd.s32 v2, v9;
	v22 =	vld [tilespmem:s7+$0xFA10];
	v13 =	vmov s22;
	v11 =	vadd.f32 v15, v11  }
0x7f: {  	v14 =	vld [tilespmem:s5+$0xFA40];
	v18 =	vbroadcast v18, $0x0;
	v15 =	vmul.u32 $0x3E8, v13  }
0x80: {  	[tilespmem:s5+$0x14C30] =	vst.add.f32.msk $0xffff, v11;
	v10 =	vadd.f32 v12, v10  }
0x81: {  	v15 =	vbroadcast v15, $0x0;
	v11 =	vld.idx.msk [tilespmem:v16+s3+$0x0], $0xffff;
	v12 =	vadd.s32 v7, v18  }
0x82: {  	[tilespmem:s5+$0x14CC0] =	vst.add.f32.msk $0xffff, v10  }
0x83: {  	v10 =	vadd.s32 v7, v15;
	v16 =	vld.idx.msk [tilespmem:v20+s3+$0x0], $0xffff  }
0x84: {  	v20 =	vld [tilespmem:s5+$0xFAD0]  }
0x85: {  	v23 =	vld [tilespmem:s7+$0xFA40]  }
0x86: {  	v12 =	vld.idx.msk [tilespmem:v12+s3+$0x0], $0xffff  }
0x87: {  	v11 =	vadd.f32 v14, v11;
	v14 =	vld [tilespmem:s7+$0xFA80]  }
0x88: {  	v21 =	vadd.s32 v1, v9;
	v10 =	vld.idx.msk [tilespmem:v10+s3+$0x0], $0xffff  }
0x89: {  	[tilespmem:s5+$0x14C40] =	vst.add.f32.msk $0xffff, v11;
	v11 =	vadd.f32 v20, v16  }
0x8a: {  	v16 =	vld [tilespmem:s7+$0xFA00]  }
0x8b: {  	v20 =	vadd.s32 v6, v18;
	[tilespmem:s5+$0x14CD0] =	vst.add.f32.msk $0xffff, v11  }
0x8c: {  	v11 =	vadd.f32 v14, v12;
	v14 =	vld [tilespmem:s5+$0xFAE0]  }
0x8d: {  	v12 =	vld.idx.msk [tilespmem:v21+s3+$0x0], $0xffff  }
0x8e: {  	v21 =	vld [tilespmem:s7+$0xFA90]  }
0x8f: {  	[tilespmem:s7+$0x14C80] =	vst.add.f32.msk $0xffff, v11  }
0x90: {  	v11 =	vadd.s32 v6, v15;
	v20 =	vld.idx.msk [tilespmem:v20+s3+$0x0], $0xffff  }
0x91: {  	v13 =	vld [tilespmem:s5+$0xFA70];
	v10 =	vadd.f32 v16, v10  }
0x92: {  	v16 =	vld [tilespmem:s7+$0xFA20]  }
0x93: {  	[tilespmem:s7+$0x14C00] =	vst.add.f32.msk $0xffff, v10  }
0x94: {  	v10 =	vadd.s32 v5, v18;
	v12 =	vadd.f32 v14, v12;
	v14 =	vld [tilespmem:s7+$0xFA30]  }
0x95: {  	v9 =	vadd.s32 v0, v9;
	v11 =	vld.idx.msk [tilespmem:v11+s3+$0x0], $0xffff;
	v20 =	vadd.f32 v21, v20  }
0x96: {  	[tilespmem:s5+$0x14CE0] =	vst.add.f32.msk $0xffff, v12  }
0x97: {  	[tilespmem:s7+$0x14C90] =	vst.add.f32.msk $0xffff, v20  }
0x98: {  	v12 =	vadd.s32 v5, v15;
	v20 =	vld [tilespmem:s7+$0xFAA0]  }
0x99: {  	v21 =	vadd.s32 v2, v8;
	v10 =	vld.idx.msk [tilespmem:v10+s3+$0x0], $0xffff  }
0x9a: {  	v9 =	vld.idx.msk [tilespmem:v9+s3+$0x0], $0xffff;
	v11 =	vadd.f32 v22, v11  }
0x9b: {  	v22 =	vld [tilespmem:s5+$0xFAF0]  }
0x9c: {  	[tilespmem:s7+$0x14C10] =	vst.add.f32.msk $0xffff, v11;
	v11 =	vadd.s32 v4, v18  }
0x9d: {  	v12 =	vld.idx.msk [tilespmem:v12+s3+$0x0], $0xffff  }
0x9e: {  	v10 =	vadd.f32 v20, v10;
	v20 =	vld.idx.msk [tilespmem:v21+s3+$0x0], $0xffff  }
0x9f: {  	v21 =	vld [tilespmem:s7+$0xFAB0]  }
0xa0: {  	v9 =	vadd.f32 v22, v9;
	[tilespmem:s7+$0x14CA0] =	vst.add.f32.msk $0xffff, v10;
	v10 =	vadd.s32 v4, v15  }
0xa1: {  	v11 =	vld.idx.msk [tilespmem:v11+s3+$0x0], $0xffff  }
0xa2: {  	[tilespmem:s5+$0x14CF0] =	vst.add.f32.msk $0xffff, v9;
	v9 =	vadd.f32 v16, v12  }
0xa3: {  	v12 =	vadd.s32 v1, v8;
	v16 =	vld [tilespmem:s7+$0xFA50]  }
0xa4: {  	[tilespmem:s7+$0x14C20] =	vst.add.f32.msk $0xffff, v9;
	v9 =	vadd.f32 v17, v20  }
0xa5: {  	v10 =	vld.idx.msk [tilespmem:v10+s3+$0x0], $0xffff  }
0xa6: {  	v17 =	vadd.s32 v3, v18;
	[tilespmem:s5+$0x14C50] =	vst.add.f32.msk $0xffff, v9  }
0xa7: {  	v9 =	vadd.f32 v21, v11;
	v21 =	vld [tilespmem:s7+$0xFAC0]  }
0xa8: {  	v11 =	vld.idx.msk [tilespmem:v12+s3+$0x0], $0xffff  }
0xa9: {  	s8 =	simm.s32 $0x4;
	v20 =	vadd.s32 v3, v15;
	v12 =	vld [tilespmem:s7+$0xFA60]  }
0xaa: {  	[tilespmem:s7+$0x14CB0] =	vst.add.f32.msk $0xffff, v9;
	v9 =	vmov s8  }
0xab: {  	s23 =	simm.s32 $0x5;
	v17 =	vld.idx.msk [tilespmem:v17+s3+$0x0], $0xffff;
	v9 =	vmul.u32 $0x3E8, v9;
	v10 =	vadd.f32 v14, v10  }
0xac: {  	v22 =	vmov s23;
	v14 =	vadd.s32 v0, v8;
	v8 =	vld [tilespmem:s7+$0xFA70]  }
0xad: {  	v22 =	vmul.u32 $0x3E8, v22;
	v9 =	vbroadcast v9, $0x0;
	[tilespmem:s7+$0x14C30] =	vst.add.f32.msk $0xffff, v10;
	v11 =	vadd.f32 v19, v11  }
0xae: {  	v19 =	vadd.s32 v2, v18;
	v20 =	vld.idx.msk [tilespmem:v20+s3+$0x0], $0xffff  }
0xaf: {  	v10 =	vbroadcast v22, $0x0;
	v22 =	vadd.s32 v7, v9;
	[tilespmem:s5+$0x14C60] =	vst.add.f32.msk $0xffff, v11  }
0xb0: {  	v11 =	vadd.f32 v21, v17;
	v17 =	vld [tilespmem:s7+$0xFAD0]  }
0xb1: {  	v21 =	vld.idx.msk [tilespmem:v14+s3+$0x0], $0xffff;
	v14 =	vadd.s32 v7, v10  }
0xb2: {  	[tilespmem:s7+$0x14CC0] =	vst.add.f32.msk $0xffff, v11  }
0xb3: {  	v11 =	vld.idx.msk [tilespmem:v19+s3+$0x0], $0xffff  }
0xb4: {  	v19 =	vld.idx.msk [tilespmem:v22+s3+$0x0], $0xffff  }
0xb5: {  	v20 =	vadd.f32 v23, v20;
	v22 =	vld [tilespmem:s10+$0xFA80]  }
0xb6: {  	v23 =	vadd.s32 v1, v18;
	v14 =	vld.idx.msk [tilespmem:v14+s3+$0x0], $0xffff  }
0xb7: {  	[tilespmem:s7+$0x14C40] =	vst.add.f32.msk $0xffff, v20  }
0xb8: {  	v20 =	vld [tilespmem:s10+$0xFA00];
	v11 =	vadd.f32 v17, v11  }
0xb9: {  	v17 =	vld [tilespmem:s10+$0xFA10]  }
0xba: {  	v24 =	vadd.s32 v6, v10;
	[tilespmem:s7+$0x14CD0] =	vst.add.f32.msk $0xffff, v11  }
0xbb: {  	v11 =	vadd.f32 v22, v14;
	v14 =	vld.idx.msk [tilespmem:v23+s3+$0x0], $0xffff  }
0xbc: {  	v22 =	vld [tilespmem:s7+$0xFAE0];
	v23 =	vadd.s32 v6, v9  }
0xbd: {  	[tilespmem:s10+$0x14C80] =	vst.add.f32.msk $0xffff, v11  }
0xbe: {  	v11 =	vadd.f32 v20, v19;
	v20 =	vld [tilespmem:s10+$0xFA90]  }
0xbf: {  	v18 =	vadd.s32 v0, v18;
	v19 =	vld.idx.msk [tilespmem:v24+s3+$0x0], $0xffff  }
0xc0: {  	[tilespmem:s10+$0x14C00] =	vst.add.f32.msk $0xffff, v11  }
0xc1: {  	v11 =	vld.idx.msk [tilespmem:v23+s3+$0x0], $0xffff;
	v14 =	vadd.f32 v22, v14  }
0xc2: {  	v22 =	vld [tilespmem:s10+$0xFA30];
	v23 =	vadd.s32 v5, v10  }
0xc3: {  	[tilespmem:s7+$0x14CE0] =	vst.add.f32.msk $0xffff, v14  }
0xc4: {  	v14 =	vadd.f32 v20, v19;
	v18 =	vld.idx.msk [tilespmem:v18+s3+$0x0], $0xffff  }
0xc5: {  	v20 =	vld [tilespmem:s7+$0xFAF0]  }
0xc6: {  	v19 =	vadd.s32 v5, v9;
	[tilespmem:s10+$0x14C90] =	vst.add.f32.msk $0xffff, v14  }
0xc7: {  	v24 =	vadd.s32 v2, v15;
	v14 =	vld.idx.msk [tilespmem:v23+s3+$0x0], $0xffff  }
0xc8: {  	v11 =	vadd.f32 v17, v11;
	v23 =	vld [tilespmem:s10+$0xFAA0]  }
0xc9: {  	v17 =	vld [tilespmem:s10+$0xFA40]  }
0xca: {  	[tilespmem:s10+$0x14C10] =	vst.add.f32.msk $0xffff, v11  }
0xcb: {  	v19 =	vld.idx.msk [tilespmem:v19+s3+$0x0], $0xffff;
	v11 =	vadd.f32 v20, v18  }
0xcc: {  	v18 =	vadd.s32 v4, v10;
	v20 =	vld.idx.msk [tilespmem:v24+s3+$0x0], $0xffff  }
0xcd: {  	[tilespmem:s7+$0x14CF0] =	vst.add.f32.msk $0xffff, v11;
	v14 =	vadd.f32 v23, v14  }
0xce: {  	v11 =	vld [tilespmem:s10+$0xFA50]  }
0xcf: {  	v23 =	vadd.s32 v4, v9;
	[tilespmem:s10+$0x14CA0] =	vst.add.f32.msk $0xffff, v14  }
0xd0: {  	v14 =	vadd.f32 v25, v19;
	v19 =	vld [tilespmem:s10+$0xFAB0]  }
0xd1: {  	v18 =	vld.idx.msk [tilespmem:v18+s3+$0x0], $0xffff  }
0xd2: {  	v24 =	vadd.s32 v1, v15;
	[tilespmem:s10+$0x14C20] =	vst.add.f32.msk $0xffff, v14  }
0xd3: {  	v14 =	vadd.f32 v16, v20;
	v16 =	vld [tilespmem:s10+$0xFA60]  }
0xd4: {  	v25 =	vld.idx.msk [tilespmem:v23+s3+$0x0], $0xffff  }
0xd5: {  	s24 =	simm.s32 $0x6;
	v20 =	vadd.s32 v3, v10;
	[tilespmem:s7+$0x14C50] =	vst.add.f32.msk $0xffff, v14  }
0xd6: {  	v23 =	vmov s24;
	v14 =	vld [tilespmem:s10+$0xFA70];
	v18 =	vadd.f32 v19, v18  }
0xd7: {  	v19 =	vld.idx.msk [tilespmem:v24+s3+$0x0], $0xffff;
	v24 =	vmul.u32 $0x3E8, v23;
	v23 =	vadd.s32 v3, v9  }
0xd8: {  	[tilespmem:s10+$0x14CB0] =	vst.add.f32.msk $0xffff, v18  }
0xd9: {  	v18 =	vbroadcast v24, $0x0;
	v24 =	vadd.f32 v22, v25;
	v22 =	vld [tilespmem:s10+$0xFAC0]  }
0xda: {  	s15 =	simm.s32 $0x8;
	s21 =	simm.s32 $0x7;
	s8 =	simm.s32 $0x800;
	v13 =	vadd.f32 v13, v21;
	v21 =	vadd.s32 v0, v15;
	v20 =	vld.idx.msk [tilespmem:v20+s3+$0x0], $0xffff  }
.LBB2_8:
0xdb: {  	p1 =	slt.u32 s15, $0x3E;
	v25 =	vadd.s32 v7, v18;
	v26 =	vmov s21;
	[tilespmem:s10+$0x14C30] =	vst.add.f32.msk $0xffff, v24;
	v15 =	vmov v18  }
0xdc: {  	v19 =	vadd.f32 v12, v19;
	v12 =	vmov v16;
	v18 =	vmul.u32 $0x3E8, v26;
	v23 =	vld.idx.msk [tilespmem:v23+s3+$0x0], $0xffff  }
0xdd: {  	v16 =	vadd.s32 v2, v10;
	[tilespmem:s5+$0x14C70] =	vst.add.f32.msk $0xffff, v13;
	s5 =	smov.u32 s7;
	s7 =	smov.u32 s10  }
0xde: {  	v18 =	vbroadcast v18, $0x0;
	[tilespmem:s5+$0x14C60] =	vst.add.f32.msk $0xffff, v19  }
0xdf: {  	v13 =	vadd.f32 v22, v20;
	v19 =	vld.idx.msk [tilespmem:v21+s3+$0x0], $0xffff  }
0xe0: {  	v20 =	vld.idx.msk [tilespmem:v25+s3+$0x0], $0xffff;
	v21 =	vadd.s32 v7, v18  }
0xe1: {  	[tilespmem:s7+$0x14CC0] =	vst.add.f32.msk $0xffff, v13  }
0xe2: {  	v13 =	vadd.f32 v17, v23;
	v16 =	vld.idx.msk [tilespmem:v16+s3+$0x0], $0xffff  }
0xe3: {  	v17 =	vld [tilespmem:s7+$0xFAD0]  }
0xe4: {  	s8 =	sadd.s32 $0x400, s8;
	[tilespmem:s7+$0x14C40] =	vst.add.f32.msk $0xffff, v13  }
0xe5: {  	s10 =	sshra.s32 s8, $0x2;
	v13 =	vadd.f32 v8, v19;
	v8 =	vmov v14;
	v21 =	vld.idx.msk [tilespmem:v21+s3+$0x0], $0xffff  }
0xe6: {  	v19 =	vadd.s32 v1, v10;
	v14 =	vld [tilespmem:s10+$0xFA80]  }
0xe7: {  	v22 =	vld [tilespmem:s10+$0xFA00]  }
0xe8: {  	v23 =	vld [tilespmem:s10+$0xFA10];
	v16 =	vadd.f32 v17, v16  }
0xe9: {  	v17 =	vadd.s32 v6, v18;
	v24 =	vld [tilespmem:s10+$0xFA20]  }
0xea: {  	[tilespmem:s7+$0x14CD0] =	vst.add.f32.msk $0xffff, v16  }
0xeb: {  	v14 =	vadd.f32 v14, v21;
	v16 =	vld.idx.msk [tilespmem:v19+s3+$0x0], $0xffff  }
0xec: {  	v19 =	vadd.f32 v22, v20;
	v20 =	vadd.s32 v6, v15;
	v21 =	vld [tilespmem:s7+$0xFAE0]  }
0xed: {  	[tilespmem:s10+$0x14C80] =	vst.add.f32.msk $0xffff, v14  }
0xee: {  	v14 =	vld.idx.msk [tilespmem:v17+s3+$0x0], $0xffff  }
0xef: {  	v22 =	vadd.s32 v0, v10;
	v10 =	vmov v18;
	v17 =	vld [tilespmem:s10+$0xFA90]  }
0xf0: {  	[tilespmem:s10+$0x14C00] =	vst.add.f32.msk $0xffff, v19  }
0xf1: {  	v18 =	vld.idx.msk [tilespmem:v20+s3+$0x0], $0xffff;
	v16 =	vadd.f32 v21, v16  }
0xf2: {  	v19 =	vadd.s32 v5, v10;
	v20 =	vld [tilespmem:s10+$0xFA30]  }
0xf3: {  	[tilespmem:s7+$0x14CE0] =	vst.add.f32.msk $0xffff, v16  }
0xf4: {  	v14 =	vadd.f32 v17, v14;
	v16 =	vld.idx.msk [tilespmem:v22+s3+$0x0], $0xffff  }
0xf5: {  	v17 =	vadd.s32 v5, v15;
	v21 =	vld [tilespmem:s7+$0xFAF0]  }
0xf6: {  	[tilespmem:s10+$0x14C90] =	vst.add.f32.msk $0xffff, v14  }
0xf7: {  	v14 =	vadd.f32 v23, v18;
	v18 =	vld.idx.msk [tilespmem:v19+s3+$0x0], $0xffff  }
0xf8: {  	v22 =	vadd.s32 v2, v9;
	v19 =	vld [tilespmem:s10+$0xFAA0]  }
0xf9: {  	[tilespmem:s10+$0x14C10] =	vst.add.f32.msk $0xffff, v14  }
0xfa: {  	v14 =	vld.idx.msk [tilespmem:v17+s3+$0x0], $0xffff;
	v16 =	vadd.f32 v21, v16  }
0xfb: {  	v21 =	vadd.s32 v4, v10;
	v17 =	vld [tilespmem:s10+$0xFA40]  }
0xfc: {  	[tilespmem:s7+$0x14CF0] =	vst.add.f32.msk $0xffff, v16  }
0xfd: {  	v16 =	vadd.f32 v19, v18;
	v18 =	vld.idx.msk [tilespmem:v22+s3+$0x0], $0xffff  }
0xfe: {  	v19 =	vadd.s32 v4, v15;
	v22 =	vld [tilespmem:s10+$0xFA50]  }
0xff: {  	[tilespmem:s10+$0x14CA0] =	vst.add.f32.msk $0xffff, v16  }
0x100: {  	v14 =	vadd.f32 v24, v14;
	v21 =	vld.idx.msk [tilespmem:v21+s3+$0x0], $0xffff  }
0x101: {  	v24 =	vadd.s32 v1, v9;
	v23 =	vld [tilespmem:s10+$0xFAB0]  }
0x102: {  	[tilespmem:s10+$0x14C20] =	vst.add.f32.msk $0xffff, v14  }
0x103: {  	v14 =	vadd.f32 v11, v18;
	v25 =	vld.idx.msk [tilespmem:v19+s3+$0x0], $0xffff;
	v11 =	vmov v22  }
0x104: {  	v22 =	vadd.s32 v3, v10;
	v16 =	vld [tilespmem:s10+$0xFA60]  }
0x105: {  	[tilespmem:s7+$0x14C50] =	vst.add.f32.msk $0xffff, v14  }
.Ltmp5:
0x106: {  	v14 =	vmov s15;
	v18 =	vadd.f32 v23, v21;
	v19 =	vld.idx.msk [tilespmem:v24+s3+$0x0], $0xffff;
	(pc) =	sbr.rel @p1 .LBB2_8-.Ltmp5, $4  }
0x107: {  	v21 =	vmul.u32 $0x3E8, v14;
	v23 =	vadd.s32 v3, v15;
	v14 =	vld [tilespmem:s10+$0xFA70]  }
0x108: {  	[tilespmem:s10+$0x14CB0] =	vst.add.f32.msk $0xffff, v18  }
0x109: {  	v18 =	vbroadcast v21, $0x0;
	v24 =	vadd.f32 v20, v25;
	v20 =	vld.idx.msk [tilespmem:v22+s3+$0x0], $0xffff  }
0x10a: {  	s21 =	sadd.s32 $0x1, s15;
	s15 =	sadd.s32 $0x2, s15;
	v21 =	vadd.s32 v0, v9;
	v9 =	vmov v15;
	v22 =	vld [tilespmem:s10+$0xFAC0]  }
0x10b: {  	v15 =	vmov s21  }
0x10c: {  	v15 =	vmul.u32 $0x3E8, v15;
	_ =	sdelay $0x1  }
0x10d: {  	v15 =	vbroadcast v15, $0x0;
	_ =	sdelay $0x1  }
0x10e: {  	v25 =	vadd.s32 v7, v15;
	_ =	sdelay $0x1  }
0x10f: {  	s8 =	sadd.s32 $0x400, s8  }
0x110: {  	s15 =	sshra.s32 s8, $0x2  }
0x111: {  	v26 =	vld [tilespmem:s15+$0xFA80]  }
0x112: {  	v25 =	vld.idx.msk [tilespmem:v25+s3+$0x0], $0xffff  }
0x113: {  	v7 =	vadd.s32 v7, v18;
	_ =	sdelay $0x2  }
0x114: {  	[tilespmem:s10+$0x14C30] =	vst.add.f32.msk $0xffff, v24;
	v24 =	vadd.s32 v6, v15  }
0x115: {  	v23 =	vld.idx.msk [tilespmem:v23+s3+$0x0], $0xffff;
	v25 =	vadd.f32 v26, v25  }
0x116: {  	v7 =	vld.idx.msk [tilespmem:v7+s3+$0x0], $0xffff  }
0x117: {  	[tilespmem:s15+$0x14C80] =	vst.add.f32.msk $0xffff, v25  }
0x118: {  	v25 =	vld [tilespmem:s15+$0xFA00]  }
0x119: {  	v12 =	vadd.f32 v12, v19;
	v19 =	vld.idx.msk [tilespmem:v24+s3+$0x0], $0xffff  }
0x11a: {  	v24 =	vld [tilespmem:s15+$0xFA90]  }
0x11b: {  	[tilespmem:s7+$0x14C60] =	vst.add.f32.msk $0xffff, v12;
	v12 =	vadd.f32 v22, v20;
	v6 =	vadd.s32 v6, v18  }
0x11c: {  	v20 =	vld.idx.msk [tilespmem:v21+s3+$0x0], $0xffff  }
0x11d: {  	[tilespmem:s10+$0x14CC0] =	vst.add.f32.msk $0xffff, v12;
	v12 =	vadd.s32 v5, v15;
	v7 =	vadd.f32 v25, v7  }
0x11e: {  	v21 =	vld [tilespmem:s15+$0xFA10]  }
0x11f: {  	[tilespmem:s15+$0x14C00] =	vst.add.f32.msk $0xffff, v7;
	v7 =	vadd.f32 v24, v19  }
0x120: {  	v22 =	vadd.s32 v2, v10;
	v6 =	vld.idx.msk [tilespmem:v6+s3+$0x0], $0xffff  }
0x121: {  	[tilespmem:s15+$0x14C90] =	vst.add.f32.msk $0xffff, v7  }
0x122: {  	v17 =	vadd.f32 v17, v23;
	v7 =	vld.idx.msk [tilespmem:v12+s3+$0x0], $0xffff  }
0x123: {  	v12 =	vld [tilespmem:s15+$0xFAA0]  }
0x124: {  	v5 =	vadd.s32 v5, v18;
	[tilespmem:s10+$0x14C40] =	vst.add.f32.msk $0xffff, v17  }
0x125: {  	v19 =	vld.idx.msk [tilespmem:v22+s3+$0x0], $0xffff  }
0x126: {  	v17 =	vadd.s32 v4, v15;
	v22 =	vld [tilespmem:s10+$0xFAD0];
	v6 =	vadd.f32 v21, v6  }
0x127: {  	v21 =	vld [tilespmem:s15+$0xFA20]  }
0x128: {  	[tilespmem:s15+$0x14C10] =	vst.add.f32.msk $0xffff, v6;
	v6 =	vadd.f32 v12, v7  }
0x129: {  	v7 =	vadd.s32 v1, v10;
	v5 =	vld.idx.msk [tilespmem:v5+s3+$0x0], $0xffff  }
0x12a: {  	[tilespmem:s15+$0x14CA0] =	vst.add.f32.msk $0xffff, v6  }
0x12b: {  	v6 =	vadd.f32 v22, v19;
	v12 =	vld.idx.msk [tilespmem:v17+s3+$0x0], $0xffff  }
0x12c: {  	v17 =	vld [tilespmem:s15+$0xFAB0]  }
0x12d: {  	v4 =	vadd.s32 v4, v18;
	[tilespmem:s10+$0x14CD0] =	vst.add.f32.msk $0xffff, v6  }
0x12e: {  	v6 =	vld.idx.msk [tilespmem:v7+s3+$0x0], $0xffff  }
0x12f: {  	v7 =	vld [tilespmem:s10+$0xFAE0];
	v5 =	vadd.f32 v21, v5  }
0x130: {  	v21 =	vld [tilespmem:s15+$0xFA30]  }
0x131: {  	v19 =	vadd.s32 v3, v15;
	[tilespmem:s15+$0x14C20] =	vst.add.f32.msk $0xffff, v5  }
0x132: {  	v5 =	vadd.f32 v17, v12;
	v4 =	vld.idx.msk [tilespmem:v4+s3+$0x0], $0xffff  }
0x133: {  	v10 =	vadd.s32 v0, v10;
	v12 =	vld [tilespmem:s15+$0xFA40]  }
0x134: {  	[tilespmem:s15+$0x14CB0] =	vst.add.f32.msk $0xffff, v5  }
0x135: {  	v3 =	vadd.s32 v3, v18;
	v5 =	vadd.f32 v7, v6;
	v7 =	vld [tilespmem:s15+$0xFAC0]  }
0x136: {  	v6 =	vld.idx.msk [tilespmem:v19+s3+$0x0], $0xffff  }
0x137: {  	[tilespmem:s10+$0x14CE0] =	vst.add.f32.msk $0xffff, v5;
	v5 =	vadd.s32 v2, v9;
	v4 =	vadd.f32 v21, v4  }
0x138: {  	v10 =	vld.idx.msk [tilespmem:v10+s3+$0x0], $0xffff  }
0x139: {  	[tilespmem:s15+$0x14C30] =	vst.add.f32.msk $0xffff, v4  }
0x13a: {  	v17 =	vadd.s32 v2, v15;
	v3 =	vld.idx.msk [tilespmem:v3+s3+$0x0], $0xffff  }
0x13b: {  	v4 =	vadd.f32 v7, v6;
	v6 =	vld [tilespmem:s15+$0xFAD0]  }
0x13c: {  	v5 =	vld.idx.msk [tilespmem:v5+s3+$0x0], $0xffff  }
0x13d: {  	v2 =	vadd.s32 v2, v18;
	v7 =	vld [tilespmem:s10+$0xFAF0]  }
0x13e: {  	[tilespmem:s15+$0x14CC0] =	vst.add.f32.msk $0xffff, v4  }
0x13f: {  	v4 =	vld.idx.msk [tilespmem:v17+s3+$0x0], $0xffff;
	v3 =	vadd.f32 v12, v3  }
0x140: {  	v17 =	vadd.s32 v1, v9;
	v12 =	vld [tilespmem:s15+$0xFA50]  }
0x141: {  	v5 =	vadd.f32 v11, v5;
	[tilespmem:s15+$0x14C40] =	vst.add.f32.msk $0xffff, v3  }
0x142: {  	v2 =	vld.idx.msk [tilespmem:v2+s3+$0x0], $0xffff  }
0x143: {  	v3 =	vadd.s32 v1, v15;
	[tilespmem:s10+$0x14C50] =	vst.add.f32.msk $0xffff, v5  }
0x144: {  	v4 =	vadd.f32 v6, v4;
	v6 =	vld [tilespmem:s15+$0xFA60]  }
0x145: {  	v1 =	vadd.s32 v1, v18;
	v5 =	vld.idx.msk [tilespmem:v17+s3+$0x0], $0xffff  }
0x146: {  	[tilespmem:s15+$0x14CD0] =	vst.add.f32.msk $0xffff, v4  }
0x147: {  	v4 =	vld [tilespmem:s15+$0xFAE0];
	v2 =	vadd.f32 v12, v2  }
0x148: {  	v3 =	vld.idx.msk [tilespmem:v3+s3+$0x0], $0xffff  }
0x149: {  	v9 =	vadd.s32 v0, v9;
	[tilespmem:s15+$0x14C50] =	vst.add.f32.msk $0xffff, v2  }
0x14a: {  	v2 =	vadd.f32 v16, v5;
	v1 =	vld.idx.msk [tilespmem:v1+s3+$0x0], $0xffff  }
0x14b: {  	v11 =	vld [tilespmem:s15+$0xFA70];
	v5 =	vadd.s32 v0, v15  }
0x14c: {  	[tilespmem:s10+$0x14C60] =	vst.add.f32.msk $0xffff, v2  }
0x14d: {  	v0 =	vadd.s32 v0, v18;
	v2 =	vadd.f32 v4, v3;
	v4 =	vld [tilespmem:s15+$0xFAF0]  }
0x14e: {  	v3 =	vld.idx.msk [tilespmem:v9+s3+$0x0], $0xffff  }
0x14f: {  	[tilespmem:s15+$0x14CE0] =	vst.add.f32.msk $0xffff, v2;
	v1 =	vadd.f32 v6, v1  }
0x150: {  	v2 =	vld.idx.msk [tilespmem:v5+s3+$0x0], $0xffff  }
0x151: {  	[tilespmem:s15+$0x14C60] =	vst.add.f32.msk $0xffff, v1  }
0x152: {  	v0 =	vld.idx.msk [tilespmem:v0+s3+$0x0], $0xffff  }
0x153: {  	v1 =	vadd.f32 v7, v10  }
0x154: {  	[tilespmem:s5+$0x14C70] =	vst.add.f32.msk $0xffff, v13;
	v5 =	vadd.f32 v8, v20  }
0x155: {  	s8 =	smul.u32 $0x140000, s11;
	[tilespmem:s10+$0x14CF0] =	vst.add.f32.msk $0xffff, v1;
	v1 =	vadd.f32 v4, v2  }
0x156: {  	[tilespmem:s7+$0x14C70] =	vst.add.f32.msk $0xffff, v5;
	v2 =	vadd.f32 v14, v3  }
0x157: {  	s21 =	sor.u32 s4, s8;
	[tilespmem:s15+$0x14CF0] =	vst.add.f32.msk $0xffff, v1;
	v0 =	vadd.f32 v11, v0  }
0x158: {  	s5 =	sshrl.u32 s21, $0x3;
	[tilespmem:s10+$0x14C70] =	vst.add.f32.msk $0xffff, v2  }
0x159: {  	s22 =	simm.s32 $0x14C00;
	s5 =	sadd.s32 s6, s5;
	[tilespmem:s15+$0x14C70] =	vst.add.f32.msk $0xffff, v0  }
0x15a: {  	[hbm4b:s5+s18] =	stream.strided.scatter [tilespmem:s22], [sflag:$0x6], $0x2000, s19, s18, $0x38;
	[tilespmem:$0x1EC00] =	vst v63  }
0x15b: {  	s10 =	sadd.s32 $0x1, s9;
	s5 =	sadd.s32 $0x4, s9  }
0x15c: {  	s17 =	smulhi.u32 $0x51EB851F, s10;
	s15 =	simm.s32 @!p0 $0xA;
	s23 =	sshll.u32 s5, $0x12  }
0x15d: {  	_ =	swait.ge @!p0 [sflag:s15], $0x2000;
	s7 =	sor.u32 s4, s23  }
0x15e: {  	s21 =	sshrl.u32 s17, $0x5;
	[sflag:s15] =	ssyncset.done @!p0 $0x0;
	s7 =	sshrl.u32 s7, $0x3  }
0x15f: {  	[sflag:s15] =	ssyncadd.s32 @!p0 $0xFFFFE000;
	s15 =	smul.u32 $0x64, s21;
	s24 =	sadd.s32 s2, s7  }
0x160: {  	[tilespmem:s29], [sflag:$0x5] =	stream.strided.gather [hbm4b:s24+s18], $0x2000, s19, s18, $0x38;
	[tilespmem:$0x1EC00] =	vst v63  }
0x161: {  	_ =	swait.ge [sflag:s30], $0x2000  }
0x162: {  	s15 =	ssub.s32 s10, s15;
	[sflag:s30] =	ssyncset.done $0x0  }
0x163: {  	s22 =	simm.s32 $0x1;
	s15 =	sshll.u32 s15, $0x7;
	[sflag:s30] =	ssyncadd.s32 $0xFFFFE000  }
0x164: {  	v0 =	vmov s22;
	v7 =	vld [tilespmem:s15+$0x11A00]  }
0x165: {  	v0 =	vmul.u32 $0x3E8, v0;
	_ =	sdelay $0x1  }
0x166: {  	v9 =	vbroadcast v0, $0x0  }
0x167: {  	s23 =	simm.s32 $0x0  }
0x168: {  	v1 =	vmov s23;
	v0 =	vadd.s32 v7, v9  }
0x169: {  	v1 =	vmul.u32 $0x3E8, v1;
	v6 =	vld [tilespmem:s15+$0x11A10]  }
0x16a: {  	v5 =	vld [tilespmem:s15+$0x11A20]  }
0x16b: {  	s21 =	simm.s32 $0x0;
	v8 =	vbroadcast v1, $0x0;
	v4 =	vld [tilespmem:s15+$0x11A30]  }
0x16c: {  	v12 =	vld [tilespmem:s21+$0xFA80]  }
0x16d: {  	v11 =	vadd.s32 v7, v8;
	v10 =	vld.idx.msk [tilespmem:v0+s3+$0x0], $0xffff  }
0x16e: {  	v3 =	vld [tilespmem:s15+$0x11A40]  }
0x16f: {  	v2 =	vld [tilespmem:s15+$0x11A50]  }
0x170: {  	v1 =	vld [tilespmem:s15+$0x11A60];
	v13 =	vadd.s32 v6, v9  }
0x171: {  	v0 =	vld [tilespmem:s15+$0x11A70]  }
0x172: {  	v11 =	vld.idx.msk [tilespmem:v11+s3+$0x0], $0xffff;
	v10 =	vadd.f32 v12, v10  }
0x173: {  	v12 =	vld [tilespmem:s21+$0xFA00]  }
0x174: {  	[tilespmem:s21+$0x16C80] =	vst.add.f32.msk $0xffff, v10  }
0x175: {  	v10 =	vld.idx.msk [tilespmem:v13+s3+$0x0], $0xffff  }
0x176: {  	v13 =	vld [tilespmem:s21+$0xFA90]  }
0x177: {  	v14 =	vadd.s32 v6, v8;
	_ =	sdelay $0x1  }
0x178: {  	v11 =	vadd.f32 v12, v11;
	v12 =	vadd.s32 v5, v9  }
0x179: {  	v15 =	vld [tilespmem:s21+$0xFA10]  }
0x17a: {  	[tilespmem:s21+$0x16C00] =	vst.add.f32.msk $0xffff, v11;
	v10 =	vadd.f32 v13, v10  }
0x17b: {  	v11 =	vld.idx.msk [tilespmem:v14+s3+$0x0], $0xffff  }
0x17c: {  	[tilespmem:s21+$0x16C90] =	vst.add.f32.msk $0xffff, v10  }
0x17d: {  	v10 =	vld.idx.msk [tilespmem:v12+s3+$0x0], $0xffff  }
0x17e: {  	v13 =	vadd.s32 v5, v8;
	v12 =	vld [tilespmem:s21+$0xFAA0];
	_ =	sdelay $0x1  }
0x17f: {  	v11 =	vadd.f32 v15, v11  }
0x180: {  	v16 =	vld [tilespmem:s21+$0xFA20];
	v14 =	vadd.s32 v4, v9  }
0x181: {  	[tilespmem:s21+$0x16C10] =	vst.add.f32.msk $0xffff, v11  }
0x182: {  	v10 =	vadd.f32 v12, v10;
	v11 =	vld.idx.msk [tilespmem:v13+s3+$0x0], $0xffff  }
0x183: {  	v12 =	vld [tilespmem:s21+$0xFAB0]  }
0x184: {  	[tilespmem:s21+$0x16CA0] =	vst.add.f32.msk $0xffff, v10  }
0x185: {  	v10 =	vld.idx.msk [tilespmem:v14+s3+$0x0], $0xffff  }
0x186: {  	v13 =	vadd.s32 v4, v8;
	_ =	sdelay $0x1  }
0x187: {  	v17 =	vld [tilespmem:s21+$0xFA30];
	v15 =	vadd.s32 v3, v9;
	v11 =	vadd.f32 v16, v11  }
0x188: {  	v18 =	vld [tilespmem:s21+$0xFAC0]  }
0x189: {  	[tilespmem:s21+$0x16C20] =	vst.add.f32.msk $0xffff, v11;
	v10 =	vadd.f32 v12, v10  }
0x18a: {  	v11 =	vld.idx.msk [tilespmem:v13+s3+$0x0], $0xffff  }
0x18b: {  	s24 =	simm.s32 $0x2;
	[tilespmem:s21+$0x16CB0] =	vst.add.f32.msk $0xffff, v10  }
0x18c: {  	s17 =	simm.s32 $0x3;
	v12 =	vmov s24;
	v10 =	vld.idx.msk [tilespmem:v15+s3+$0x0], $0xffff  }
0x18d: {  	v21 =	vld [tilespmem:s21+$0xFA60];
	v19 =	vadd.s32 v3, v8;
	v13 =	vmov s17;
	v12 =	vmul.u32 $0x3E8, v12  }
0x18e: {  	v14 =	vld [tilespmem:s21+$0xFA40];
	v20 =	vmul.u32 $0x3E8, v13  }
0x18f: {  	v16 =	vld [tilespmem:s21+$0xFA50];
	v15 =	vbroadcast v12, $0x0;
	v12 =	vadd.s32 v2, v9;
	v11 =	vadd.f32 v17, v11  }
0x190: {  	v13 =	vld [tilespmem:s21+$0xFA70];
	v17 =	vbroadcast v20, $0x0  }
0x191: {  	v20 =	vadd.s32 v7, v15;
	[tilespmem:s21+$0x16C30] =	vst.add.f32.msk $0xffff, v11;
	v10 =	vadd.f32 v18, v10  }
0x192: {  	v11 =	vld.idx.msk [tilespmem:v19+s3+$0x0], $0xffff;
	v18 =	vadd.s32 v7, v17  }
0x193: {  	[tilespmem:s21+$0x16CC0] =	vst.add.f32.msk $0xffff, v10  }
0x194: {  	v10 =	vld.idx.msk [tilespmem:v12+s3+$0x0], $0xffff  }
0x195: {  	v12 =	vld [tilespmem:s21+$0xFAD0]  }
0x196: {  	v19 =	vld.idx.msk [tilespmem:v20+s3+$0x0], $0xffff  }
0x197: {  	s15 =	simm.s32 $0x100;
	v11 =	vadd.f32 v14, v11;
	v14 =	vld.idx.msk [tilespmem:v18+s3+$0x0], $0xffff  }
0x198: {  	v18 =	vld [tilespmem:s15+$0xFA80]  }
0x199: {  	v20 =	vadd.s32 v1, v9;
	[tilespmem:s21+$0x16C40] =	vst.add.f32.msk $0xffff, v11  }
0x19a: {  	v11 =	vld [tilespmem:s15+$0xFA00];
	v10 =	vadd.f32 v12, v10  }
0x19b: {  	v12 =	vld [tilespmem:s15+$0xFA10]  }
0x19c: {  	v22 =	vadd.s32 v6, v17;
	[tilespmem:s21+$0x16CD0] =	vst.add.f32.msk $0xffff, v10  }
0x19d: {  	v10 =	vadd.f32 v18, v14;
	v18 =	vld [tilespmem:s21+$0xFAE0]  }
0x19e: {  	v14 =	vld.idx.msk [tilespmem:v20+s3+$0x0], $0xffff  }
0x19f: {  	v20 =	vadd.s32 v6, v15;
	[tilespmem:s15+$0x16C80] =	vst.add.f32.msk $0xffff, v10  }
0x1a0: {  	v11 =	vadd.f32 v11, v19;
	v19 =	vld [tilespmem:s15+$0xFA90]  }
0x1a1: {  	v10 =	vld.idx.msk [tilespmem:v22+s3+$0x0], $0xffff  }
0x1a2: {  	v9 =	vadd.s32 v0, v9;
	v22 =	vld [tilespmem:s15+$0xFA20]  }
0x1a3: {  	[tilespmem:s15+$0x16C00] =	vst.add.f32.msk $0xffff, v11;
	v11 =	vadd.f32 v18, v14  }
0x1a4: {  	v14 =	vld.idx.msk [tilespmem:v20+s3+$0x0], $0xffff;
	v18 =	vadd.s32 v5, v17  }
0x1a5: {  	[tilespmem:s21+$0x16CE0] =	vst.add.f32.msk $0xffff, v11  }
0x1a6: {  	v10 =	vadd.f32 v19, v10;
	v11 =	vld [tilespmem:s21+$0xFAF0]  }
0x1a7: {  	v9 =	vld.idx.msk [tilespmem:v9+s3+$0x0], $0xffff  }
0x1a8: {  	v19 =	vadd.s32 v5, v15;
	[tilespmem:s15+$0x16C90] =	vst.add.f32.msk $0xffff, v10  }
0x1a9: {  	v10 =	vld.idx.msk [tilespmem:v18+s3+$0x0], $0xffff  }
0x1aa: {  	v12 =	vadd.f32 v12, v14;
	v14 =	vld [tilespmem:s15+$0xFAA0]  }
0x1ab: {  	v20 =	vadd.s32 v2, v8;
	v18 =	vld [tilespmem:s15+$0xFA30]  }
0x1ac: {  	[tilespmem:s15+$0x16C10] =	vst.add.f32.msk $0xffff, v12  }
0x1ad: {  	v12 =	vld.idx.msk [tilespmem:v19+s3+$0x0], $0xffff;
	v9 =	vadd.f32 v11, v9;
	v11 =	vadd.s32 v4, v17  }
0x1ae: {  	v19 =	vld [tilespmem:s15+$0xFA40]  }
0x1af: {  	[tilespmem:s21+$0x16CF0] =	vst.add.f32.msk $0xffff, v9;
	v9 =	vadd.f32 v14, v10  }
0x1b0: {  	v10 =	vld.idx.msk [tilespmem:v20+s3+$0x0], $0xffff  }
0x1b1: {  	[tilespmem:s15+$0x16CA0] =	vst.add.f32.msk $0xffff, v9  }
0x1b2: {  	v14 =	vadd.s32 v4, v15;
	v9 =	vld.idx.msk [tilespmem:v11+s3+$0x0], $0xffff  }
0x1b3: {  	v11 =	vadd.f32 v22, v12;
	v12 =	vld [tilespmem:s15+$0xFAB0]  }
0x1b4: {  	v20 =	vld [tilespmem:s15+$0xFA50];
	v22 =	vadd.s32 v1, v8  }
0x1b5: {  	[tilespmem:s15+$0x16C20] =	vst.add.f32.msk $0xffff, v11  }
0x1b6: {  	v10 =	vadd.f32 v16, v10;
	v16 =	vadd.s32 v3, v17;
	v11 =	vld [tilespmem:s15+$0xFA60]  }
0x1b7: {  	v14 =	vld.idx.msk [tilespmem:v14+s3+$0x0], $0xffff  }
0x1b8: {  	s22 =	simm.s32 $0x4;
	[tilespmem:s21+$0x16C50] =	vst.add.f32.msk $0xffff, v10;
	v9 =	vadd.f32 v12, v9  }
0x1b9: {  	v10 =	vmov s22;
	v12 =	vld.idx.msk [tilespmem:v22+s3+$0x0], $0xffff  }
0x1ba: {  	v10 =	vmul.u32 $0x3E8, v10;
	v22 =	vadd.s32 v3, v15;
	[tilespmem:s15+$0x16CB0] =	vst.add.f32.msk $0xffff, v9  }
0x1bb: {  	v16 =	vld.idx.msk [tilespmem:v16+s3+$0x0], $0xffff  }
0x1bc: {  	s23 =	simm.s32 $0x5;
	v9 =	vbroadcast v10, $0x0;
	v10 =	vadd.f32 v18, v14;
	v14 =	vld [tilespmem:s15+$0xFAC0]  }
0x1bd: {  	v24 =	vmov s23;
	v18 =	vadd.s32 v0, v8;
	v8 =	vld [tilespmem:s15+$0xFA70]  }
0x1be: {  	[tilespmem:s15+$0x16C30] =	vst.add.f32.msk $0xffff, v10;
	v10 =	vmul.u32 $0x3E8, v24  }
0x1bf: {  	s22 =	simm.s32 $0x200;
	v12 =	vadd.f32 v21, v12;
	v21 =	vld.idx.msk [tilespmem:v22+s3+$0x0], $0xffff;
	v22 =	vadd.s32 v2, v17  }
0x1c0: {  	v24 =	vld [tilespmem:s22+$0xFA10];
	v10 =	vbroadcast v10, $0x0  }
0x1c1: {  	[tilespmem:s21+$0x16C60] =	vst.add.f32.msk $0xffff, v12;
	v12 =	vadd.f32 v14, v16  }
0x1c2: {  	v18 =	vld.idx.msk [tilespmem:v18+s3+$0x0], $0xffff;
	v16 =	vadd.s32 v7, v10  }
0x1c3: {  	[tilespmem:s15+$0x16CC0] =	vst.add.f32.msk $0xffff, v12  }
0x1c4: {  	v23 =	vadd.s32 v7, v9;
	v12 =	vadd.f32 v19, v21;
	v19 =	vld.idx.msk [tilespmem:v22+s3+$0x0], $0xffff  }
0x1c5: {  	v21 =	vld [tilespmem:s15+$0xFAD0]  }
0x1c6: {  	[tilespmem:s15+$0x16C40] =	vst.add.f32.msk $0xffff, v12  }
0x1c7: {  	v12 =	vld.idx.msk [tilespmem:v16+s3+$0x0], $0xffff  }
0x1c8: {  	v22 =	vadd.s32 v1, v17;
	v16 =	vld [tilespmem:s22+$0xFA80]  }
0x1c9: {  	v14 =	vld.idx.msk [tilespmem:v23+s3+$0x0], $0xffff  }
0x1ca: {  	v23 =	vld [tilespmem:s22+$0xFA00];
	v19 =	vadd.f32 v21, v19  }
0x1cb: {  	v21 =	vld [tilespmem:s22+$0xFA20]  }
0x1cc: {  	v25 =	vadd.s32 v6, v10;
	[tilespmem:s15+$0x16CD0] =	vst.add.f32.msk $0xffff, v19  }
0x1cd: {  	v12 =	vadd.f32 v16, v12;
	v16 =	vld.idx.msk [tilespmem:v22+s3+$0x0], $0xffff  }
0x1ce: {  	v19 =	vadd.s32 v6, v9;
	v22 =	vld [tilespmem:s15+$0xFAE0]  }
0x1cf: {  	[tilespmem:s22+$0x16C80] =	vst.add.f32.msk $0xffff, v12  }
0x1d0: {  	v12 =	vadd.f32 v23, v14;
	v23 =	vld [tilespmem:s22+$0xFA90]  }
0x1d1: {  	v17 =	vadd.s32 v0, v17;
	v14 =	vld.idx.msk [tilespmem:v25+s3+$0x0], $0xffff  }
0x1d2: {  	[tilespmem:s22+$0x16C00] =	vst.add.f32.msk $0xffff, v12  }
0x1d3: {  	v12 =	vld.idx.msk [tilespmem:v19+s3+$0x0], $0xffff;
	v16 =	vadd.f32 v22, v16  }
0x1d4: {  	v22 =	vld [tilespmem:s22+$0xFA30];
	v19 =	vadd.s32 v5, v10  }
0x1d5: {  	[tilespmem:s15+$0x16CE0] =	vst.add.f32.msk $0xffff, v16  }
0x1d6: {  	v14 =	vadd.f32 v23, v14;
	v16 =	vld.idx.msk [tilespmem:v17+s3+$0x0], $0xffff  }
0x1d7: {  	v17 =	vadd.s32 v5, v9;
	v23 =	vld [tilespmem:s15+$0xFAF0]  }
0x1d8: {  	[tilespmem:s22+$0x16C90] =	vst.add.f32.msk $0xffff, v14  }
0x1d9: {  	v12 =	vadd.f32 v24, v12;
	v14 =	vld.idx.msk [tilespmem:v19+s3+$0x0], $0xffff  }
0x1da: {  	v19 =	vld [tilespmem:s22+$0xFAA0]  }
0x1db: {  	v24 =	vadd.s32 v2, v15;
	[tilespmem:s22+$0x16C10] =	vst.add.f32.msk $0xffff, v12  }
0x1dc: {  	v25 =	vld.idx.msk [tilespmem:v17+s3+$0x0], $0xffff;
	v12 =	vadd.f32 v23, v16  }
0x1dd: {  	v17 =	vld [tilespmem:s22+$0xFA40]  }
0x1de: {  	v16 =	vadd.s32 v4, v10;
	[tilespmem:s15+$0x16CF0] =	vst.add.f32.msk $0xffff, v12  }
0x1df: {  	v12 =	vld [tilespmem:s22+$0xFA50]  }
0x1e0: {  	v14 =	vadd.f32 v19, v14;
	v19 =	vld.idx.msk [tilespmem:v24+s3+$0x0], $0xffff  }
0x1e1: {  	v23 =	vadd.s32 v4, v9;
	v24 =	vld [tilespmem:s22+$0xFAB0]  }
0x1e2: {  	[tilespmem:s22+$0x16CA0] =	vst.add.f32.msk $0xffff, v14  }
0x1e3: {  	v14 =	vadd.f32 v21, v25;
	v21 =	vld.idx.msk [tilespmem:v16+s3+$0x0], $0xffff  }
0x1e4: {  	v25 =	vadd.s32 v1, v15;
	v16 =	vld [tilespmem:s22+$0xFA60]  }
0x1e5: {  	[tilespmem:s22+$0x16C20] =	vst.add.f32.msk $0xffff, v14;
	v14 =	vadd.f32 v20, v19  }
0x1e6: {  	v26 =	vld.idx.msk [tilespmem:v23+s3+$0x0], $0xffff  }
0x1e7: {  	s24 =	simm.s32 $0x6;
	v20 =	vadd.s32 v3, v10;
	[tilespmem:s15+$0x16C50] =	vst.add.f32.msk $0xffff, v14  }
0x1e8: {  	v23 =	vmov s24;
	v14 =	vld [tilespmem:s22+$0xFA70];
	v21 =	vadd.f32 v24, v21  }
0x1e9: {  	v19 =	vld.idx.msk [tilespmem:v25+s3+$0x0], $0xffff;
	v24 =	vmul.u32 $0x3E8, v23;
	v23 =	vadd.s32 v3, v9  }
0x1ea: {  	[tilespmem:s22+$0x16CB0] =	vst.add.f32.msk $0xffff, v21  }
0x1eb: {  	v13 =	vadd.f32 v13, v18;
	v18 =	vbroadcast v24, $0x0;
	v24 =	vadd.f32 v22, v26;
	v22 =	vld [tilespmem:s22+$0xFAC0]  }
0x1ec: {  	s23 =	simm.s32 $0x800;
	s17 =	simm.s32 $0x7;
	s24 =	simm.s32 $0x8;
	v21 =	vadd.s32 v0, v15;
	v20 =	vld.idx.msk [tilespmem:v20+s3+$0x0], $0xffff  }
.LBB2_10:
0x1ed: {  	p0 =	slt.u32 s24, $0x3E;
	v25 =	vadd.s32 v7, v18;
	v26 =	vmov s17;
	[tilespmem:s22+$0x16C30] =	vst.add.f32.msk $0xffff, v24;
	v15 =	vmov v18  }
0x1ee: {  	v19 =	vadd.f32 v11, v19;
	v11 =	vmov v16;
	v18 =	vmul.u32 $0x3E8, v26;
	v23 =	vld.idx.msk [tilespmem:v23+s3+$0x0], $0xffff  }
0x1ef: {  	v16 =	vadd.s32 v2, v10;
	[tilespmem:s21+$0x16C70] =	vst.add.f32.msk $0xffff, v13;
	s21 =	smov.u32 s15;
	s15 =	smov.u32 s22  }
0x1f0: {  	v18 =	vbroadcast v18, $0x0;
	[tilespmem:s21+$0x16C60] =	vst.add.f32.msk $0xffff, v19  }
0x1f1: {  	v13 =	vadd.f32 v22, v20;
	v19 =	vld.idx.msk [tilespmem:v21+s3+$0x0], $0xffff  }
0x1f2: {  	v20 =	vld.idx.msk [tilespmem:v25+s3+$0x0], $0xffff;
	v21 =	vadd.s32 v7, v18  }
0x1f3: {  	[tilespmem:s15+$0x16CC0] =	vst.add.f32.msk $0xffff, v13  }
0x1f4: {  	v13 =	vadd.f32 v17, v23;
	v16 =	vld.idx.msk [tilespmem:v16+s3+$0x0], $0xffff  }
0x1f5: {  	v17 =	vld [tilespmem:s15+$0xFAD0]  }
0x1f6: {  	s23 =	sadd.s32 $0x400, s23;
	[tilespmem:s15+$0x16C40] =	vst.add.f32.msk $0xffff, v13  }
0x1f7: {  	s22 =	sshra.s32 s23, $0x2;
	v13 =	vadd.f32 v8, v19;
	v8 =	vmov v14;
	v21 =	vld.idx.msk [tilespmem:v21+s3+$0x0], $0xffff  }
0x1f8: {  	v19 =	vadd.s32 v1, v10;
	v14 =	vld [tilespmem:s22+$0xFA80]  }
0x1f9: {  	v22 =	vld [tilespmem:s22+$0xFA00]  }
0x1fa: {  	v23 =	vld [tilespmem:s22+$0xFA10];
	v16 =	vadd.f32 v17, v16  }
0x1fb: {  	v17 =	vadd.s32 v6, v18;
	v24 =	vld [tilespmem:s22+$0xFA20]  }
0x1fc: {  	[tilespmem:s15+$0x16CD0] =	vst.add.f32.msk $0xffff, v16  }
0x1fd: {  	v14 =	vadd.f32 v14, v21;
	v16 =	vld.idx.msk [tilespmem:v19+s3+$0x0], $0xffff  }
0x1fe: {  	v19 =	vadd.f32 v22, v20;
	v20 =	vadd.s32 v6, v15;
	v21 =	vld [tilespmem:s15+$0xFAE0]  }
0x1ff: {  	[tilespmem:s22+$0x16C80] =	vst.add.f32.msk $0xffff, v14  }
0x200: {  	v14 =	vld.idx.msk [tilespmem:v17+s3+$0x0], $0xffff  }
0x201: {  	v22 =	vadd.s32 v0, v10;
	v10 =	vmov v18;
	v17 =	vld [tilespmem:s22+$0xFA90]  }
0x202: {  	[tilespmem:s22+$0x16C00] =	vst.add.f32.msk $0xffff, v19  }
0x203: {  	v18 =	vld.idx.msk [tilespmem:v20+s3+$0x0], $0xffff;
	v16 =	vadd.f32 v21, v16  }
0x204: {  	v19 =	vadd.s32 v5, v10;
	v20 =	vld [tilespmem:s22+$0xFA30]  }
0x205: {  	[tilespmem:s15+$0x16CE0] =	vst.add.f32.msk $0xffff, v16  }
0x206: {  	v14 =	vadd.f32 v17, v14;
	v16 =	vld.idx.msk [tilespmem:v22+s3+$0x0], $0xffff  }
0x207: {  	v17 =	vadd.s32 v5, v15;
	v21 =	vld [tilespmem:s15+$0xFAF0]  }
0x208: {  	[tilespmem:s22+$0x16C90] =	vst.add.f32.msk $0xffff, v14  }
0x209: {  	v14 =	vadd.f32 v23, v18;
	v18 =	vld.idx.msk [tilespmem:v19+s3+$0x0], $0xffff  }
0x20a: {  	v22 =	vadd.s32 v2, v9;
	v19 =	vld [tilespmem:s22+$0xFAA0]  }
0x20b: {  	[tilespmem:s22+$0x16C10] =	vst.add.f32.msk $0xffff, v14  }
0x20c: {  	v14 =	vld.idx.msk [tilespmem:v17+s3+$0x0], $0xffff;
	v16 =	vadd.f32 v21, v16  }
0x20d: {  	v21 =	vadd.s32 v4, v10;
	v17 =	vld [tilespmem:s22+$0xFA40]  }
0x20e: {  	[tilespmem:s15+$0x16CF0] =	vst.add.f32.msk $0xffff, v16  }
0x20f: {  	v16 =	vadd.f32 v19, v18;
	v18 =	vld.idx.msk [tilespmem:v22+s3+$0x0], $0xffff  }
0x210: {  	v19 =	vadd.s32 v4, v15;
	v22 =	vld [tilespmem:s22+$0xFA50]  }
0x211: {  	[tilespmem:s22+$0x16CA0] =	vst.add.f32.msk $0xffff, v16  }
0x212: {  	v14 =	vadd.f32 v24, v14;
	v21 =	vld.idx.msk [tilespmem:v21+s3+$0x0], $0xffff  }
0x213: {  	v24 =	vadd.s32 v1, v9;
	v23 =	vld [tilespmem:s22+$0xFAB0]  }
0x214: {  	[tilespmem:s22+$0x16C20] =	vst.add.f32.msk $0xffff, v14  }
0x215: {  	v14 =	vadd.f32 v12, v18;
	v25 =	vld.idx.msk [tilespmem:v19+s3+$0x0], $0xffff;
	v12 =	vmov v22  }
0x216: {  	v22 =	vadd.s32 v3, v10;
	v16 =	vld [tilespmem:s22+$0xFA60]  }
0x217: {  	[tilespmem:s15+$0x16C50] =	vst.add.f32.msk $0xffff, v14  }
.Ltmp6:
0x218: {  	v14 =	vmov s24;
	v18 =	vadd.f32 v23, v21;
	v19 =	vld.idx.msk [tilespmem:v24+s3+$0x0], $0xffff;
	(pc) =	sbr.rel @p0 .LBB2_10-.Ltmp6, $4  }
0x219: {  	v21 =	vmul.u32 $0x3E8, v14;
	v23 =	vadd.s32 v3, v15;
	v14 =	vld [tilespmem:s22+$0xFA70]  }
0x21a: {  	[tilespmem:s22+$0x16CB0] =	vst.add.f32.msk $0xffff, v18  }
0x21b: {  	v18 =	vbroadcast v21, $0x0;
	v24 =	vadd.f32 v20, v25;
	v20 =	vld.idx.msk [tilespmem:v22+s3+$0x0], $0xffff  }
0x21c: {  	s17 =	sadd.s32 $0x1, s24;
	s24 =	sadd.s32 $0x2, s24;
	v21 =	vadd.s32 v0, v9;
	v9 =	vmov v15;
	v22 =	vld [tilespmem:s22+$0xFAC0]  }
0x21d: {  	v15 =	vmov s17  }
0x21e: {  	v15 =	vmul.u32 $0x3E8, v15;
	_ =	sdelay $0x1  }
0x21f: {  	v15 =	vbroadcast v15, $0x0;
	_ =	sdelay $0x1  }
0x220: {  	v25 =	vadd.s32 v7, v15;
	_ =	sdelay $0x1  }
0x221: {  	s24 =	sadd.s32 $0x400, s23  }
0x222: {  	s23 =	sshra.s32 s24, $0x2  }
0x223: {  	v26 =	vld [tilespmem:s23+$0xFA80]  }
0x224: {  	v25 =	vld.idx.msk [tilespmem:v25+s3+$0x0], $0xffff  }
0x225: {  	v7 =	vadd.s32 v7, v18;
	_ =	sdelay $0x2  }
0x226: {  	[tilespmem:s22+$0x16C30] =	vst.add.f32.msk $0xffff, v24;
	v24 =	vadd.s32 v6, v15  }
0x227: {  	v23 =	vld.idx.msk [tilespmem:v23+s3+$0x0], $0xffff;
	v25 =	vadd.f32 v26, v25  }
0x228: {  	v7 =	vld.idx.msk [tilespmem:v7+s3+$0x0], $0xffff  }
0x229: {  	[tilespmem:s23+$0x16C80] =	vst.add.f32.msk $0xffff, v25  }
0x22a: {  	v25 =	vld [tilespmem:s23+$0xFA00]  }
0x22b: {  	v11 =	vadd.f32 v11, v19;
	v19 =	vld.idx.msk [tilespmem:v24+s3+$0x0], $0xffff  }
0x22c: {  	v24 =	vld [tilespmem:s23+$0xFA90]  }
0x22d: {  	[tilespmem:s15+$0x16C60] =	vst.add.f32.msk $0xffff, v11;
	v11 =	vadd.f32 v22, v20;
	v6 =	vadd.s32 v6, v18  }
0x22e: {  	v20 =	vld.idx.msk [tilespmem:v21+s3+$0x0], $0xffff  }
0x22f: {  	[tilespmem:s22+$0x16CC0] =	vst.add.f32.msk $0xffff, v11;
	v11 =	vadd.s32 v5, v15;
	v7 =	vadd.f32 v25, v7  }
0x230: {  	v21 =	vld [tilespmem:s23+$0xFA10]  }
0x231: {  	[tilespmem:s23+$0x16C00] =	vst.add.f32.msk $0xffff, v7;
	v7 =	vadd.f32 v24, v19  }
0x232: {  	v22 =	vadd.s32 v2, v10;
	v6 =	vld.idx.msk [tilespmem:v6+s3+$0x0], $0xffff  }
0x233: {  	[tilespmem:s23+$0x16C90] =	vst.add.f32.msk $0xffff, v7  }
0x234: {  	v17 =	vadd.f32 v17, v23;
	v7 =	vld.idx.msk [tilespmem:v11+s3+$0x0], $0xffff  }
0x235: {  	v11 =	vld [tilespmem:s23+$0xFAA0]  }
0x236: {  	v5 =	vadd.s32 v5, v18;
	[tilespmem:s22+$0x16C40] =	vst.add.f32.msk $0xffff, v17  }
0x237: {  	v19 =	vld.idx.msk [tilespmem:v22+s3+$0x0], $0xffff  }
0x238: {  	v17 =	vadd.s32 v4, v15;
	v22 =	vld [tilespmem:s22+$0xFAD0];
	v6 =	vadd.f32 v21, v6  }
0x239: {  	v21 =	vld [tilespmem:s23+$0xFA20]  }
0x23a: {  	[tilespmem:s23+$0x16C10] =	vst.add.f32.msk $0xffff, v6;
	v6 =	vadd.f32 v11, v7  }
0x23b: {  	v7 =	vadd.s32 v1, v10;
	v5 =	vld.idx.msk [tilespmem:v5+s3+$0x0], $0xffff  }
0x23c: {  	[tilespmem:s23+$0x16CA0] =	vst.add.f32.msk $0xffff, v6  }
0x23d: {  	v6 =	vadd.f32 v22, v19;
	v11 =	vld.idx.msk [tilespmem:v17+s3+$0x0], $0xffff  }
0x23e: {  	v17 =	vld [tilespmem:s23+$0xFAB0]  }
0x23f: {  	v4 =	vadd.s32 v4, v18;
	[tilespmem:s22+$0x16CD0] =	vst.add.f32.msk $0xffff, v6  }
0x240: {  	v6 =	vld.idx.msk [tilespmem:v7+s3+$0x0], $0xffff  }
0x241: {  	v7 =	vld [tilespmem:s22+$0xFAE0];
	v5 =	vadd.f32 v21, v5  }
0x242: {  	v21 =	vld [tilespmem:s23+$0xFA30]  }
0x243: {  	v19 =	vadd.s32 v3, v15;
	[tilespmem:s23+$0x16C20] =	vst.add.f32.msk $0xffff, v5  }
0x244: {  	v5 =	vadd.f32 v17, v11;
	v4 =	vld.idx.msk [tilespmem:v4+s3+$0x0], $0xffff  }
0x245: {  	v10 =	vadd.s32 v0, v10;
	v11 =	vld [tilespmem:s23+$0xFA40]  }
0x246: {  	[tilespmem:s23+$0x16CB0] =	vst.add.f32.msk $0xffff, v5  }
0x247: {  	v3 =	vadd.s32 v3, v18;
	v5 =	vadd.f32 v7, v6;
	v7 =	vld [tilespmem:s23+$0xFAC0]  }
0x248: {  	v6 =	vld.idx.msk [tilespmem:v19+s3+$0x0], $0xffff  }
0x249: {  	[tilespmem:s22+$0x16CE0] =	vst.add.f32.msk $0xffff, v5;
	v5 =	vadd.s32 v2, v9;
	v4 =	vadd.f32 v21, v4  }
0x24a: {  	v10 =	vld.idx.msk [tilespmem:v10+s3+$0x0], $0xffff  }
0x24b: {  	[tilespmem:s23+$0x16C30] =	vst.add.f32.msk $0xffff, v4  }
0x24c: {  	v17 =	vadd.s32 v2, v15;
	v3 =	vld.idx.msk [tilespmem:v3+s3+$0x0], $0xffff  }
0x24d: {  	v4 =	vadd.f32 v7, v6;
	v6 =	vld [tilespmem:s23+$0xFAD0]  }
0x24e: {  	v5 =	vld.idx.msk [tilespmem:v5+s3+$0x0], $0xffff  }
0x24f: {  	v2 =	vadd.s32 v2, v18;
	v7 =	vld [tilespmem:s22+$0xFAF0]  }
0x250: {  	[tilespmem:s23+$0x16CC0] =	vst.add.f32.msk $0xffff, v4  }
0x251: {  	v4 =	vld.idx.msk [tilespmem:v17+s3+$0x0], $0xffff;
	v3 =	vadd.f32 v11, v3  }
0x252: {  	v17 =	vadd.s32 v1, v9;
	v11 =	vld [tilespmem:s23+$0xFA50]  }
0x253: {  	v5 =	vadd.f32 v12, v5;
	[tilespmem:s23+$0x16C40] =	vst.add.f32.msk $0xffff, v3  }
0x254: {  	v2 =	vld.idx.msk [tilespmem:v2+s3+$0x0], $0xffff  }
0x255: {  	v3 =	vadd.s32 v1, v15;
	[tilespmem:s22+$0x16C50] =	vst.add.f32.msk $0xffff, v5  }
0x256: {  	v4 =	vadd.f32 v6, v4;
	v6 =	vld [tilespmem:s23+$0xFA60]  }
0x257: {  	v1 =	vadd.s32 v1, v18;
	v5 =	vld.idx.msk [tilespmem:v17+s3+$0x0], $0xffff  }
0x258: {  	[tilespmem:s23+$0x16CD0] =	vst.add.f32.msk $0xffff, v4  }
0x259: {  	v4 =	vld [tilespmem:s23+$0xFAE0];
	v2 =	vadd.f32 v11, v2  }
0x25a: {  	v3 =	vld.idx.msk [tilespmem:v3+s3+$0x0], $0xffff  }
0x25b: {  	v9 =	vadd.s32 v0, v9;
	[tilespmem:s23+$0x16C50] =	vst.add.f32.msk $0xffff, v2  }
0x25c: {  	v2 =	vadd.f32 v16, v5;
	v1 =	vld.idx.msk [tilespmem:v1+s3+$0x0], $0xffff  }
0x25d: {  	v11 =	vld [tilespmem:s23+$0xFA70];
	v5 =	vadd.s32 v0, v15  }
0x25e: {  	[tilespmem:s22+$0x16C60] =	vst.add.f32.msk $0xffff, v2  }
0x25f: {  	v0 =	vadd.s32 v0, v18;
	v2 =	vadd.f32 v4, v3;
	v4 =	vld [tilespmem:s23+$0xFAF0]  }
0x260: {  	v3 =	vld.idx.msk [tilespmem:v9+s3+$0x0], $0xffff  }
0x261: {  	[tilespmem:s23+$0x16CE0] =	vst.add.f32.msk $0xffff, v2;
	v1 =	vadd.f32 v6, v1  }
0x262: {  	v2 =	vld.idx.msk [tilespmem:v5+s3+$0x0], $0xffff  }
0x263: {  	[tilespmem:s23+$0x16C60] =	vst.add.f32.msk $0xffff, v1  }
0x264: {  	v0 =	vld.idx.msk [tilespmem:v0+s3+$0x0], $0xffff  }
0x265: {  	v1 =	vadd.f32 v7, v10  }
0x266: {  	[tilespmem:s21+$0x16C70] =	vst.add.f32.msk $0xffff, v13;
	v5 =	vadd.f32 v8, v20  }
0x267: {  	[tilespmem:s22+$0x16CF0] =	vst.add.f32.msk $0xffff, v1;
	v1 =	vadd.f32 v4, v2  }
0x268: {  	s10 =	sshll.u32 s10, $0x12;
	[tilespmem:s15+$0x16C70] =	vst.add.f32.msk $0xffff, v5;
	v2 =	vadd.f32 v14, v3  }
0x269: {  	s10 =	sor.u32 s4, s10;
	[tilespmem:s23+$0x16CF0] =	vst.add.f32.msk $0xffff, v1;
	v0 =	vadd.f32 v11, v0  }
0x26a: {  	s10 =	sshrl.u32 s10, $0x3;
	[tilespmem:s22+$0x16C70] =	vst.add.f32.msk $0xffff, v2  }
0x26b: {  	p0 =	seq.s32 s11, $0x27;
	s10 =	sadd.s32 s6, s10;
	[tilespmem:s23+$0x16C70] =	vst.add.f32.msk $0xffff, v0;
	s23 =	simm.s32 $0x16C00  }
0x26c: {  	[hbm4b:s10+s18] =	stream.strided.scatter [tilespmem:s23], [sflag:$0x7], $0x2000, s19, s18, $0x38;
	[tilespmem:$0x1EC00] =	vst v63  }
0x26d: {  	s9 =	sadd.s32 $0x2, s9;
	s17 =	simm.s32 @!p0 $0x1000;
	s10 =	simm.s32 @!p0 $0x6  }
0x26e: {  	s21 =	simm.s32 @!p0 $0x14C00;
	s15 =	sadd.s32 @!p0 s12, s8;
	_ =	swait.ge @!p0 [sflag:s10], $0x2000  }
0x26f: {  	s24 =	smulhi.u32 $0x51EB851F, s9;
	s15 =	sshrl.u32 @!p0 s15, $0x3;
	[sflag:s10] =	ssyncset.done @!p0 $0x0  }
0x270: {  	[sflag:s10] =	ssyncadd.s32 @!p0 $0xFFFFE000;
	s10 =	sadd.s32 @!p0 s2, s15;
	s15 =	simm.s32 @!p0 $0x80  }
0x271: {  	[tilespmem:s21], [sflag:$0x1] =	stream.strided.gather @!p0 [hbm4b:s10+s15], $0x2000, s17, s15, $0x38;
	[tilespmem:$0x1EC00] =	vst v63  }
0x272: {  	s21 =	sshrl.u32 s24, $0x5  }
0x273: {  	s10 =	smul.u32 $0x64, s21  }
0x274: {  	_ =	swait.ge [sflag:s31], $0x2000  }
0x275: {  	[sflag:s31] =	ssyncset.done $0x0;
	s10 =	ssub.s32 s9, s10  }
0x276: {  	s23 =	simm.s32 $0x1;
	[sflag:s31] =	ssyncadd.s32 $0xFFFFE000;
	s22 =	sshll.u32 s10, $0x7  }
0x277: {  	v0 =	vmov s23;
	v7 =	vld [tilespmem:s22+$0x11A00]  }
0x278: {  	v0 =	vmul.u32 $0x3E8, v0;
	_ =	sdelay $0x1  }
0x279: {  	v9 =	vbroadcast v0, $0x0  }
0x27a: {  	s24 =	simm.s32 $0x0  }
0x27b: {  	v1 =	vmov s24;
	v0 =	vadd.s32 v7, v9  }
0x27c: {  	v1 =	vmul.u32 $0x3E8, v1;
	v6 =	vld [tilespmem:s22+$0x11A10]  }
0x27d: {  	v5 =	vld [tilespmem:s22+$0x11A20]  }
0x27e: {  	v8 =	vbroadcast v1, $0x0;
	s10 =	simm.s32 $0x0;
	v4 =	vld [tilespmem:s22+$0x11A30]  }
0x27f: {  	v12 =	vld [tilespmem:s10+$0xFA80]  }
0x280: {  	v11 =	vadd.s32 v7, v8;
	v10 =	vld.idx.msk [tilespmem:v0+s3+$0x0], $0xffff  }
0x281: {  	v3 =	vld [tilespmem:s22+$0x11A40]  }
0x282: {  	v2 =	vld [tilespmem:s22+$0x11A50]  }
0x283: {  	v1 =	vld [tilespmem:s22+$0x11A60];
	v13 =	vadd.s32 v6, v9  }
0x284: {  	v0 =	vld [tilespmem:s22+$0x11A70]  }
0x285: {  	v11 =	vld.idx.msk [tilespmem:v11+s3+$0x0], $0xffff;
	v10 =	vadd.f32 v12, v10  }
0x286: {  	v12 =	vld [tilespmem:s10+$0xFA00]  }
0x287: {  	[tilespmem:s10+$0x18C80] =	vst.add.f32.msk $0xffff, v10  }
0x288: {  	v10 =	vld.idx.msk [tilespmem:v13+s3+$0x0], $0xffff  }
0x289: {  	v13 =	vld [tilespmem:s10+$0xFA90]  }
0x28a: {  	v14 =	vadd.s32 v6, v8;
	_ =	sdelay $0x1  }
0x28b: {  	v11 =	vadd.f32 v12, v11;
	v12 =	vadd.s32 v5, v9  }
0x28c: {  	v15 =	vld [tilespmem:s10+$0xFA10]  }
0x28d: {  	[tilespmem:s10+$0x18C00] =	vst.add.f32.msk $0xffff, v11;
	v10 =	vadd.f32 v13, v10  }
0x28e: {  	v11 =	vld.idx.msk [tilespmem:v14+s3+$0x0], $0xffff  }
0x28f: {  	[tilespmem:s10+$0x18C90] =	vst.add.f32.msk $0xffff, v10  }
0x290: {  	v10 =	vld.idx.msk [tilespmem:v12+s3+$0x0], $0xffff  }
0x291: {  	v13 =	vadd.s32 v5, v8;
	v12 =	vld [tilespmem:s10+$0xFAA0];
	_ =	sdelay $0x1  }
0x292: {  	v11 =	vadd.f32 v15, v11  }
0x293: {  	v16 =	vld [tilespmem:s10+$0xFA20];
	v14 =	vadd.s32 v4, v9  }
0x294: {  	[tilespmem:s10+$0x18C10] =	vst.add.f32.msk $0xffff, v11  }
0x295: {  	v10 =	vadd.f32 v12, v10;
	v11 =	vld.idx.msk [tilespmem:v13+s3+$0x0], $0xffff  }
0x296: {  	v12 =	vld [tilespmem:s10+$0xFAB0]  }
0x297: {  	[tilespmem:s10+$0x18CA0] =	vst.add.f32.msk $0xffff, v10  }
0x298: {  	v10 =	vld.idx.msk [tilespmem:v14+s3+$0x0], $0xffff  }
0x299: {  	v13 =	vadd.s32 v4, v8;
	_ =	sdelay $0x1  }
0x29a: {  	v17 =	vld [tilespmem:s10+$0xFA30];
	v15 =	vadd.s32 v3, v9;
	v11 =	vadd.f32 v16, v11  }
0x29b: {  	v18 =	vld [tilespmem:s10+$0xFAC0]  }
0x29c: {  	[tilespmem:s10+$0x18C20] =	vst.add.f32.msk $0xffff, v11;
	v10 =	vadd.f32 v12, v10  }
0x29d: {  	v11 =	vld.idx.msk [tilespmem:v13+s3+$0x0], $0xffff  }
0x29e: {  	s17 =	simm.s32 $0x2;
	[tilespmem:s10+$0x18CB0] =	vst.add.f32.msk $0xffff, v10  }
0x29f: {  	s21 =	simm.s32 $0x3;
	v12 =	vmov s17;
	v10 =	vld.idx.msk [tilespmem:v15+s3+$0x0], $0xffff  }
0x2a0: {  	v21 =	vld [tilespmem:s10+$0xFA60];
	v19 =	vadd.s32 v3, v8;
	v13 =	vmov s21;
	v12 =	vmul.u32 $0x3E8, v12  }
0x2a1: {  	v14 =	vld [tilespmem:s10+$0xFA40];
	v20 =	vmul.u32 $0x3E8, v13  }
0x2a2: {  	v16 =	vld [tilespmem:s10+$0xFA50];
	v15 =	vbroadcast v12, $0x0;
	v12 =	vadd.s32 v2, v9;
	v11 =	vadd.f32 v17, v11  }
0x2a3: {  	v13 =	vld [tilespmem:s10+$0xFA70];
	v17 =	vbroadcast v20, $0x0  }
0x2a4: {  	v20 =	vadd.s32 v7, v15;
	[tilespmem:s10+$0x18C30] =	vst.add.f32.msk $0xffff, v11;
	v10 =	vadd.f32 v18, v10  }
0x2a5: {  	v11 =	vld.idx.msk [tilespmem:v19+s3+$0x0], $0xffff;
	v18 =	vadd.s32 v7, v17  }
0x2a6: {  	[tilespmem:s10+$0x18CC0] =	vst.add.f32.msk $0xffff, v10  }
0x2a7: {  	v10 =	vld.idx.msk [tilespmem:v12+s3+$0x0], $0xffff  }
0x2a8: {  	v12 =	vld [tilespmem:s10+$0xFAD0]  }
0x2a9: {  	v19 =	vld.idx.msk [tilespmem:v20+s3+$0x0], $0xffff  }
0x2aa: {  	s15 =	simm.s32 $0x100;
	v11 =	vadd.f32 v14, v11;
	v14 =	vld.idx.msk [tilespmem:v18+s3+$0x0], $0xffff  }
0x2ab: {  	v18 =	vld [tilespmem:s15+$0xFA80]  }
0x2ac: {  	v20 =	vadd.s32 v1, v9;
	[tilespmem:s10+$0x18C40] =	vst.add.f32.msk $0xffff, v11  }
0x2ad: {  	v11 =	vld [tilespmem:s15+$0xFA00];
	v10 =	vadd.f32 v12, v10  }
0x2ae: {  	v12 =	vld [tilespmem:s15+$0xFA10]  }
0x2af: {  	v22 =	vadd.s32 v6, v17;
	[tilespmem:s10+$0x18CD0] =	vst.add.f32.msk $0xffff, v10  }
0x2b0: {  	v10 =	vadd.f32 v18, v14;
	v18 =	vld [tilespmem:s10+$0xFAE0]  }
0x2b1: {  	v14 =	vld.idx.msk [tilespmem:v20+s3+$0x0], $0xffff  }
0x2b2: {  	v20 =	vadd.s32 v6, v15;
	[tilespmem:s15+$0x18C80] =	vst.add.f32.msk $0xffff, v10  }
0x2b3: {  	v11 =	vadd.f32 v11, v19;
	v19 =	vld [tilespmem:s15+$0xFA90]  }
0x2b4: {  	v10 =	vld.idx.msk [tilespmem:v22+s3+$0x0], $0xffff  }
0x2b5: {  	v9 =	vadd.s32 v0, v9;
	v22 =	vld [tilespmem:s15+$0xFA20]  }
0x2b6: {  	[tilespmem:s15+$0x18C00] =	vst.add.f32.msk $0xffff, v11;
	v11 =	vadd.f32 v18, v14  }
0x2b7: {  	v14 =	vld.idx.msk [tilespmem:v20+s3+$0x0], $0xffff;
	v18 =	vadd.s32 v5, v17  }
0x2b8: {  	[tilespmem:s10+$0x18CE0] =	vst.add.f32.msk $0xffff, v11  }
0x2b9: {  	v10 =	vadd.f32 v19, v10;
	v11 =	vld [tilespmem:s10+$0xFAF0]  }
0x2ba: {  	v9 =	vld.idx.msk [tilespmem:v9+s3+$0x0], $0xffff  }
0x2bb: {  	v19 =	vadd.s32 v5, v15;
	[tilespmem:s15+$0x18C90] =	vst.add.f32.msk $0xffff, v10  }
0x2bc: {  	v10 =	vld.idx.msk [tilespmem:v18+s3+$0x0], $0xffff  }
0x2bd: {  	v12 =	vadd.f32 v12, v14;
	v14 =	vld [tilespmem:s15+$0xFAA0]  }
0x2be: {  	v20 =	vadd.s32 v2, v8;
	v18 =	vld [tilespmem:s15+$0xFA30]  }
0x2bf: {  	[tilespmem:s15+$0x18C10] =	vst.add.f32.msk $0xffff, v12  }
0x2c0: {  	v12 =	vld.idx.msk [tilespmem:v19+s3+$0x0], $0xffff;
	v9 =	vadd.f32 v11, v9;
	v11 =	vadd.s32 v4, v17  }
0x2c1: {  	v19 =	vld [tilespmem:s15+$0xFA40]  }
0x2c2: {  	[tilespmem:s10+$0x18CF0] =	vst.add.f32.msk $0xffff, v9;
	v9 =	vadd.f32 v14, v10  }
0x2c3: {  	v10 =	vld.idx.msk [tilespmem:v20+s3+$0x0], $0xffff  }
0x2c4: {  	[tilespmem:s15+$0x18CA0] =	vst.add.f32.msk $0xffff, v9  }
0x2c5: {  	v14 =	vadd.s32 v4, v15;
	v9 =	vld.idx.msk [tilespmem:v11+s3+$0x0], $0xffff  }
0x2c6: {  	v11 =	vadd.f32 v22, v12;
	v12 =	vld [tilespmem:s15+$0xFAB0]  }
0x2c7: {  	v20 =	vld [tilespmem:s15+$0xFA50];
	v22 =	vadd.s32 v1, v8  }
0x2c8: {  	[tilespmem:s15+$0x18C20] =	vst.add.f32.msk $0xffff, v11  }
0x2c9: {  	v10 =	vadd.f32 v16, v10;
	v16 =	vadd.s32 v3, v17;
	v11 =	vld [tilespmem:s15+$0xFA60]  }
0x2ca: {  	v14 =	vld.idx.msk [tilespmem:v14+s3+$0x0], $0xffff  }
0x2cb: {  	s22 =	simm.s32 $0x4;
	[tilespmem:s10+$0x18C50] =	vst.add.f32.msk $0xffff, v10;
	v9 =	vadd.f32 v12, v9  }
0x2cc: {  	v10 =	vmov s22;
	v12 =	vld.idx.msk [tilespmem:v22+s3+$0x0], $0xffff  }
0x2cd: {  	v10 =	vmul.u32 $0x3E8, v10;
	v22 =	vadd.s32 v3, v15;
	[tilespmem:s15+$0x18CB0] =	vst.add.f32.msk $0xffff, v9  }
0x2ce: {  	v16 =	vld.idx.msk [tilespmem:v16+s3+$0x0], $0xffff  }
0x2cf: {  	s23 =	simm.s32 $0x5;
	v9 =	vbroadcast v10, $0x0;
	v10 =	vadd.f32 v18, v14;
	v14 =	vld [tilespmem:s15+$0xFAC0]  }
0x2d0: {  	v24 =	vmov s23;
	v18 =	vadd.s32 v0, v8;
	v8 =	vld [tilespmem:s15+$0xFA70]  }
0x2d1: {  	[tilespmem:s15+$0x18C30] =	vst.add.f32.msk $0xffff, v10;
	v10 =	vmul.u32 $0x3E8, v24  }
0x2d2: {  	s21 =	simm.s32 $0x200;
	v12 =	vadd.f32 v21, v12;
	v21 =	vld.idx.msk [tilespmem:v22+s3+$0x0], $0xffff;
	v22 =	vadd.s32 v2, v17  }
0x2d3: {  	v24 =	vld [tilespmem:s21+$0xFA10];
	v10 =	vbroadcast v10, $0x0  }
0x2d4: {  	[tilespmem:s10+$0x18C60] =	vst.add.f32.msk $0xffff, v12;
	v12 =	vadd.f32 v14, v16  }
0x2d5: {  	v18 =	vld.idx.msk [tilespmem:v18+s3+$0x0], $0xffff;
	v16 =	vadd.s32 v7, v10  }
0x2d6: {  	[tilespmem:s15+$0x18CC0] =	vst.add.f32.msk $0xffff, v12  }
0x2d7: {  	v23 =	vadd.s32 v7, v9;
	v12 =	vadd.f32 v19, v21;
	v19 =	vld.idx.msk [tilespmem:v22+s3+$0x0], $0xffff  }
0x2d8: {  	v21 =	vld [tilespmem:s15+$0xFAD0]  }
0x2d9: {  	[tilespmem:s15+$0x18C40] =	vst.add.f32.msk $0xffff, v12  }
0x2da: {  	v12 =	vld.idx.msk [tilespmem:v16+s3+$0x0], $0xffff  }
0x2db: {  	v22 =	vadd.s32 v1, v17;
	v16 =	vld [tilespmem:s21+$0xFA80]  }
0x2dc: {  	v14 =	vld.idx.msk [tilespmem:v23+s3+$0x0], $0xffff  }
0x2dd: {  	v23 =	vld [tilespmem:s21+$0xFA00];
	v19 =	vadd.f32 v21, v19  }
0x2de: {  	v21 =	vld [tilespmem:s21+$0xFA20]  }
0x2df: {  	v25 =	vadd.s32 v6, v10;
	[tilespmem:s15+$0x18CD0] =	vst.add.f32.msk $0xffff, v19  }
0x2e0: {  	v12 =	vadd.f32 v16, v12;
	v16 =	vld.idx.msk [tilespmem:v22+s3+$0x0], $0xffff  }
0x2e1: {  	v19 =	vadd.s32 v6, v9;
	v22 =	vld [tilespmem:s15+$0xFAE0]  }
0x2e2: {  	[tilespmem:s21+$0x18C80] =	vst.add.f32.msk $0xffff, v12  }
0x2e3: {  	v12 =	vadd.f32 v23, v14;
	v23 =	vld [tilespmem:s21+$0xFA90]  }
0x2e4: {  	v17 =	vadd.s32 v0, v17;
	v14 =	vld.idx.msk [tilespmem:v25+s3+$0x0], $0xffff  }
0x2e5: {  	[tilespmem:s21+$0x18C00] =	vst.add.f32.msk $0xffff, v12  }
0x2e6: {  	v12 =	vld.idx.msk [tilespmem:v19+s3+$0x0], $0xffff;
	v16 =	vadd.f32 v22, v16  }
0x2e7: {  	v22 =	vld [tilespmem:s21+$0xFA30];
	v19 =	vadd.s32 v5, v10  }
0x2e8: {  	[tilespmem:s15+$0x18CE0] =	vst.add.f32.msk $0xffff, v16  }
0x2e9: {  	v14 =	vadd.f32 v23, v14;
	v16 =	vld.idx.msk [tilespmem:v17+s3+$0x0], $0xffff  }
0x2ea: {  	v17 =	vadd.s32 v5, v9;
	v23 =	vld [tilespmem:s15+$0xFAF0]  }
0x2eb: {  	[tilespmem:s21+$0x18C90] =	vst.add.f32.msk $0xffff, v14  }
0x2ec: {  	v12 =	vadd.f32 v24, v12;
	v14 =	vld.idx.msk [tilespmem:v19+s3+$0x0], $0xffff  }
0x2ed: {  	v19 =	vld [tilespmem:s21+$0xFAA0]  }
0x2ee: {  	v24 =	vadd.s32 v2, v15;
	[tilespmem:s21+$0x18C10] =	vst.add.f32.msk $0xffff, v12  }
0x2ef: {  	v25 =	vld.idx.msk [tilespmem:v17+s3+$0x0], $0xffff;
	v12 =	vadd.f32 v23, v16  }
0x2f0: {  	v17 =	vld [tilespmem:s21+$0xFA40]  }
0x2f1: {  	v16 =	vadd.s32 v4, v10;
	[tilespmem:s15+$0x18CF0] =	vst.add.f32.msk $0xffff, v12  }
0x2f2: {  	v12 =	vld [tilespmem:s21+$0xFA50]  }
0x2f3: {  	v14 =	vadd.f32 v19, v14;
	v19 =	vld.idx.msk [tilespmem:v24+s3+$0x0], $0xffff  }
0x2f4: {  	v23 =	vadd.s32 v4, v9;
	v24 =	vld [tilespmem:s21+$0xFAB0]  }
0x2f5: {  	[tilespmem:s21+$0x18CA0] =	vst.add.f32.msk $0xffff, v14  }
0x2f6: {  	v14 =	vadd.f32 v21, v25;
	v21 =	vld.idx.msk [tilespmem:v16+s3+$0x0], $0xffff  }
0x2f7: {  	v25 =	vadd.s32 v1, v15;
	v16 =	vld [tilespmem:s21+$0xFA60]  }
0x2f8: {  	[tilespmem:s21+$0x18C20] =	vst.add.f32.msk $0xffff, v14;
	v14 =	vadd.f32 v20, v19  }
0x2f9: {  	v26 =	vld.idx.msk [tilespmem:v23+s3+$0x0], $0xffff  }
0x2fa: {  	s24 =	simm.s32 $0x6;
	v20 =	vadd.s32 v3, v10;
	[tilespmem:s15+$0x18C50] =	vst.add.f32.msk $0xffff, v14  }
0x2fb: {  	v23 =	vmov s24;
	v14 =	vld [tilespmem:s21+$0xFA70];
	v21 =	vadd.f32 v24, v21  }
0x2fc: {  	v19 =	vld.idx.msk [tilespmem:v25+s3+$0x0], $0xffff;
	v24 =	vmul.u32 $0x3E8, v23;
	v23 =	vadd.s32 v3, v9  }
0x2fd: {  	[tilespmem:s21+$0x18CB0] =	vst.add.f32.msk $0xffff, v21  }
0x2fe: {  	v13 =	vadd.f32 v13, v18;
	v18 =	vbroadcast v24, $0x0;
	v24 =	vadd.f32 v22, v26;
	v22 =	vld [tilespmem:s21+$0xFAC0]  }
0x2ff: {  	s23 =	simm.s32 $0x8;
	s17 =	simm.s32 $0x7;
	s22 =	simm.s32 $0x800;
	v21 =	vadd.s32 v0, v15;
	v20 =	vld.idx.msk [tilespmem:v20+s3+$0x0], $0xffff  }
.LBB2_12:
0x300: {  	p1 =	slt.u32 s23, $0x3E;
	v25 =	vadd.s32 v7, v18;
	v26 =	vmov s17;
	[tilespmem:s21+$0x18C30] =	vst.add.f32.msk $0xffff, v24;
	v15 =	vmov v18  }
0x301: {  	v19 =	vadd.f32 v11, v19;
	v11 =	vmov v16;
	v18 =	vmul.u32 $0x3E8, v26;
	v23 =	vld.idx.msk [tilespmem:v23+s3+$0x0], $0xffff  }
0x302: {  	v16 =	vadd.s32 v2, v10;
	[tilespmem:s10+$0x18C70] =	vst.add.f32.msk $0xffff, v13;
	s10 =	smov.u32 s15;
	s15 =	smov.u32 s21  }
0x303: {  	v18 =	vbroadcast v18, $0x0;
	[tilespmem:s10+$0x18C60] =	vst.add.f32.msk $0xffff, v19  }
0x304: {  	v13 =	vadd.f32 v22, v20;
	v19 =	vld.idx.msk [tilespmem:v21+s3+$0x0], $0xffff  }
0x305: {  	v20 =	vld.idx.msk [tilespmem:v25+s3+$0x0], $0xffff;
	v21 =	vadd.s32 v7, v18  }
0x306: {  	[tilespmem:s15+$0x18CC0] =	vst.add.f32.msk $0xffff, v13  }
0x307: {  	v13 =	vadd.f32 v17, v23;
	v16 =	vld.idx.msk [tilespmem:v16+s3+$0x0], $0xffff  }
0x308: {  	v17 =	vld [tilespmem:s15+$0xFAD0]  }
0x309: {  	s22 =	sadd.s32 $0x400, s22;
	[tilespmem:s15+$0x18C40] =	vst.add.f32.msk $0xffff, v13  }
0x30a: {  	s21 =	sshra.s32 s22, $0x2;
	v13 =	vadd.f32 v8, v19;
	v8 =	vmov v14;
	v21 =	vld.idx.msk [tilespmem:v21+s3+$0x0], $0xffff  }
0x30b: {  	v19 =	vadd.s32 v1, v10;
	v14 =	vld [tilespmem:s21+$0xFA80]  }
0x30c: {  	v22 =	vld [tilespmem:s21+$0xFA00]  }
0x30d: {  	v23 =	vld [tilespmem:s21+$0xFA10];
	v16 =	vadd.f32 v17, v16  }
0x30e: {  	v17 =	vadd.s32 v6, v18;
	v24 =	vld [tilespmem:s21+$0xFA20]  }
0x30f: {  	[tilespmem:s15+$0x18CD0] =	vst.add.f32.msk $0xffff, v16  }
0x310: {  	v14 =	vadd.f32 v14, v21;
	v16 =	vld.idx.msk [tilespmem:v19+s3+$0x0], $0xffff  }
0x311: {  	v19 =	vadd.f32 v22, v20;
	v20 =	vadd.s32 v6, v15;
	v21 =	vld [tilespmem:s15+$0xFAE0]  }
0x312: {  	[tilespmem:s21+$0x18C80] =	vst.add.f32.msk $0xffff, v14  }
0x313: {  	v14 =	vld.idx.msk [tilespmem:v17+s3+$0x0], $0xffff  }
0x314: {  	v22 =	vadd.s32 v0, v10;
	v10 =	vmov v18;
	v17 =	vld [tilespmem:s21+$0xFA90]  }
0x315: {  	[tilespmem:s21+$0x18C00] =	vst.add.f32.msk $0xffff, v19  }
0x316: {  	v18 =	vld.idx.msk [tilespmem:v20+s3+$0x0], $0xffff;
	v16 =	vadd.f32 v21, v16  }
0x317: {  	v19 =	vadd.s32 v5, v10;
	v20 =	vld [tilespmem:s21+$0xFA30]  }
0x318: {  	[tilespmem:s15+$0x18CE0] =	vst.add.f32.msk $0xffff, v16  }
0x319: {  	v14 =	vadd.f32 v17, v14;
	v16 =	vld.idx.msk [tilespmem:v22+s3+$0x0], $0xffff  }
0x31a: {  	v17 =	vadd.s32 v5, v15;
	v21 =	vld [tilespmem:s15+$0xFAF0]  }
0x31b: {  	[tilespmem:s21+$0x18C90] =	vst.add.f32.msk $0xffff, v14  }
0x31c: {  	v14 =	vadd.f32 v23, v18;
	v18 =	vld.idx.msk [tilespmem:v19+s3+$0x0], $0xffff  }
0x31d: {  	v22 =	vadd.s32 v2, v9;
	v19 =	vld [tilespmem:s21+$0xFAA0]  }
0x31e: {  	[tilespmem:s21+$0x18C10] =	vst.add.f32.msk $0xffff, v14  }
0x31f: {  	v14 =	vld.idx.msk [tilespmem:v17+s3+$0x0], $0xffff;
	v16 =	vadd.f32 v21, v16  }
0x320: {  	v21 =	vadd.s32 v4, v10;
	v17 =	vld [tilespmem:s21+$0xFA40]  }
0x321: {  	[tilespmem:s15+$0x18CF0] =	vst.add.f32.msk $0xffff, v16  }
0x322: {  	v16 =	vadd.f32 v19, v18;
	v18 =	vld.idx.msk [tilespmem:v22+s3+$0x0], $0xffff  }
0x323: {  	v19 =	vadd.s32 v4, v15;
	v22 =	vld [tilespmem:s21+$0xFA50]  }
0x324: {  	[tilespmem:s21+$0x18CA0] =	vst.add.f32.msk $0xffff, v16  }
0x325: {  	v14 =	vadd.f32 v24, v14;
	v21 =	vld.idx.msk [tilespmem:v21+s3+$0x0], $0xffff  }
0x326: {  	v24 =	vadd.s32 v1, v9;
	v23 =	vld [tilespmem:s21+$0xFAB0]  }
0x327: {  	[tilespmem:s21+$0x18C20] =	vst.add.f32.msk $0xffff, v14  }
0x328: {  	v14 =	vadd.f32 v12, v18;
	v25 =	vld.idx.msk [tilespmem:v19+s3+$0x0], $0xffff;
	v12 =	vmov v22  }
0x329: {  	v22 =	vadd.s32 v3, v10;
	v16 =	vld [tilespmem:s21+$0xFA60]  }
0x32a: {  	[tilespmem:s15+$0x18C50] =	vst.add.f32.msk $0xffff, v14  }
.Ltmp7:
0x32b: {  	v14 =	vmov s23;
	v18 =	vadd.f32 v23, v21;
	v19 =	vld.idx.msk [tilespmem:v24+s3+$0x0], $0xffff;
	(pc) =	sbr.rel @p1 .LBB2_12-.Ltmp7, $4  }
0x32c: {  	v21 =	vmul.u32 $0x3E8, v14;
	v23 =	vadd.s32 v3, v15;
	v14 =	vld [tilespmem:s21+$0xFA70]  }
0x32d: {  	[tilespmem:s21+$0x18CB0] =	vst.add.f32.msk $0xffff, v18  }
0x32e: {  	v18 =	vbroadcast v21, $0x0;
	v24 =	vadd.f32 v20, v25;
	v20 =	vld.idx.msk [tilespmem:v22+s3+$0x0], $0xffff  }
0x32f: {  	s17 =	sadd.s32 $0x1, s23;
	s23 =	sadd.s32 $0x2, s23;
	v21 =	vadd.s32 v0, v9;
	v9 =	vmov v15;
	v22 =	vld [tilespmem:s21+$0xFAC0]  }
0x330: {  	v15 =	vmov s17  }
0x331: {  	v15 =	vmul.u32 $0x3E8, v15;
	_ =	sdelay $0x1  }
0x332: {  	v15 =	vbroadcast v15, $0x0;
	_ =	sdelay $0x1  }
0x333: {  	v25 =	vadd.s32 v7, v15;
	_ =	sdelay $0x1  }
0x334: {  	s24 =	sadd.s32 $0x400, s22  }
0x335: {  	s22 =	sshra.s32 s24, $0x2  }
0x336: {  	v26 =	vld [tilespmem:s22+$0xFA80]  }
0x337: {  	v25 =	vld.idx.msk [tilespmem:v25+s3+$0x0], $0xffff  }
0x338: {  	v7 =	vadd.s32 v7, v18;
	_ =	sdelay $0x2  }
0x339: {  	[tilespmem:s21+$0x18C30] =	vst.add.f32.msk $0xffff, v24;
	v24 =	vadd.s32 v6, v15  }
0x33a: {  	v23 =	vld.idx.msk [tilespmem:v23+s3+$0x0], $0xffff;
	v25 =	vadd.f32 v26, v25  }
0x33b: {  	v7 =	vld.idx.msk [tilespmem:v7+s3+$0x0], $0xffff  }
0x33c: {  	[tilespmem:s22+$0x18C80] =	vst.add.f32.msk $0xffff, v25  }
0x33d: {  	v25 =	vld [tilespmem:s22+$0xFA00]  }
0x33e: {  	v11 =	vadd.f32 v11, v19;
	v19 =	vld.idx.msk [tilespmem:v24+s3+$0x0], $0xffff  }
0x33f: {  	v24 =	vld [tilespmem:s22+$0xFA90]  }
0x340: {  	[tilespmem:s15+$0x18C60] =	vst.add.f32.msk $0xffff, v11;
	v11 =	vadd.f32 v22, v20;
	v6 =	vadd.s32 v6, v18  }
0x341: {  	v20 =	vld.idx.msk [tilespmem:v21+s3+$0x0], $0xffff  }
0x342: {  	[tilespmem:s21+$0x18CC0] =	vst.add.f32.msk $0xffff, v11;
	v11 =	vadd.s32 v5, v15;
	v7 =	vadd.f32 v25, v7  }
0x343: {  	v21 =	vld [tilespmem:s22+$0xFA10]  }
0x344: {  	[tilespmem:s22+$0x18C00] =	vst.add.f32.msk $0xffff, v7;
	v7 =	vadd.f32 v24, v19  }
0x345: {  	v22 =	vadd.s32 v2, v10;
	v6 =	vld.idx.msk [tilespmem:v6+s3+$0x0], $0xffff  }
0x346: {  	[tilespmem:s22+$0x18C90] =	vst.add.f32.msk $0xffff, v7  }
0x347: {  	v17 =	vadd.f32 v17, v23;
	v7 =	vld.idx.msk [tilespmem:v11+s3+$0x0], $0xffff  }
0x348: {  	v11 =	vld [tilespmem:s22+$0xFAA0]  }
0x349: {  	v5 =	vadd.s32 v5, v18;
	[tilespmem:s21+$0x18C40] =	vst.add.f32.msk $0xffff, v17  }
0x34a: {  	v19 =	vld.idx.msk [tilespmem:v22+s3+$0x0], $0xffff  }
0x34b: {  	v17 =	vadd.s32 v4, v15;
	v22 =	vld [tilespmem:s21+$0xFAD0];
	v6 =	vadd.f32 v21, v6  }
0x34c: {  	v21 =	vld [tilespmem:s22+$0xFA20]  }
0x34d: {  	[tilespmem:s22+$0x18C10] =	vst.add.f32.msk $0xffff, v6;
	v6 =	vadd.f32 v11, v7  }
0x34e: {  	v7 =	vadd.s32 v1, v10;
	v5 =	vld.idx.msk [tilespmem:v5+s3+$0x0], $0xffff  }
0x34f: {  	[tilespmem:s22+$0x18CA0] =	vst.add.f32.msk $0xffff, v6  }
0x350: {  	v6 =	vadd.f32 v22, v19;
	v11 =	vld.idx.msk [tilespmem:v17+s3+$0x0], $0xffff  }
0x351: {  	v17 =	vld [tilespmem:s22+$0xFAB0]  }
0x352: {  	v4 =	vadd.s32 v4, v18;
	[tilespmem:s21+$0x18CD0] =	vst.add.f32.msk $0xffff, v6  }
0x353: {  	v6 =	vld.idx.msk [tilespmem:v7+s3+$0x0], $0xffff  }
0x354: {  	v7 =	vld [tilespmem:s21+$0xFAE0];
	v5 =	vadd.f32 v21, v5  }
0x355: {  	v21 =	vld [tilespmem:s22+$0xFA30]  }
0x356: {  	v19 =	vadd.s32 v3, v15;
	[tilespmem:s22+$0x18C20] =	vst.add.f32.msk $0xffff, v5  }
0x357: {  	v5 =	vadd.f32 v17, v11;
	v4 =	vld.idx.msk [tilespmem:v4+s3+$0x0], $0xffff  }
0x358: {  	v10 =	vadd.s32 v0, v10;
	v11 =	vld [tilespmem:s22+$0xFA40]  }
0x359: {  	[tilespmem:s22+$0x18CB0] =	vst.add.f32.msk $0xffff, v5  }
0x35a: {  	v3 =	vadd.s32 v3, v18;
	v5 =	vadd.f32 v7, v6;
	v7 =	vld [tilespmem:s22+$0xFAC0]  }
0x35b: {  	v6 =	vld.idx.msk [tilespmem:v19+s3+$0x0], $0xffff  }
0x35c: {  	[tilespmem:s21+$0x18CE0] =	vst.add.f32.msk $0xffff, v5;
	v5 =	vadd.s32 v2, v9;
	v4 =	vadd.f32 v21, v4  }
0x35d: {  	v10 =	vld.idx.msk [tilespmem:v10+s3+$0x0], $0xffff  }
0x35e: {  	[tilespmem:s22+$0x18C30] =	vst.add.f32.msk $0xffff, v4  }
0x35f: {  	v17 =	vadd.s32 v2, v15;
	v3 =	vld.idx.msk [tilespmem:v3+s3+$0x0], $0xffff  }
0x360: {  	v4 =	vadd.f32 v7, v6;
	v6 =	vld [tilespmem:s22+$0xFAD0]  }
0x361: {  	v5 =	vld.idx.msk [tilespmem:v5+s3+$0x0], $0xffff  }
0x362: {  	v2 =	vadd.s32 v2, v18;
	v7 =	vld [tilespmem:s21+$0xFAF0]  }
0x363: {  	[tilespmem:s22+$0x18CC0] =	vst.add.f32.msk $0xffff, v4  }
0x364: {  	v4 =	vld.idx.msk [tilespmem:v17+s3+$0x0], $0xffff;
	v3 =	vadd.f32 v11, v3  }
0x365: {  	v17 =	vadd.s32 v1, v9;
	v11 =	vld [tilespmem:s22+$0xFA50]  }
0x366: {  	v5 =	vadd.f32 v12, v5;
	[tilespmem:s22+$0x18C40] =	vst.add.f32.msk $0xffff, v3  }
0x367: {  	v2 =	vld.idx.msk [tilespmem:v2+s3+$0x0], $0xffff  }
0x368: {  	v3 =	vadd.s32 v1, v15;
	[tilespmem:s21+$0x18C50] =	vst.add.f32.msk $0xffff, v5  }
0x369: {  	v4 =	vadd.f32 v6, v4;
	v6 =	vld [tilespmem:s22+$0xFA60]  }
0x36a: {  	v1 =	vadd.s32 v1, v18;
	v5 =	vld.idx.msk [tilespmem:v17+s3+$0x0], $0xffff  }
0x36b: {  	[tilespmem:s22+$0x18CD0] =	vst.add.f32.msk $0xffff, v4  }
0x36c: {  	v4 =	vld [tilespmem:s22+$0xFAE0];
	v2 =	vadd.f32 v11, v2  }
0x36d: {  	v3 =	vld.idx.msk [tilespmem:v3+s3+$0x0], $0xffff  }
0x36e: {  	v9 =	vadd.s32 v0, v9;
	[tilespmem:s22+$0x18C50] =	vst.add.f32.msk $0xffff, v2  }
0x36f: {  	v2 =	vadd.f32 v16, v5;
	v1 =	vld.idx.msk [tilespmem:v1+s3+$0x0], $0xffff  }
0x370: {  	v11 =	vld [tilespmem:s22+$0xFA70];
	v5 =	vadd.s32 v0, v15  }
0x371: {  	[tilespmem:s21+$0x18C60] =	vst.add.f32.msk $0xffff, v2  }
0x372: {  	v0 =	vadd.s32 v0, v18;
	v2 =	vadd.f32 v4, v3;
	v4 =	vld [tilespmem:s22+$0xFAF0]  }
0x373: {  	v3 =	vld.idx.msk [tilespmem:v9+s3+$0x0], $0xffff  }
0x374: {  	[tilespmem:s22+$0x18CE0] =	vst.add.f32.msk $0xffff, v2;
	v1 =	vadd.f32 v6, v1  }
0x375: {  	v2 =	vld.idx.msk [tilespmem:v5+s3+$0x0], $0xffff  }
0x376: {  	[tilespmem:s22+$0x18C60] =	vst.add.f32.msk $0xffff, v1  }
0x377: {  	v0 =	vld.idx.msk [tilespmem:v0+s3+$0x0], $0xffff  }
0x378: {  	v1 =	vadd.f32 v7, v10  }
0x379: {  	[tilespmem:s10+$0x18C70] =	vst.add.f32.msk $0xffff, v13;
	v5 =	vadd.f32 v8, v20  }
0x37a: {  	[tilespmem:s21+$0x18CF0] =	vst.add.f32.msk $0xffff, v1;
	v1 =	vadd.f32 v4, v2  }
0x37b: {  	s9 =	sshll.u32 s9, $0x12;
	[tilespmem:s15+$0x18C70] =	vst.add.f32.msk $0xffff, v5;
	v2 =	vadd.f32 v14, v3  }
0x37c: {  	s9 =	sor.u32 s4, s9;
	[tilespmem:s22+$0x18CF0] =	vst.add.f32.msk $0xffff, v1;
	v0 =	vadd.f32 v11, v0  }
0x37d: {  	s9 =	sshrl.u32 s9, $0x3;
	[tilespmem:s21+$0x18C70] =	vst.add.f32.msk $0xffff, v2  }
0x37e: {  	s9 =	sadd.s32 s6, s9;
	s21 =	simm.s32 $0x18C00;
	[tilespmem:s22+$0x18C70] =	vst.add.f32.msk $0xffff, v0  }
0x37f: {  	[hbm4b:s9+s18] =	stream.strided.scatter [tilespmem:s21], [sflag:$0x8], $0x2000, s19, s18, $0x38;
	[tilespmem:$0x1EC00] =	vst v63  }
0x380: {  	s10 =	sadd.s32 @!p0 s13, s8;
	s22 =	smulhi.u32 $0x51EB851F, s20;
	s9 =	simm.s32 @!p0 $0x7  }
0x381: {  	s17 =	simm.s32 @!p0 $0x16C00;
	s10 =	sshrl.u32 @!p0 s10, $0x3;
	_ =	swait.ge @!p0 [sflag:s9], $0x2000  }
0x382: {  	s15 =	simm.s32 @!p0 $0x1000;
	s23 =	sshrl.u32 s22, $0x5;
	[sflag:s9] =	ssyncset.done @!p0 $0x0  }
0x383: {  	[sflag:s9] =	ssyncadd.s32 @!p0 $0xFFFFE000;
	s9 =	sadd.s32 @!p0 s2, s10;
	s10 =	simm.s32 @!p0 $0x80  }
0x384: {  	[tilespmem:s17], [sflag:$0x2] =	stream.strided.gather @!p0 [hbm4b:s9+s10], $0x2000, s15, s10, $0x38;
	[tilespmem:$0x1EC00] =	vst v63  }
0x385: {  	s9 =	smul.u32 $0x64, s23  }
0x386: {  	_ =	swait.ge [sflag:s0], $0x2000  }
0x387: {  	[sflag:s0] =	ssyncset.done $0x0;
	s9 =	ssub.s32 s20, s9  }
0x388: {  	s15 =	simm.s32 $0x1;
	[sflag:s0] =	ssyncadd.s32 $0xFFFFE000;
	s24 =	sshll.u32 s9, $0x7  }
0x389: {  	v0 =	vmov s15;
	v7 =	vld [tilespmem:s24+$0x11A00]  }
0x38a: {  	v0 =	vmul.u32 $0x3E8, v0;
	_ =	sdelay $0x1  }
0x38b: {  	v9 =	vbroadcast v0, $0x0  }
0x38c: {  	s17 =	simm.s32 $0x0  }
0x38d: {  	v1 =	vmov s17;
	v0 =	vadd.s32 v7, v9  }
0x38e: {  	v1 =	vmul.u32 $0x3E8, v1;
	v6 =	vld [tilespmem:s24+$0x11A10]  }
0x38f: {  	v5 =	vld [tilespmem:s24+$0x11A20]  }
0x390: {  	s9 =	simm.s32 $0x0;
	v4 =	vld [tilespmem:s24+$0x11A30];
	v8 =	vbroadcast v1, $0x0  }
0x391: {  	v12 =	vld [tilespmem:s9+$0xFA80]  }
0x392: {  	v11 =	vadd.s32 v7, v8;
	v10 =	vld.idx.msk [tilespmem:v0+s3+$0x0], $0xffff  }
0x393: {  	v3 =	vld [tilespmem:s24+$0x11A40]  }
0x394: {  	v2 =	vld [tilespmem:s24+$0x11A50]  }
0x395: {  	v1 =	vld [tilespmem:s24+$0x11A60];
	v13 =	vadd.s32 v6, v9  }
0x396: {  	v0 =	vld [tilespmem:s24+$0x11A70]  }
0x397: {  	v11 =	vld.idx.msk [tilespmem:v11+s3+$0x0], $0xffff;
	v10 =	vadd.f32 v12, v10  }
0x398: {  	v12 =	vld [tilespmem:s9+$0xFA00]  }
0x399: {  	[tilespmem:s9+$0x1AC80] =	vst.add.f32.msk $0xffff, v10  }
0x39a: {  	v10 =	vld.idx.msk [tilespmem:v13+s3+$0x0], $0xffff  }
0x39b: {  	v13 =	vld [tilespmem:s9+$0xFA90]  }
0x39c: {  	v14 =	vadd.s32 v6, v8;
	_ =	sdelay $0x1  }
0x39d: {  	v11 =	vadd.f32 v12, v11;
	v12 =	vadd.s32 v5, v9  }
0x39e: {  	v15 =	vld [tilespmem:s9+$0xFA10]  }
0x39f: {  	[tilespmem:s9+$0x1AC00] =	vst.add.f32.msk $0xffff, v11;
	v10 =	vadd.f32 v13, v10  }
0x3a0: {  	v11 =	vld.idx.msk [tilespmem:v14+s3+$0x0], $0xffff  }
0x3a1: {  	[tilespmem:s9+$0x1AC90] =	vst.add.f32.msk $0xffff, v10  }
0x3a2: {  	v10 =	vld.idx.msk [tilespmem:v12+s3+$0x0], $0xffff  }
0x3a3: {  	v13 =	vadd.s32 v5, v8;
	v12 =	vld [tilespmem:s9+$0xFAA0];
	_ =	sdelay $0x1  }
0x3a4: {  	v11 =	vadd.f32 v15, v11  }
0x3a5: {  	v16 =	vld [tilespmem:s9+$0xFA20];
	v14 =	vadd.s32 v4, v9  }
0x3a6: {  	[tilespmem:s9+$0x1AC10] =	vst.add.f32.msk $0xffff, v11  }
0x3a7: {  	v10 =	vadd.f32 v12, v10;
	v11 =	vld.idx.msk [tilespmem:v13+s3+$0x0], $0xffff  }
0x3a8: {  	v12 =	vld [tilespmem:s9+$0xFAB0]  }
0x3a9: {  	[tilespmem:s9+$0x1ACA0] =	vst.add.f32.msk $0xffff, v10  }
0x3aa: {  	v10 =	vld.idx.msk [tilespmem:v14+s3+$0x0], $0xffff  }
0x3ab: {  	v13 =	vadd.s32 v4, v8;
	_ =	sdelay $0x1  }
0x3ac: {  	v17 =	vld [tilespmem:s9+$0xFA30];
	v15 =	vadd.s32 v3, v9;
	v11 =	vadd.f32 v16, v11  }
0x3ad: {  	v18 =	vld [tilespmem:s9+$0xFAC0]  }
0x3ae: {  	[tilespmem:s9+$0x1AC20] =	vst.add.f32.msk $0xffff, v11;
	v10 =	vadd.f32 v12, v10  }
0x3af: {  	v11 =	vld.idx.msk [tilespmem:v13+s3+$0x0], $0xffff  }
0x3b0: {  	s20 =	simm.s32 $0x2;
	[tilespmem:s9+$0x1ACB0] =	vst.add.f32.msk $0xffff, v10  }
0x3b1: {  	s21 =	simm.s32 $0x3;
	v12 =	vmov s20;
	v10 =	vld.idx.msk [tilespmem:v15+s3+$0x0], $0xffff  }
0x3b2: {  	v21 =	vld [tilespmem:s9+$0xFA60];
	v19 =	vadd.s32 v3, v8;
	v13 =	vmov s21;
	v12 =	vmul.u32 $0x3E8, v12  }
0x3b3: {  	v14 =	vld [tilespmem:s9+$0xFA40];
	v20 =	vmul.u32 $0x3E8, v13  }
0x3b4: {  	v16 =	vld [tilespmem:s9+$0xFA50];
	v15 =	vbroadcast v12, $0x0;
	v12 =	vadd.s32 v2, v9;
	v11 =	vadd.f32 v17, v11  }
0x3b5: {  	v13 =	vld [tilespmem:s9+$0xFA70];
	v17 =	vbroadcast v20, $0x0  }
0x3b6: {  	v20 =	vadd.s32 v7, v15;
	[tilespmem:s9+$0x1AC30] =	vst.add.f32.msk $0xffff, v11;
	v10 =	vadd.f32 v18, v10  }
0x3b7: {  	v11 =	vld.idx.msk [tilespmem:v19+s3+$0x0], $0xffff;
	v18 =	vadd.s32 v7, v17  }
0x3b8: {  	[tilespmem:s9+$0x1ACC0] =	vst.add.f32.msk $0xffff, v10  }
0x3b9: {  	v10 =	vld.idx.msk [tilespmem:v12+s3+$0x0], $0xffff  }
0x3ba: {  	v12 =	vld [tilespmem:s9+$0xFAD0]  }
0x3bb: {  	v19 =	vld.idx.msk [tilespmem:v20+s3+$0x0], $0xffff  }
0x3bc: {  	s10 =	simm.s32 $0x100;
	v11 =	vadd.f32 v14, v11;
	v14 =	vld.idx.msk [tilespmem:v18+s3+$0x0], $0xffff  }
0x3bd: {  	v18 =	vld [tilespmem:s10+$0xFA80]  }
0x3be: {  	v20 =	vadd.s32 v1, v9;
	[tilespmem:s9+$0x1AC40] =	vst.add.f32.msk $0xffff, v11  }
0x3bf: {  	v11 =	vld [tilespmem:s10+$0xFA00];
	v10 =	vadd.f32 v12, v10  }
0x3c0: {  	v12 =	vld [tilespmem:s10+$0xFA10]  }
0x3c1: {  	v22 =	vadd.s32 v6, v17;
	[tilespmem:s9+$0x1ACD0] =	vst.add.f32.msk $0xffff, v10  }
0x3c2: {  	v10 =	vadd.f32 v18, v14;
	v18 =	vld [tilespmem:s9+$0xFAE0]  }
0x3c3: {  	v14 =	vld.idx.msk [tilespmem:v20+s3+$0x0], $0xffff  }
0x3c4: {  	v20 =	vadd.s32 v6, v15;
	[tilespmem:s10+$0x1AC80] =	vst.add.f32.msk $0xffff, v10  }
0x3c5: {  	v11 =	vadd.f32 v11, v19;
	v19 =	vld [tilespmem:s10+$0xFA90]  }
0x3c6: {  	v10 =	vld.idx.msk [tilespmem:v22+s3+$0x0], $0xffff  }
0x3c7: {  	v9 =	vadd.s32 v0, v9;
	v22 =	vld [tilespmem:s10+$0xFA20]  }
0x3c8: {  	[tilespmem:s10+$0x1AC00] =	vst.add.f32.msk $0xffff, v11;
	v11 =	vadd.f32 v18, v14  }
0x3c9: {  	v14 =	vld.idx.msk [tilespmem:v20+s3+$0x0], $0xffff;
	v18 =	vadd.s32 v5, v17  }
0x3ca: {  	[tilespmem:s9+$0x1ACE0] =	vst.add.f32.msk $0xffff, v11  }
0x3cb: {  	v10 =	vadd.f32 v19, v10;
	v11 =	vld [tilespmem:s9+$0xFAF0]  }
0x3cc: {  	v9 =	vld.idx.msk [tilespmem:v9+s3+$0x0], $0xffff  }
0x3cd: {  	v19 =	vadd.s32 v5, v15;
	[tilespmem:s10+$0x1AC90] =	vst.add.f32.msk $0xffff, v10  }
0x3ce: {  	v10 =	vld.idx.msk [tilespmem:v18+s3+$0x0], $0xffff  }
0x3cf: {  	v12 =	vadd.f32 v12, v14;
	v14 =	vld [tilespmem:s10+$0xFAA0]  }
0x3d0: {  	v20 =	vadd.s32 v2, v8;
	v18 =	vld [tilespmem:s10+$0xFA30]  }
0x3d1: {  	[tilespmem:s10+$0x1AC10] =	vst.add.f32.msk $0xffff, v12  }
0x3d2: {  	v12 =	vld.idx.msk [tilespmem:v19+s3+$0x0], $0xffff;
	v9 =	vadd.f32 v11, v9;
	v11 =	vadd.s32 v4, v17  }
0x3d3: {  	v19 =	vld [tilespmem:s10+$0xFA40]  }
0x3d4: {  	[tilespmem:s9+$0x1ACF0] =	vst.add.f32.msk $0xffff, v9;
	v9 =	vadd.f32 v14, v10  }
0x3d5: {  	v10 =	vld.idx.msk [tilespmem:v20+s3+$0x0], $0xffff  }
0x3d6: {  	[tilespmem:s10+$0x1ACA0] =	vst.add.f32.msk $0xffff, v9  }
0x3d7: {  	v14 =	vadd.s32 v4, v15;
	v9 =	vld.idx.msk [tilespmem:v11+s3+$0x0], $0xffff  }
0x3d8: {  	v11 =	vadd.f32 v22, v12;
	v12 =	vld [tilespmem:s10+$0xFAB0]  }
0x3d9: {  	v20 =	vld [tilespmem:s10+$0xFA50];
	v22 =	vadd.s32 v1, v8  }
0x3da: {  	[tilespmem:s10+$0x1AC20] =	vst.add.f32.msk $0xffff, v11  }
0x3db: {  	v10 =	vadd.f32 v16, v10;
	v16 =	vadd.s32 v3, v17;
	v11 =	vld [tilespmem:s10+$0xFA60]  }
0x3dc: {  	v14 =	vld.idx.msk [tilespmem:v14+s3+$0x0], $0xffff  }
0x3dd: {  	s22 =	simm.s32 $0x4;
	[tilespmem:s9+$0x1AC50] =	vst.add.f32.msk $0xffff, v10;
	v9 =	vadd.f32 v12, v9  }
0x3de: {  	v10 =	vmov s22;
	v12 =	vld.idx.msk [tilespmem:v22+s3+$0x0], $0xffff  }
0x3df: {  	v10 =	vmul.u32 $0x3E8, v10;
	v22 =	vadd.s32 v3, v15;
	[tilespmem:s10+$0x1ACB0] =	vst.add.f32.msk $0xffff, v9  }
0x3e0: {  	v16 =	vld.idx.msk [tilespmem:v16+s3+$0x0], $0xffff  }
0x3e1: {  	s23 =	simm.s32 $0x5;
	v9 =	vbroadcast v10, $0x0;
	v10 =	vadd.f32 v18, v14;
	v14 =	vld [tilespmem:s10+$0xFAC0]  }
0x3e2: {  	v24 =	vmov s23;
	v18 =	vadd.s32 v0, v8;
	v8 =	vld [tilespmem:s10+$0xFA70]  }
0x3e3: {  	[tilespmem:s10+$0x1AC30] =	vst.add.f32.msk $0xffff, v10;
	v10 =	vmul.u32 $0x3E8, v24  }
0x3e4: {  	s15 =	simm.s32 $0x200;
	v12 =	vadd.f32 v21, v12;
	v21 =	vld.idx.msk [tilespmem:v22+s3+$0x0], $0xffff;
	v22 =	vadd.s32 v2, v17  }
0x3e5: {  	v24 =	vld [tilespmem:s15+$0xFA10];
	v10 =	vbroadcast v10, $0x0  }
0x3e6: {  	[tilespmem:s9+$0x1AC60] =	vst.add.f32.msk $0xffff, v12;
	v12 =	vadd.f32 v14, v16  }
0x3e7: {  	v18 =	vld.idx.msk [tilespmem:v18+s3+$0x0], $0xffff;
	v16 =	vadd.s32 v7, v10  }
0x3e8: {  	[tilespmem:s10+$0x1ACC0] =	vst.add.f32.msk $0xffff, v12  }
0x3e9: {  	v23 =	vadd.s32 v7, v9;
	v12 =	vadd.f32 v19, v21;
	v19 =	vld.idx.msk [tilespmem:v22+s3+$0x0], $0xffff  }
0x3ea: {  	v21 =	vld [tilespmem:s10+$0xFAD0]  }
0x3eb: {  	[tilespmem:s10+$0x1AC40] =	vst.add.f32.msk $0xffff, v12  }
0x3ec: {  	v12 =	vld.idx.msk [tilespmem:v16+s3+$0x0], $0xffff  }
0x3ed: {  	v22 =	vadd.s32 v1, v17;
	v16 =	vld [tilespmem:s15+$0xFA80]  }
0x3ee: {  	v14 =	vld.idx.msk [tilespmem:v23+s3+$0x0], $0xffff  }
0x3ef: {  	v23 =	vld [tilespmem:s15+$0xFA00];
	v19 =	vadd.f32 v21, v19  }
0x3f0: {  	v21 =	vld [tilespmem:s15+$0xFA20]  }
0x3f1: {  	v25 =	vadd.s32 v6, v10;
	[tilespmem:s10+$0x1ACD0] =	vst.add.f32.msk $0xffff, v19  }
0x3f2: {  	v12 =	vadd.f32 v16, v12;
	v16 =	vld.idx.msk [tilespmem:v22+s3+$0x0], $0xffff  }
0x3f3: {  	v19 =	vadd.s32 v6, v9;
	v22 =	vld [tilespmem:s10+$0xFAE0]  }
0x3f4: {  	[tilespmem:s15+$0x1AC80] =	vst.add.f32.msk $0xffff, v12  }
0x3f5: {  	v12 =	vadd.f32 v23, v14;
	v23 =	vld [tilespmem:s15+$0xFA90]  }
0x3f6: {  	v17 =	vadd.s32 v0, v17;
	v14 =	vld.idx.msk [tilespmem:v25+s3+$0x0], $0xffff  }
0x3f7: {  	[tilespmem:s15+$0x1AC00] =	vst.add.f32.msk $0xffff, v12  }
0x3f8: {  	v12 =	vld.idx.msk [tilespmem:v19+s3+$0x0], $0xffff;
	v16 =	vadd.f32 v22, v16  }
0x3f9: {  	v22 =	vld [tilespmem:s15+$0xFA30];
	v19 =	vadd.s32 v5, v10  }
0x3fa: {  	[tilespmem:s10+$0x1ACE0] =	vst.add.f32.msk $0xffff, v16  }
0x3fb: {  	v14 =	vadd.f32 v23, v14;
	v16 =	vld.idx.msk [tilespmem:v17+s3+$0x0], $0xffff  }
0x3fc: {  	v17 =	vadd.s32 v5, v9;
	v23 =	vld [tilespmem:s10+$0xFAF0]  }
0x3fd: {  	[tilespmem:s15+$0x1AC90] =	vst.add.f32.msk $0xffff, v14  }
0x3fe: {  	v12 =	vadd.f32 v24, v12;
	v14 =	vld.idx.msk [tilespmem:v19+s3+$0x0], $0xffff  }
0x3ff: {  	v19 =	vld [tilespmem:s15+$0xFAA0]  }
0x400: {  	v24 =	vadd.s32 v2, v15;
	[tilespmem:s15+$0x1AC10] =	vst.add.f32.msk $0xffff, v12  }
0x401: {  	v25 =	vld.idx.msk [tilespmem:v17+s3+$0x0], $0xffff;
	v12 =	vadd.f32 v23, v16  }
0x402: {  	v17 =	vld [tilespmem:s15+$0xFA40]  }
0x403: {  	v16 =	vadd.s32 v4, v10;
	[tilespmem:s10+$0x1ACF0] =	vst.add.f32.msk $0xffff, v12  }
0x404: {  	v12 =	vld [tilespmem:s15+$0xFA50]  }
0x405: {  	v14 =	vadd.f32 v19, v14;
	v19 =	vld.idx.msk [tilespmem:v24+s3+$0x0], $0xffff  }
0x406: {  	v23 =	vadd.s32 v4, v9;
	v24 =	vld [tilespmem:s15+$0xFAB0]  }
0x407: {  	[tilespmem:s15+$0x1ACA0] =	vst.add.f32.msk $0xffff, v14  }
0x408: {  	v14 =	vadd.f32 v21, v25;
	v21 =	vld.idx.msk [tilespmem:v16+s3+$0x0], $0xffff  }
0x409: {  	v25 =	vadd.s32 v1, v15;
	v16 =	vld [tilespmem:s15+$0xFA60]  }
0x40a: {  	[tilespmem:s15+$0x1AC20] =	vst.add.f32.msk $0xffff, v14;
	v14 =	vadd.f32 v20, v19  }
0x40b: {  	v26 =	vld.idx.msk [tilespmem:v23+s3+$0x0], $0xffff  }
0x40c: {  	s24 =	simm.s32 $0x6;
	v20 =	vadd.s32 v3, v10;
	[tilespmem:s10+$0x1AC50] =	vst.add.f32.msk $0xffff, v14  }
0x40d: {  	v23 =	vmov s24;
	v14 =	vld [tilespmem:s15+$0xFA70];
	v21 =	vadd.f32 v24, v21  }
0x40e: {  	v19 =	vld.idx.msk [tilespmem:v25+s3+$0x0], $0xffff;
	v24 =	vmul.u32 $0x3E8, v23;
	v23 =	vadd.s32 v3, v9  }
0x40f: {  	[tilespmem:s15+$0x1ACB0] =	vst.add.f32.msk $0xffff, v21  }
0x410: {  	v13 =	vadd.f32 v13, v18;
	v18 =	vbroadcast v24, $0x0;
	v24 =	vadd.f32 v22, v26;
	v22 =	vld [tilespmem:s15+$0xFAC0]  }
0x411: {  	s17 =	simm.s32 $0x7;
	s20 =	simm.s32 $0x800;
	s21 =	simm.s32 $0x8;
	v21 =	vadd.s32 v0, v15;
	v20 =	vld.idx.msk [tilespmem:v20+s3+$0x0], $0xffff  }
.LBB2_14:
0x412: {  	p1 =	slt.u32 s21, $0x3E;
	v25 =	vadd.s32 v7, v18;
	v26 =	vmov s17;
	[tilespmem:s15+$0x1AC30] =	vst.add.f32.msk $0xffff, v24;
	v15 =	vmov v18  }
0x413: {  	v19 =	vadd.f32 v11, v19;
	v11 =	vmov v16;
	v18 =	vmul.u32 $0x3E8, v26;
	v23 =	vld.idx.msk [tilespmem:v23+s3+$0x0], $0xffff  }
0x414: {  	v16 =	vadd.s32 v2, v10;
	[tilespmem:s9+$0x1AC70] =	vst.add.f32.msk $0xffff, v13;
	s9 =	smov.u32 s10;
	s10 =	smov.u32 s15  }
0x415: {  	v18 =	vbroadcast v18, $0x0;
	[tilespmem:s9+$0x1AC60] =	vst.add.f32.msk $0xffff, v19  }
0x416: {  	v13 =	vadd.f32 v22, v20;
	v19 =	vld.idx.msk [tilespmem:v21+s3+$0x0], $0xffff  }
0x417: {  	v20 =	vld.idx.msk [tilespmem:v25+s3+$0x0], $0xffff;
	v21 =	vadd.s32 v7, v18  }
0x418: {  	[tilespmem:s10+$0x1ACC0] =	vst.add.f32.msk $0xffff, v13  }
0x419: {  	v13 =	vadd.f32 v17, v23;
	v16 =	vld.idx.msk [tilespmem:v16+s3+$0x0], $0xffff  }
0x41a: {  	v17 =	vld [tilespmem:s10+$0xFAD0]  }
0x41b: {  	s20 =	sadd.s32 $0x400, s20;
	[tilespmem:s10+$0x1AC40] =	vst.add.f32.msk $0xffff, v13  }
0x41c: {  	s15 =	sshra.s32 s20, $0x2;
	v13 =	vadd.f32 v8, v19;
	v8 =	vmov v14;
	v21 =	vld.idx.msk [tilespmem:v21+s3+$0x0], $0xffff  }
0x41d: {  	v19 =	vadd.s32 v1, v10;
	v14 =	vld [tilespmem:s15+$0xFA80]  }
0x41e: {  	v22 =	vld [tilespmem:s15+$0xFA00]  }
0x41f: {  	v23 =	vld [tilespmem:s15+$0xFA10];
	v16 =	vadd.f32 v17, v16  }
0x420: {  	v17 =	vadd.s32 v6, v18;
	v24 =	vld [tilespmem:s15+$0xFA20]  }
0x421: {  	[tilespmem:s10+$0x1ACD0] =	vst.add.f32.msk $0xffff, v16  }
0x422: {  	v14 =	vadd.f32 v14, v21;
	v16 =	vld.idx.msk [tilespmem:v19+s3+$0x0], $0xffff  }
0x423: {  	v19 =	vadd.f32 v22, v20;
	v20 =	vadd.s32 v6, v15;
	v21 =	vld [tilespmem:s10+$0xFAE0]  }
0x424: {  	[tilespmem:s15+$0x1AC80] =	vst.add.f32.msk $0xffff, v14  }
0x425: {  	v14 =	vld.idx.msk [tilespmem:v17+s3+$0x0], $0xffff  }
0x426: {  	v22 =	vadd.s32 v0, v10;
	v10 =	vmov v18;
	v17 =	vld [tilespmem:s15+$0xFA90]  }
0x427: {  	[tilespmem:s15+$0x1AC00] =	vst.add.f32.msk $0xffff, v19  }
0x428: {  	v18 =	vld.idx.msk [tilespmem:v20+s3+$0x0], $0xffff;
	v16 =	vadd.f32 v21, v16  }
0x429: {  	v19 =	vadd.s32 v5, v10;
	v20 =	vld [tilespmem:s15+$0xFA30]  }
0x42a: {  	[tilespmem:s10+$0x1ACE0] =	vst.add.f32.msk $0xffff, v16  }
0x42b: {  	v14 =	vadd.f32 v17, v14;
	v16 =	vld.idx.msk [tilespmem:v22+s3+$0x0], $0xffff  }
0x42c: {  	v17 =	vadd.s32 v5, v15;
	v21 =	vld [tilespmem:s10+$0xFAF0]  }
0x42d: {  	[tilespmem:s15+$0x1AC90] =	vst.add.f32.msk $0xffff, v14  }
0x42e: {  	v14 =	vadd.f32 v23, v18;
	v18 =	vld.idx.msk [tilespmem:v19+s3+$0x0], $0xffff  }
0x42f: {  	v22 =	vadd.s32 v2, v9;
	v19 =	vld [tilespmem:s15+$0xFAA0]  }
0x430: {  	[tilespmem:s15+$0x1AC10] =	vst.add.f32.msk $0xffff, v14  }
0x431: {  	v14 =	vld.idx.msk [tilespmem:v17+s3+$0x0], $0xffff;
	v16 =	vadd.f32 v21, v16  }
0x432: {  	v21 =	vadd.s32 v4, v10;
	v17 =	vld [tilespmem:s15+$0xFA40]  }
0x433: {  	[tilespmem:s10+$0x1ACF0] =	vst.add.f32.msk $0xffff, v16  }
0x434: {  	v16 =	vadd.f32 v19, v18;
	v18 =	vld.idx.msk [tilespmem:v22+s3+$0x0], $0xffff  }
0x435: {  	v19 =	vadd.s32 v4, v15;
	v22 =	vld [tilespmem:s15+$0xFA50]  }
0x436: {  	[tilespmem:s15+$0x1ACA0] =	vst.add.f32.msk $0xffff, v16  }
0x437: {  	v14 =	vadd.f32 v24, v14;
	v21 =	vld.idx.msk [tilespmem:v21+s3+$0x0], $0xffff  }
0x438: {  	v24 =	vadd.s32 v1, v9;
	v23 =	vld [tilespmem:s15+$0xFAB0]  }
0x439: {  	[tilespmem:s15+$0x1AC20] =	vst.add.f32.msk $0xffff, v14  }
0x43a: {  	v14 =	vadd.f32 v12, v18;
	v25 =	vld.idx.msk [tilespmem:v19+s3+$0x0], $0xffff;
	v12 =	vmov v22  }
0x43b: {  	v22 =	vadd.s32 v3, v10;
	v16 =	vld [tilespmem:s15+$0xFA60]  }
0x43c: {  	[tilespmem:s10+$0x1AC50] =	vst.add.f32.msk $0xffff, v14  }
.Ltmp8:
0x43d: {  	v14 =	vmov s21;
	v18 =	vadd.f32 v23, v21;
	v19 =	vld.idx.msk [tilespmem:v24+s3+$0x0], $0xffff;
	(pc) =	sbr.rel @p1 .LBB2_14-.Ltmp8, $4  }
0x43e: {  	v21 =	vmul.u32 $0x3E8, v14;
	v23 =	vadd.s32 v3, v15;
	v14 =	vld [tilespmem:s15+$0xFA70]  }
0x43f: {  	[tilespmem:s15+$0x1ACB0] =	vst.add.f32.msk $0xffff, v18  }
0x440: {  	v18 =	vbroadcast v21, $0x0;
	v24 =	vadd.f32 v20, v25;
	v20 =	vld.idx.msk [tilespmem:v22+s3+$0x0], $0xffff  }
0x441: {  	s17 =	sadd.s32 $0x1, s21;
	s21 =	sadd.s32 $0x2, s21;
	v21 =	vadd.s32 v0, v9;
	v9 =	vmov v15;
	v22 =	vld [tilespmem:s15+$0xFAC0]  }
0x442: {  	v15 =	vmov s17  }
0x443: {  	v15 =	vmul.u32 $0x3E8, v15;
	_ =	sdelay $0x1  }
0x444: {  	v15 =	vbroadcast v15, $0x0;
	_ =	sdelay $0x1  }
0x445: {  	v25 =	vadd.s32 v7, v15;
	_ =	sdelay $0x1  }
0x446: {  	s22 =	sadd.s32 $0x400, s20  }
0x447: {  	s20 =	sshra.s32 s22, $0x2  }
0x448: {  	v26 =	vld [tilespmem:s20+$0xFA80]  }
0x449: {  	v25 =	vld.idx.msk [tilespmem:v25+s3+$0x0], $0xffff  }
0x44a: {  	v7 =	vadd.s32 v7, v18;
	_ =	sdelay $0x2  }
0x44b: {  	[tilespmem:s15+$0x1AC30] =	vst.add.f32.msk $0xffff, v24;
	v24 =	vadd.s32 v6, v15  }
0x44c: {  	v23 =	vld.idx.msk [tilespmem:v23+s3+$0x0], $0xffff;
	v25 =	vadd.f32 v26, v25  }
0x44d: {  	v7 =	vld.idx.msk [tilespmem:v7+s3+$0x0], $0xffff  }
0x44e: {  	[tilespmem:s20+$0x1AC80] =	vst.add.f32.msk $0xffff, v25  }
0x44f: {  	v25 =	vld [tilespmem:s20+$0xFA00]  }
0x450: {  	v11 =	vadd.f32 v11, v19;
	v19 =	vld.idx.msk [tilespmem:v24+s3+$0x0], $0xffff  }
0x451: {  	v24 =	vld [tilespmem:s20+$0xFA90]  }
0x452: {  	[tilespmem:s10+$0x1AC60] =	vst.add.f32.msk $0xffff, v11;
	v11 =	vadd.f32 v22, v20;
	v6 =	vadd.s32 v6, v18  }
0x453: {  	v20 =	vld.idx.msk [tilespmem:v21+s3+$0x0], $0xffff  }
0x454: {  	[tilespmem:s15+$0x1ACC0] =	vst.add.f32.msk $0xffff, v11;
	v11 =	vadd.s32 v5, v15;
	v7 =	vadd.f32 v25, v7  }
0x455: {  	v21 =	vld [tilespmem:s20+$0xFA10]  }
0x456: {  	[tilespmem:s20+$0x1AC00] =	vst.add.f32.msk $0xffff, v7;
	v7 =	vadd.f32 v24, v19  }
0x457: {  	v22 =	vadd.s32 v2, v10;
	v6 =	vld.idx.msk [tilespmem:v6+s3+$0x0], $0xffff  }
0x458: {  	[tilespmem:s20+$0x1AC90] =	vst.add.f32.msk $0xffff, v7  }
0x459: {  	v17 =	vadd.f32 v17, v23;
	v7 =	vld.idx.msk [tilespmem:v11+s3+$0x0], $0xffff  }
0x45a: {  	v11 =	vld [tilespmem:s20+$0xFAA0]  }
0x45b: {  	v5 =	vadd.s32 v5, v18;
	[tilespmem:s15+$0x1AC40] =	vst.add.f32.msk $0xffff, v17  }
0x45c: {  	v19 =	vld.idx.msk [tilespmem:v22+s3+$0x0], $0xffff  }
0x45d: {  	v17 =	vadd.s32 v4, v15;
	v22 =	vld [tilespmem:s15+$0xFAD0];
	v6 =	vadd.f32 v21, v6  }
0x45e: {  	v21 =	vld [tilespmem:s20+$0xFA20]  }
0x45f: {  	[tilespmem:s20+$0x1AC10] =	vst.add.f32.msk $0xffff, v6;
	v6 =	vadd.f32 v11, v7  }
0x460: {  	v7 =	vadd.s32 v1, v10;
	v5 =	vld.idx.msk [tilespmem:v5+s3+$0x0], $0xffff  }
0x461: {  	[tilespmem:s20+$0x1ACA0] =	vst.add.f32.msk $0xffff, v6  }
0x462: {  	v6 =	vadd.f32 v22, v19;
	v11 =	vld.idx.msk [tilespmem:v17+s3+$0x0], $0xffff  }
0x463: {  	v17 =	vld [tilespmem:s20+$0xFAB0]  }
0x464: {  	v4 =	vadd.s32 v4, v18;
	[tilespmem:s15+$0x1ACD0] =	vst.add.f32.msk $0xffff, v6  }
0x465: {  	v6 =	vld.idx.msk [tilespmem:v7+s3+$0x0], $0xffff  }
0x466: {  	v7 =	vld [tilespmem:s15+$0xFAE0];
	v5 =	vadd.f32 v21, v5  }
0x467: {  	v21 =	vld [tilespmem:s20+$0xFA30]  }
0x468: {  	v19 =	vadd.s32 v3, v15;
	[tilespmem:s20+$0x1AC20] =	vst.add.f32.msk $0xffff, v5  }
0x469: {  	v5 =	vadd.f32 v17, v11;
	v4 =	vld.idx.msk [tilespmem:v4+s3+$0x0], $0xffff  }
0x46a: {  	v10 =	vadd.s32 v0, v10;
	v11 =	vld [tilespmem:s20+$0xFA40]  }
0x46b: {  	[tilespmem:s20+$0x1ACB0] =	vst.add.f32.msk $0xffff, v5  }
0x46c: {  	v3 =	vadd.s32 v3, v18;
	v5 =	vadd.f32 v7, v6;
	v7 =	vld [tilespmem:s20+$0xFAC0]  }
0x46d: {  	v6 =	vld.idx.msk [tilespmem:v19+s3+$0x0], $0xffff  }
0x46e: {  	[tilespmem:s15+$0x1ACE0] =	vst.add.f32.msk $0xffff, v5;
	v5 =	vadd.s32 v2, v9;
	v4 =	vadd.f32 v21, v4  }
0x46f: {  	v10 =	vld.idx.msk [tilespmem:v10+s3+$0x0], $0xffff  }
0x470: {  	[tilespmem:s20+$0x1AC30] =	vst.add.f32.msk $0xffff, v4  }
0x471: {  	v17 =	vadd.s32 v2, v15;
	v3 =	vld.idx.msk [tilespmem:v3+s3+$0x0], $0xffff  }
0x472: {  	v4 =	vadd.f32 v7, v6;
	v6 =	vld [tilespmem:s20+$0xFAD0]  }
0x473: {  	v5 =	vld.idx.msk [tilespmem:v5+s3+$0x0], $0xffff  }
0x474: {  	v2 =	vadd.s32 v2, v18;
	v7 =	vld [tilespmem:s15+$0xFAF0]  }
0x475: {  	[tilespmem:s20+$0x1ACC0] =	vst.add.f32.msk $0xffff, v4  }
0x476: {  	v4 =	vld.idx.msk [tilespmem:v17+s3+$0x0], $0xffff;
	v3 =	vadd.f32 v11, v3  }
0x477: {  	v17 =	vadd.s32 v1, v9;
	v11 =	vld [tilespmem:s20+$0xFA50]  }
0x478: {  	v5 =	vadd.f32 v12, v5;
	[tilespmem:s20+$0x1AC40] =	vst.add.f32.msk $0xffff, v3  }
0x479: {  	v2 =	vld.idx.msk [tilespmem:v2+s3+$0x0], $0xffff  }
0x47a: {  	v3 =	vadd.s32 v1, v15;
	[tilespmem:s15+$0x1AC50] =	vst.add.f32.msk $0xffff, v5  }
0x47b: {  	v4 =	vadd.f32 v6, v4;
	v6 =	vld [tilespmem:s20+$0xFA60]  }
0x47c: {  	v1 =	vadd.s32 v1, v18;
	v5 =	vld.idx.msk [tilespmem:v17+s3+$0x0], $0xffff  }
0x47d: {  	[tilespmem:s20+$0x1ACD0] =	vst.add.f32.msk $0xffff, v4  }
0x47e: {  	v4 =	vld [tilespmem:s20+$0xFAE0];
	v2 =	vadd.f32 v11, v2  }
0x47f: {  	v3 =	vld.idx.msk [tilespmem:v3+s3+$0x0], $0xffff  }
0x480: {  	v9 =	vadd.s32 v0, v9;
	[tilespmem:s20+$0x1AC50] =	vst.add.f32.msk $0xffff, v2  }
0x481: {  	v2 =	vadd.f32 v16, v5;
	v1 =	vld.idx.msk [tilespmem:v1+s3+$0x0], $0xffff  }
0x482: {  	v11 =	vld [tilespmem:s20+$0xFA70];
	v5 =	vadd.s32 v0, v15  }
0x483: {  	[tilespmem:s15+$0x1AC60] =	vst.add.f32.msk $0xffff, v2  }
0x484: {  	v0 =	vadd.s32 v0, v18;
	v2 =	vadd.f32 v4, v3;
	v4 =	vld [tilespmem:s20+$0xFAF0]  }
0x485: {  	v3 =	vld.idx.msk [tilespmem:v9+s3+$0x0], $0xffff  }
0x486: {  	[tilespmem:s20+$0x1ACE0] =	vst.add.f32.msk $0xffff, v2;
	v1 =	vadd.f32 v6, v1  }
0x487: {  	v2 =	vld.idx.msk [tilespmem:v5+s3+$0x0], $0xffff  }
0x488: {  	[tilespmem:s20+$0x1AC60] =	vst.add.f32.msk $0xffff, v1  }
0x489: {  	v0 =	vld.idx.msk [tilespmem:v0+s3+$0x0], $0xffff  }
0x48a: {  	v1 =	vadd.f32 v7, v10  }
0x48b: {  	[tilespmem:s9+$0x1AC70] =	vst.add.f32.msk $0xffff, v13;
	v5 =	vadd.f32 v8, v20  }
0x48c: {  	[tilespmem:s15+$0x1ACF0] =	vst.add.f32.msk $0xffff, v1;
	v1 =	vadd.f32 v4, v2  }
0x48d: {  	[tilespmem:s10+$0x1AC70] =	vst.add.f32.msk $0xffff, v5;
	v2 =	vadd.f32 v14, v3  }
0x48e: {  	[tilespmem:s20+$0x1ACF0] =	vst.add.f32.msk $0xffff, v1;
	v0 =	vadd.f32 v11, v0  }
0x48f: {  	[tilespmem:s15+$0x1AC70] =	vst.add.f32.msk $0xffff, v2  }
0x490: {  	s23 =	sadd.s32 s6, s16;
	s9 =	simm.s32 @!p0 $0x8;
	s8 =	sadd.s32 @!p0 s14, s8;
	[tilespmem:s20+$0x1AC70] =	vst.add.f32.msk $0xffff, v0  }
0x491: {  	[hbm4b:s23+s18] =	stream.strided.scatter [tilespmem:s26], [sflag:$0x9], $0x2000, s19, s18, $0x38;
	[tilespmem:$0x1EC00] =	vst v63  }
0x492: {  	s24 =	smulhi.u32 $0x51EB851F, s5;
	s8 =	sshrl.u32 @!p0 s8, $0x3;
	_ =	swait.ge @!p0 [sflag:s9], $0x2000  }
0x493: {  	s8 =	sadd.s32 @!p0 s2, s8;
	s10 =	simm.s32 @!p0 $0x1000;
	[sflag:s9] =	ssyncset.done @!p0 $0x0  }
0x494: {  	s15 =	simm.s32 @!p0 $0x18C00;
	[sflag:s9] =	ssyncadd.s32 @!p0 $0xFFFFE000;
	s9 =	simm.s32 @!p0 $0x80  }
0x495: {  	[tilespmem:s15], [sflag:$0x3] =	stream.strided.gather @!p0 [hbm4b:s8+s9], $0x2000, s10, s9, $0x38;
	[tilespmem:$0x1EC00] =	vst v63  }
0x496: {  	s10 =	sshrl.u32 s24, $0x5  }
0x497: {  	s8 =	smul.u32 $0x64, s10  }
0x498: {  	_ =	swait.ge [sflag:s1], $0x2000  }
0x499: {  	[sflag:s1] =	ssyncset.done $0x0;
	s15 =	ssub.s32 s5, s8  }
0x49a: {  	s16 =	simm.s32 $0x1;
	[sflag:s1] =	ssyncadd.s32 $0xFFFFE000;
	s8 =	sshll.u32 s15, $0x7  }
0x49b: {  	v0 =	vmov s16;
	v7 =	vld [tilespmem:s8+$0x11A00]  }
0x49c: {  	v0 =	vmul.u32 $0x3E8, v0;
	_ =	sdelay $0x1  }
0x49d: {  	v9 =	vbroadcast v0, $0x0  }
0x49e: {  	s17 =	simm.s32 $0x0  }
0x49f: {  	v1 =	vmov s17;
	s5 =	simm.s32 $0x0;
	v0 =	vadd.s32 v7, v9  }
0x4a0: {  	v1 =	vmul.u32 $0x3E8, v1;
	v12 =	vld [tilespmem:s5+$0xFA80]  }
0x4a1: {  	v6 =	vld [tilespmem:s8+$0x11A10]  }
0x4a2: {  	v8 =	vbroadcast v1, $0x0;
	v5 =	vld [tilespmem:s8+$0x11A20]  }
0x4a3: {  	v4 =	vld [tilespmem:s8+$0x11A30]  }
0x4a4: {  	v11 =	vadd.s32 v7, v8;
	v10 =	vld.idx.msk [tilespmem:v0+s3+$0x0], $0xffff  }
0x4a5: {  	v3 =	vld [tilespmem:s8+$0x11A40]  }
0x4a6: {  	v2 =	vld [tilespmem:s8+$0x11A50]  }
0x4a7: {  	v1 =	vld [tilespmem:s8+$0x11A60];
	v13 =	vadd.s32 v6, v9  }
0x4a8: {  	v0 =	vld [tilespmem:s8+$0x11A70]  }
0x4a9: {  	v11 =	vld.idx.msk [tilespmem:v11+s3+$0x0], $0xffff;
	v10 =	vadd.f32 v12, v10  }
0x4aa: {  	v12 =	vld [tilespmem:s5+$0xFA00]  }
0x4ab: {  	[tilespmem:s5+$0x1CC80] =	vst.add.f32.msk $0xffff, v10  }
0x4ac: {  	v10 =	vld.idx.msk [tilespmem:v13+s3+$0x0], $0xffff  }
0x4ad: {  	v13 =	vld [tilespmem:s5+$0xFA90]  }
0x4ae: {  	v14 =	vadd.s32 v6, v8;
	_ =	sdelay $0x1  }
0x4af: {  	v11 =	vadd.f32 v12, v11;
	v12 =	vadd.s32 v5, v9  }
0x4b0: {  	v15 =	vld [tilespmem:s5+$0xFA10]  }
0x4b1: {  	[tilespmem:s5+$0x1CC00] =	vst.add.f32.msk $0xffff, v11;
	v10 =	vadd.f32 v13, v10  }
0x4b2: {  	v11 =	vld.idx.msk [tilespmem:v14+s3+$0x0], $0xffff  }
0x4b3: {  	[tilespmem:s5+$0x1CC90] =	vst.add.f32.msk $0xffff, v10  }
0x4b4: {  	v10 =	vld.idx.msk [tilespmem:v12+s3+$0x0], $0xffff  }
0x4b5: {  	v13 =	vadd.s32 v5, v8;
	v12 =	vld [tilespmem:s5+$0xFAA0];
	_ =	sdelay $0x1  }
0x4b6: {  	v11 =	vadd.f32 v15, v11  }
0x4b7: {  	v16 =	vld [tilespmem:s5+$0xFA20];
	v14 =	vadd.s32 v4, v9  }
0x4b8: {  	[tilespmem:s5+$0x1CC10] =	vst.add.f32.msk $0xffff, v11  }
0x4b9: {  	v10 =	vadd.f32 v12, v10;
	v11 =	vld.idx.msk [tilespmem:v13+s3+$0x0], $0xffff  }
0x4ba: {  	v12 =	vld [tilespmem:s5+$0xFAB0]  }
0x4bb: {  	[tilespmem:s5+$0x1CCA0] =	vst.add.f32.msk $0xffff, v10  }
0x4bc: {  	v10 =	vld.idx.msk [tilespmem:v14+s3+$0x0], $0xffff  }
0x4bd: {  	v13 =	vadd.s32 v4, v8;
	_ =	sdelay $0x1  }
0x4be: {  	v17 =	vld [tilespmem:s5+$0xFA30];
	v15 =	vadd.s32 v3, v9;
	v11 =	vadd.f32 v16, v11  }
0x4bf: {  	v18 =	vld [tilespmem:s5+$0xFAC0]  }
0x4c0: {  	[tilespmem:s5+$0x1CC20] =	vst.add.f32.msk $0xffff, v11;
	v10 =	vadd.f32 v12, v10  }
0x4c1: {  	v11 =	vld.idx.msk [tilespmem:v13+s3+$0x0], $0xffff  }
0x4c2: {  	s20 =	simm.s32 $0x2;
	[tilespmem:s5+$0x1CCB0] =	vst.add.f32.msk $0xffff, v10  }
0x4c3: {  	s21 =	simm.s32 $0x3;
	v12 =	vmov s20;
	v10 =	vld.idx.msk [tilespmem:v15+s3+$0x0], $0xffff  }
0x4c4: {  	v21 =	vld [tilespmem:s5+$0xFA60];
	v19 =	vadd.s32 v3, v8;
	v13 =	vmov s21;
	v12 =	vmul.u32 $0x3E8, v12  }
0x4c5: {  	v14 =	vld [tilespmem:s5+$0xFA40];
	v20 =	vmul.u32 $0x3E8, v13  }
0x4c6: {  	v16 =	vld [tilespmem:s5+$0xFA50];
	v15 =	vbroadcast v12, $0x0;
	v12 =	vadd.s32 v2, v9;
	v11 =	vadd.f32 v17, v11  }
0x4c7: {  	v13 =	vld [tilespmem:s5+$0xFA70];
	v17 =	vbroadcast v20, $0x0  }
0x4c8: {  	v20 =	vadd.s32 v7, v15;
	[tilespmem:s5+$0x1CC30] =	vst.add.f32.msk $0xffff, v11;
	v10 =	vadd.f32 v18, v10  }
0x4c9: {  	v11 =	vld.idx.msk [tilespmem:v19+s3+$0x0], $0xffff;
	v18 =	vadd.s32 v7, v17  }
0x4ca: {  	[tilespmem:s5+$0x1CCC0] =	vst.add.f32.msk $0xffff, v10  }
0x4cb: {  	v10 =	vld.idx.msk [tilespmem:v12+s3+$0x0], $0xffff  }
0x4cc: {  	v12 =	vld [tilespmem:s5+$0xFAD0]  }
0x4cd: {  	v19 =	vld.idx.msk [tilespmem:v20+s3+$0x0], $0xffff  }
0x4ce: {  	s8 =	simm.s32 $0x100;
	v11 =	vadd.f32 v14, v11;
	v14 =	vld.idx.msk [tilespmem:v18+s3+$0x0], $0xffff  }
0x4cf: {  	v18 =	vld [tilespmem:s8+$0xFA80]  }
0x4d0: {  	v20 =	vadd.s32 v1, v9;
	[tilespmem:s5+$0x1CC40] =	vst.add.f32.msk $0xffff, v11  }
0x4d1: {  	v11 =	vld [tilespmem:s8+$0xFA00];
	v10 =	vadd.f32 v12, v10  }
0x4d2: {  	v12 =	vld [tilespmem:s8+$0xFA10]  }
0x4d3: {  	v22 =	vadd.s32 v6, v17;
	[tilespmem:s5+$0x1CCD0] =	vst.add.f32.msk $0xffff, v10  }
0x4d4: {  	v10 =	vadd.f32 v18, v14;
	v18 =	vld [tilespmem:s5+$0xFAE0]  }
0x4d5: {  	v14 =	vld.idx.msk [tilespmem:v20+s3+$0x0], $0xffff  }
0x4d6: {  	v20 =	vadd.s32 v6, v15;
	[tilespmem:s8+$0x1CC80] =	vst.add.f32.msk $0xffff, v10  }
0x4d7: {  	v11 =	vadd.f32 v11, v19;
	v19 =	vld [tilespmem:s8+$0xFA90]  }
0x4d8: {  	v10 =	vld.idx.msk [tilespmem:v22+s3+$0x0], $0xffff  }
0x4d9: {  	v9 =	vadd.s32 v0, v9;
	v22 =	vld [tilespmem:s8+$0xFA20]  }
0x4da: {  	[tilespmem:s8+$0x1CC00] =	vst.add.f32.msk $0xffff, v11;
	v11 =	vadd.f32 v18, v14  }
0x4db: {  	v14 =	vld.idx.msk [tilespmem:v20+s3+$0x0], $0xffff;
	v18 =	vadd.s32 v5, v17  }
0x4dc: {  	[tilespmem:s5+$0x1CCE0] =	vst.add.f32.msk $0xffff, v11  }
0x4dd: {  	v10 =	vadd.f32 v19, v10;
	v11 =	vld [tilespmem:s5+$0xFAF0]  }
0x4de: {  	v9 =	vld.idx.msk [tilespmem:v9+s3+$0x0], $0xffff  }
0x4df: {  	v19 =	vadd.s32 v5, v15;
	[tilespmem:s8+$0x1CC90] =	vst.add.f32.msk $0xffff, v10  }
0x4e0: {  	v10 =	vld.idx.msk [tilespmem:v18+s3+$0x0], $0xffff  }
0x4e1: {  	v12 =	vadd.f32 v12, v14;
	v14 =	vld [tilespmem:s8+$0xFAA0]  }
0x4e2: {  	v20 =	vadd.s32 v2, v8;
	v18 =	vld [tilespmem:s8+$0xFA30]  }
0x4e3: {  	[tilespmem:s8+$0x1CC10] =	vst.add.f32.msk $0xffff, v12  }
0x4e4: {  	v12 =	vld.idx.msk [tilespmem:v19+s3+$0x0], $0xffff;
	v9 =	vadd.f32 v11, v9;
	v11 =	vadd.s32 v4, v17  }
0x4e5: {  	v19 =	vld [tilespmem:s8+$0xFA40]  }
0x4e6: {  	[tilespmem:s5+$0x1CCF0] =	vst.add.f32.msk $0xffff, v9;
	v9 =	vadd.f32 v14, v10  }
0x4e7: {  	v10 =	vld.idx.msk [tilespmem:v20+s3+$0x0], $0xffff  }
0x4e8: {  	[tilespmem:s8+$0x1CCA0] =	vst.add.f32.msk $0xffff, v9  }
0x4e9: {  	v14 =	vadd.s32 v4, v15;
	v9 =	vld.idx.msk [tilespmem:v11+s3+$0x0], $0xffff  }
0x4ea: {  	v11 =	vadd.f32 v22, v12;
	v12 =	vld [tilespmem:s8+$0xFAB0]  }
0x4eb: {  	v20 =	vld [tilespmem:s8+$0xFA50];
	v22 =	vadd.s32 v1, v8  }
0x4ec: {  	[tilespmem:s8+$0x1CC20] =	vst.add.f32.msk $0xffff, v11  }
0x4ed: {  	v10 =	vadd.f32 v16, v10;
	v16 =	vadd.s32 v3, v17;
	v11 =	vld [tilespmem:s8+$0xFA60]  }
0x4ee: {  	v14 =	vld.idx.msk [tilespmem:v14+s3+$0x0], $0xffff  }
0x4ef: {  	s22 =	simm.s32 $0x4;
	[tilespmem:s5+$0x1CC50] =	vst.add.f32.msk $0xffff, v10;
	v9 =	vadd.f32 v12, v9  }
0x4f0: {  	v10 =	vmov s22;
	v12 =	vld.idx.msk [tilespmem:v22+s3+$0x0], $0xffff  }
0x4f1: {  	v10 =	vmul.u32 $0x3E8, v10;
	v22 =	vadd.s32 v3, v15;
	[tilespmem:s8+$0x1CCB0] =	vst.add.f32.msk $0xffff, v9  }
0x4f2: {  	v16 =	vld.idx.msk [tilespmem:v16+s3+$0x0], $0xffff  }
0x4f3: {  	s23 =	simm.s32 $0x5;
	v9 =	vbroadcast v10, $0x0;
	v10 =	vadd.f32 v18, v14;
	v14 =	vld [tilespmem:s8+$0xFAC0]  }
0x4f4: {  	v24 =	vmov s23;
	v18 =	vadd.s32 v0, v8;
	v8 =	vld [tilespmem:s8+$0xFA70]  }
0x4f5: {  	[tilespmem:s8+$0x1CC30] =	vst.add.f32.msk $0xffff, v10;
	v10 =	vmul.u32 $0x3E8, v24  }
0x4f6: {  	s9 =	simm.s32 $0x200;
	v12 =	vadd.f32 v21, v12;
	v21 =	vld.idx.msk [tilespmem:v22+s3+$0x0], $0xffff;
	v22 =	vadd.s32 v2, v17  }
0x4f7: {  	v24 =	vld [tilespmem:s9+$0xFA10];
	v10 =	vbroadcast v10, $0x0  }
0x4f8: {  	[tilespmem:s5+$0x1CC60] =	vst.add.f32.msk $0xffff, v12;
	v12 =	vadd.f32 v14, v16  }
0x4f9: {  	v18 =	vld.idx.msk [tilespmem:v18+s3+$0x0], $0xffff;
	v16 =	vadd.s32 v7, v10  }
0x4fa: {  	[tilespmem:s8+$0x1CCC0] =	vst.add.f32.msk $0xffff, v12  }
0x4fb: {  	v23 =	vadd.s32 v7, v9;
	v12 =	vadd.f32 v19, v21;
	v19 =	vld.idx.msk [tilespmem:v22+s3+$0x0], $0xffff  }
0x4fc: {  	v21 =	vld [tilespmem:s8+$0xFAD0]  }
0x4fd: {  	[tilespmem:s8+$0x1CC40] =	vst.add.f32.msk $0xffff, v12  }
0x4fe: {  	v12 =	vld.idx.msk [tilespmem:v16+s3+$0x0], $0xffff  }
0x4ff: {  	v22 =	vadd.s32 v1, v17;
	v16 =	vld [tilespmem:s9+$0xFA80]  }
0x500: {  	v14 =	vld.idx.msk [tilespmem:v23+s3+$0x0], $0xffff  }
0x501: {  	v23 =	vld [tilespmem:s9+$0xFA00];
	v19 =	vadd.f32 v21, v19  }
0x502: {  	v21 =	vld [tilespmem:s9+$0xFA20]  }
0x503: {  	v25 =	vadd.s32 v6, v10;
	[tilespmem:s8+$0x1CCD0] =	vst.add.f32.msk $0xffff, v19  }
0x504: {  	v12 =	vadd.f32 v16, v12;
	v16 =	vld.idx.msk [tilespmem:v22+s3+$0x0], $0xffff  }
0x505: {  	v19 =	vadd.s32 v6, v9;
	v22 =	vld [tilespmem:s8+$0xFAE0]  }
0x506: {  	[tilespmem:s9+$0x1CC80] =	vst.add.f32.msk $0xffff, v12  }
0x507: {  	v12 =	vadd.f32 v23, v14;
	v23 =	vld [tilespmem:s9+$0xFA90]  }
0x508: {  	v17 =	vadd.s32 v0, v17;
	v14 =	vld.idx.msk [tilespmem:v25+s3+$0x0], $0xffff  }
0x509: {  	[tilespmem:s9+$0x1CC00] =	vst.add.f32.msk $0xffff, v12  }
0x50a: {  	v12 =	vld.idx.msk [tilespmem:v19+s3+$0x0], $0xffff;
	v16 =	vadd.f32 v22, v16  }
0x50b: {  	v22 =	vld [tilespmem:s9+$0xFA30];
	v19 =	vadd.s32 v5, v10  }
0x50c: {  	[tilespmem:s8+$0x1CCE0] =	vst.add.f32.msk $0xffff, v16  }
0x50d: {  	v14 =	vadd.f32 v23, v14;
	v16 =	vld.idx.msk [tilespmem:v17+s3+$0x0], $0xffff  }
0x50e: {  	v17 =	vadd.s32 v5, v9;
	v23 =	vld [tilespmem:s8+$0xFAF0]  }
0x50f: {  	[tilespmem:s9+$0x1CC90] =	vst.add.f32.msk $0xffff, v14  }
0x510: {  	v12 =	vadd.f32 v24, v12;
	v14 =	vld.idx.msk [tilespmem:v19+s3+$0x0], $0xffff  }
0x511: {  	v19 =	vld [tilespmem:s9+$0xFAA0]  }
0x512: {  	v24 =	vadd.s32 v2, v15;
	[tilespmem:s9+$0x1CC10] =	vst.add.f32.msk $0xffff, v12  }
0x513: {  	v25 =	vld.idx.msk [tilespmem:v17+s3+$0x0], $0xffff;
	v12 =	vadd.f32 v23, v16  }
0x514: {  	v17 =	vld [tilespmem:s9+$0xFA40]  }
0x515: {  	v16 =	vadd.s32 v4, v10;
	[tilespmem:s8+$0x1CCF0] =	vst.add.f32.msk $0xffff, v12  }
0x516: {  	v12 =	vld [tilespmem:s9+$0xFA50]  }
0x517: {  	v14 =	vadd.f32 v19, v14;
	v19 =	vld.idx.msk [tilespmem:v24+s3+$0x0], $0xffff  }
0x518: {  	v23 =	vadd.s32 v4, v9;
	v24 =	vld [tilespmem:s9+$0xFAB0]  }
0x519: {  	[tilespmem:s9+$0x1CCA0] =	vst.add.f32.msk $0xffff, v14  }
0x51a: {  	v14 =	vadd.f32 v21, v25;
	v21 =	vld.idx.msk [tilespmem:v16+s3+$0x0], $0xffff  }
0x51b: {  	v25 =	vadd.s32 v1, v15;
	v16 =	vld [tilespmem:s9+$0xFA60]  }
0x51c: {  	[tilespmem:s9+$0x1CC20] =	vst.add.f32.msk $0xffff, v14;
	v14 =	vadd.f32 v20, v19  }
0x51d: {  	v26 =	vld.idx.msk [tilespmem:v23+s3+$0x0], $0xffff  }
0x51e: {  	s24 =	simm.s32 $0x6;
	v20 =	vadd.s32 v3, v10;
	[tilespmem:s8+$0x1CC50] =	vst.add.f32.msk $0xffff, v14  }
0x51f: {  	v23 =	vmov s24;
	v14 =	vld [tilespmem:s9+$0xFA70];
	v21 =	vadd.f32 v24, v21  }
0x520: {  	v19 =	vld.idx.msk [tilespmem:v25+s3+$0x0], $0xffff;
	v24 =	vmul.u32 $0x3E8, v23;
	v23 =	vadd.s32 v3, v9  }
0x521: {  	[tilespmem:s9+$0x1CCB0] =	vst.add.f32.msk $0xffff, v21  }
0x522: {  	v13 =	vadd.f32 v13, v18;
	v18 =	vbroadcast v24, $0x0;
	v24 =	vadd.f32 v22, v26;
	v22 =	vld [tilespmem:s9+$0xFAC0]  }
0x523: {  	s16 =	simm.s32 $0x7;
	s10 =	simm.s32 $0x800;
	s15 =	simm.s32 $0x8;
	v21 =	vadd.s32 v0, v15;
	v20 =	vld.idx.msk [tilespmem:v20+s3+$0x0], $0xffff  }
.LBB2_16:
0x524: {  	p0 =	slt.u32 s15, $0x3E;
	v25 =	vadd.s32 v7, v18;
	v26 =	vmov s16;
	[tilespmem:s9+$0x1CC30] =	vst.add.f32.msk $0xffff, v24;
	v15 =	vmov v18  }
0x525: {  	v19 =	vadd.f32 v11, v19;
	v11 =	vmov v16;
	v18 =	vmul.u32 $0x3E8, v26;
	v23 =	vld.idx.msk [tilespmem:v23+s3+$0x0], $0xffff  }
0x526: {  	v16 =	vadd.s32 v2, v10;
	[tilespmem:s5+$0x1CC70] =	vst.add.f32.msk $0xffff, v13;
	s5 =	smov.u32 s8;
	s8 =	smov.u32 s9  }
0x527: {  	v18 =	vbroadcast v18, $0x0;
	[tilespmem:s5+$0x1CC60] =	vst.add.f32.msk $0xffff, v19  }
0x528: {  	v13 =	vadd.f32 v22, v20;
	v19 =	vld.idx.msk [tilespmem:v21+s3+$0x0], $0xffff  }
0x529: {  	v20 =	vld.idx.msk [tilespmem:v25+s3+$0x0], $0xffff;
	v21 =	vadd.s32 v7, v18  }
0x52a: {  	[tilespmem:s8+$0x1CCC0] =	vst.add.f32.msk $0xffff, v13  }
0x52b: {  	v13 =	vadd.f32 v17, v23;
	v16 =	vld.idx.msk [tilespmem:v16+s3+$0x0], $0xffff  }
0x52c: {  	v17 =	vld [tilespmem:s8+$0xFAD0]  }
0x52d: {  	s10 =	sadd.s32 $0x400, s10;
	[tilespmem:s8+$0x1CC40] =	vst.add.f32.msk $0xffff, v13  }
0x52e: {  	s9 =	sshra.s32 s10, $0x2;
	v13 =	vadd.f32 v8, v19;
	v8 =	vmov v14;
	v21 =	vld.idx.msk [tilespmem:v21+s3+$0x0], $0xffff  }
0x52f: {  	v19 =	vadd.s32 v1, v10;
	v14 =	vld [tilespmem:s9+$0xFA80]  }
0x530: {  	v22 =	vld [tilespmem:s9+$0xFA00]  }
0x531: {  	v23 =	vld [tilespmem:s9+$0xFA10];
	v16 =	vadd.f32 v17, v16  }
0x532: {  	v17 =	vadd.s32 v6, v18;
	v24 =	vld [tilespmem:s9+$0xFA20]  }
0x533: {  	[tilespmem:s8+$0x1CCD0] =	vst.add.f32.msk $0xffff, v16  }
0x534: {  	v14 =	vadd.f32 v14, v21;
	v16 =	vld.idx.msk [tilespmem:v19+s3+$0x0], $0xffff  }
0x535: {  	v19 =	vadd.f32 v22, v20;
	v20 =	vadd.s32 v6, v15;
	v21 =	vld [tilespmem:s8+$0xFAE0]  }
0x536: {  	[tilespmem:s9+$0x1CC80] =	vst.add.f32.msk $0xffff, v14  }
0x537: {  	v14 =	vld.idx.msk [tilespmem:v17+s3+$0x0], $0xffff  }
0x538: {  	v22 =	vadd.s32 v0, v10;
	v10 =	vmov v18;
	v17 =	vld [tilespmem:s9+$0xFA90]  }
0x539: {  	[tilespmem:s9+$0x1CC00] =	vst.add.f32.msk $0xffff, v19  }
0x53a: {  	v18 =	vld.idx.msk [tilespmem:v20+s3+$0x0], $0xffff;
	v16 =	vadd.f32 v21, v16  }
0x53b: {  	v19 =	vadd.s32 v5, v10;
	v20 =	vld [tilespmem:s9+$0xFA30]  }
0x53c: {  	[tilespmem:s8+$0x1CCE0] =	vst.add.f32.msk $0xffff, v16  }
0x53d: {  	v14 =	vadd.f32 v17, v14;
	v16 =	vld.idx.msk [tilespmem:v22+s3+$0x0], $0xffff  }
0x53e: {  	v17 =	vadd.s32 v5, v15;
	v21 =	vld [tilespmem:s8+$0xFAF0]  }
0x53f: {  	[tilespmem:s9+$0x1CC90] =	vst.add.f32.msk $0xffff, v14  }
0x540: {  	v14 =	vadd.f32 v23, v18;
	v18 =	vld.idx.msk [tilespmem:v19+s3+$0x0], $0xffff  }
0x541: {  	v22 =	vadd.s32 v2, v9;
	v19 =	vld [tilespmem:s9+$0xFAA0]  }
0x542: {  	[tilespmem:s9+$0x1CC10] =	vst.add.f32.msk $0xffff, v14  }
0x543: {  	v14 =	vld.idx.msk [tilespmem:v17+s3+$0x0], $0xffff;
	v16 =	vadd.f32 v21, v16  }
0x544: {  	v21 =	vadd.s32 v4, v10;
	v17 =	vld [tilespmem:s9+$0xFA40]  }
0x545: {  	[tilespmem:s8+$0x1CCF0] =	vst.add.f32.msk $0xffff, v16  }
0x546: {  	v16 =	vadd.f32 v19, v18;
	v18 =	vld.idx.msk [tilespmem:v22+s3+$0x0], $0xffff  }
0x547: {  	v19 =	vadd.s32 v4, v15;
	v22 =	vld [tilespmem:s9+$0xFA50]  }
0x548: {  	[tilespmem:s9+$0x1CCA0] =	vst.add.f32.msk $0xffff, v16  }
0x549: {  	v14 =	vadd.f32 v24, v14;
	v21 =	vld.idx.msk [tilespmem:v21+s3+$0x0], $0xffff  }
0x54a: {  	v24 =	vadd.s32 v1, v9;
	v23 =	vld [tilespmem:s9+$0xFAB0]  }
0x54b: {  	[tilespmem:s9+$0x1CC20] =	vst.add.f32.msk $0xffff, v14  }
0x54c: {  	v14 =	vadd.f32 v12, v18;
	v25 =	vld.idx.msk [tilespmem:v19+s3+$0x0], $0xffff;
	v12 =	vmov v22  }
0x54d: {  	v22 =	vadd.s32 v3, v10;
	v16 =	vld [tilespmem:s9+$0xFA60]  }
0x54e: {  	[tilespmem:s8+$0x1CC50] =	vst.add.f32.msk $0xffff, v14  }
.Ltmp9:
0x54f: {  	v14 =	vmov s15;
	v18 =	vadd.f32 v23, v21;
	v19 =	vld.idx.msk [tilespmem:v24+s3+$0x0], $0xffff;
	(pc) =	sbr.rel @p0 .LBB2_16-.Ltmp9, $4  }
0x550: {  	v21 =	vmul.u32 $0x3E8, v14;
	v23 =	vadd.s32 v3, v15;
	v14 =	vld [tilespmem:s9+$0xFA70]  }
0x551: {  	[tilespmem:s9+$0x1CCB0] =	vst.add.f32.msk $0xffff, v18  }
0x552: {  	v18 =	vbroadcast v21, $0x0;
	v24 =	vadd.f32 v20, v25;
	v20 =	vld.idx.msk [tilespmem:v22+s3+$0x0], $0xffff  }
0x553: {  	s16 =	sadd.s32 $0x1, s15;
	s15 =	sadd.s32 $0x2, s15;
	v21 =	vadd.s32 v0, v9;
	v9 =	vmov v15;
	v22 =	vld [tilespmem:s9+$0xFAC0]  }
0x554: {  	v15 =	vmov s16  }
0x555: {  	v15 =	vmul.u32 $0x3E8, v15  }
0x556: {  	[tilespmem:s9+$0x1CC30] =	vst.add.f32.msk $0xffff, v24  }
0x557: {  	v47 =	vadd.s32 v7, v18;
	v61 =	vld [tilespmem:s9+$0xFAD0];
	v15 =	vbroadcast v15, $0x0  }
0x558: {  	v30 =	vld [tilespmem:s9+$0xFAE0]  }
0x559: {  	s10 =	sadd.s32 $0x400, s10;
	v45 =	vld [tilespmem:s9+$0xFAF0];
	v25 =	vadd.s32 v7, v15  }
0x55a: {  	s10 =	sshra.s32 s10, $0x2;
	v23 =	vld.idx.msk [tilespmem:v23+s3+$0x0], $0xffff  }
0x55b: {  	v49 =	vld [tilespmem:s10+$0xFA00]  }
0x55c: {  	v7 =	vld.idx.msk [tilespmem:v47+s3+$0x0], $0xffff  }
0x55d: {  	v26 =	vld [tilespmem:s10+$0xFA80]  }
0x55e: {  	v11 =	vadd.f32 v11, v19;
	v25 =	vld.idx.msk [tilespmem:v25+s3+$0x0], $0xffff  }
0x55f: {  	v53 =	vadd.s32 v6, v18;
	v51 =	vld [tilespmem:s10+$0xFA90]  }
0x560: {  	[tilespmem:s8+$0x1CC60] =	vst.add.f32.msk $0xffff, v11  }
0x561: {  	v55 =	vld [tilespmem:s10+$0xFA10];
	v48 =	vadd.s32 v6, v15;
	v7 =	vadd.f32 v49, v7  }
0x562: {  	v58 =	vld [tilespmem:s10+$0xFAA0]  }
0x563: {  	[tilespmem:s10+$0x1CC00] =	vst.add.f32.msk $0xffff, v7;
	v25 =	vadd.f32 v26, v25  }
0x564: {  	v6 =	vld.idx.msk [tilespmem:v53+s3+$0x0], $0xffff  }
0x565: {  	[tilespmem:s10+$0x1CC80] =	vst.add.f32.msk $0xffff, v25  }
0x566: {  	v50 =	vld.idx.msk [tilespmem:v48+s3+$0x0], $0xffff  }
0x567: {  	v60 =	vadd.s32 v5, v18;
	v63 =	vld [tilespmem:s10+$0xFA20]  }
0x568: {  	v28 =	vld [tilespmem:s10+$0xFAB0]  }
0x569: {  	v32 =	vld [tilespmem:s10+$0xFA30];
	v54 =	vadd.s32 v5, v15;
	v6 =	vadd.f32 v55, v6  }
0x56a: {  	v38 =	vld [tilespmem:s10+$0xFAC0]  }
0x56b: {  	[tilespmem:s10+$0x1CC10] =	vst.add.f32.msk $0xffff, v6;
	v57 =	vadd.f32 v51, v50  }
0x56c: {  	v5 =	vld.idx.msk [tilespmem:v60+s3+$0x0], $0xffff  }
0x56d: {  	v56 =	vadd.s32 v2, v10;
	[tilespmem:s10+$0x1CC90] =	vst.add.f32.msk $0xffff, v57  }
0x56e: {  	v7 =	vld.idx.msk [tilespmem:v54+s3+$0x0], $0xffff  }
0x56f: {  	v29 =	vadd.s32 v4, v18;
	v40 =	vld [tilespmem:s10+$0xFA40];
	v52 =	vadd.f32 v22, v20  }
0x570: {  	v44 =	vld [tilespmem:s10+$0xFAD0]  }
0x571: {  	v62 =	vadd.s32 v4, v15;
	[tilespmem:s9+$0x1CCC0] =	vst.add.f32.msk $0xffff, v52;
	v5 =	vadd.f32 v63, v5  }
0x572: {  	v59 =	vld.idx.msk [tilespmem:v56+s3+$0x0], $0xffff  }
0x573: {  	[tilespmem:s10+$0x1CC20] =	vst.add.f32.msk $0xffff, v5;
	v24 =	vadd.f32 v58, v7  }
0x574: {  	v4 =	vld.idx.msk [tilespmem:v29+s3+$0x0], $0xffff  }
0x575: {  	[tilespmem:s10+$0x1CCA0] =	vst.add.f32.msk $0xffff, v24  }
0x576: {  	v27 =	vld.idx.msk [tilespmem:v62+s3+$0x0], $0xffff  }
0x577: {  	v37 =	vadd.s32 v3, v18;
	v20 =	vld.idx.msk [tilespmem:v21+s3+$0x0], $0xffff;
	v17 =	vadd.f32 v17, v23  }
0x578: {  	v47 =	vld [tilespmem:s10+$0xFA50]  }
0x579: {  	v31 =	vadd.s32 v3, v15;
	[tilespmem:s9+$0x1CC40] =	vst.add.f32.msk $0xffff, v17;
	v4 =	vadd.f32 v32, v4  }
0x57a: {  	v26 =	vadd.f32 v61, v59;
	v59 =	vld [tilespmem:s10+$0xFAF0]  }
0x57b: {  	[tilespmem:s10+$0x1CC30] =	vst.add.f32.msk $0xffff, v4;
	v33 =	vadd.f32 v28, v27  }
0x57c: {  	v25 =	vadd.s32 v1, v10;
	v3 =	vld.idx.msk [tilespmem:v37+s3+$0x0], $0xffff  }
0x57d: {  	v39 =	vadd.s32 v2, v9;
	[tilespmem:s10+$0x1CCB0] =	vst.add.f32.msk $0xffff, v33  }
0x57e: {  	v36 =	vld.idx.msk [tilespmem:v31+s3+$0x0], $0xffff  }
0x57f: {  	v43 =	vadd.s32 v2, v18;
	[tilespmem:s9+$0x1CCD0] =	vst.add.f32.msk $0xffff, v26  }
0x580: {  	v55 =	vld [tilespmem:s10+$0xFA70]  }
0x581: {  	v41 =	vadd.s32 v2, v15;
	v6 =	vld.idx.msk [tilespmem:v25+s3+$0x0], $0xffff;
	v3 =	vadd.f32 v40, v3  }
0x582: {  	v5 =	vld.idx.msk [tilespmem:v39+s3+$0x0], $0xffff  }
0x583: {  	[tilespmem:s10+$0x1CC40] =	vst.add.f32.msk $0xffff, v3;
	v42 =	vadd.f32 v38, v36  }
0x584: {  	v2 =	vld.idx.msk [tilespmem:v43+s3+$0x0], $0xffff  }
0x585: {  	v46 =	vadd.s32 v1, v9;
	[tilespmem:s10+$0x1CCC0] =	vst.add.f32.msk $0xffff, v42  }
0x586: {  	v4 =	vld.idx.msk [tilespmem:v41+s3+$0x0], $0xffff  }
0x587: {  	v49 =	vadd.s32 v1, v18;
	v50 =	vld [tilespmem:s10+$0xFAE0];
	v5 =	vadd.f32 v12, v5  }
0x588: {  	v51 =	vld [tilespmem:s10+$0xFA60]  }
0x589: {  	v48 =	vadd.s32 v1, v15;
	[tilespmem:s9+$0x1CC50] =	vst.add.f32.msk $0xffff, v5;
	v2 =	vadd.f32 v47, v2  }
0x58a: {  	v5 =	vld.idx.msk [tilespmem:v46+s3+$0x0], $0xffff  }
0x58b: {  	v34 =	vadd.s32 v0, v10;
	[tilespmem:s10+$0x1CC50] =	vst.add.f32.msk $0xffff, v2;
	v4 =	vadd.f32 v44, v4  }
0x58c: {  	v1 =	vld.idx.msk [tilespmem:v49+s3+$0x0], $0xffff  }
0x58d: {  	v52 =	vadd.s32 v0, v9;
	v35 =	vadd.f32 v30, v6;
	[tilespmem:s10+$0x1CCD0] =	vst.add.f32.msk $0xffff, v4  }
0x58e: {  	v3 =	vld.idx.msk [tilespmem:v48+s3+$0x0], $0xffff  }
0x58f: {  	[tilespmem:s9+$0x1CCE0] =	vst.add.f32.msk $0xffff, v35;
	v58 =	vadd.s32 v0, v18;
	v53 =	vadd.f32 v16, v5  }
0x590: {  	v10 =	vld.idx.msk [tilespmem:v34+s3+$0x0], $0xffff  }
0x591: {  	v54 =	vadd.s32 v0, v15;
	[tilespmem:s9+$0x1CC60] =	vst.add.f32.msk $0xffff, v53;
	v1 =	vadd.f32 v51, v1  }
0x592: {  	v57 =	vld.idx.msk [tilespmem:v52+s3+$0x0], $0xffff  }
0x593: {  	[tilespmem:s10+$0x1CC60] =	vst.add.f32.msk $0xffff, v1;
	v56 =	vadd.f32 v50, v3  }
0x594: {  	v0 =	vld.idx.msk [tilespmem:v58+s3+$0x0], $0xffff  }
0x595: {  	[tilespmem:s10+$0x1CCE0] =	vst.add.f32.msk $0xffff, v56  }
0x596: {  	v2 =	vld.idx.msk [tilespmem:v54+s3+$0x0], $0xffff  }
0x597: {  	v61 =	vadd.f32 v8, v20  }
0x598: {  	[tilespmem:s5+$0x1CC70] =	vst.add.f32.msk $0xffff, v13;
	s11 =	sadd.s32 $0x1, s11;
	v60 =	vadd.f32 v45, v10  }
0x599: {  	p0 =	sne.s32 s11, $0x28;
	[tilespmem:s8+$0x1CC70] =	vst.add.f32.msk $0xffff, v61;
	v63 =	vadd.f32 v14, v57  }
.Ltmp10:
0x59a: {  	[tilespmem:s9+$0x1CCF0] =	vst.add.f32.msk $0xffff, v60;
	v0 =	vadd.f32 v55, v0;
	(pc) =	sbr.rel @p0 .LBB2_2-.Ltmp10, $4  }
.Ltmp11:
0x59b: {  	[tilespmem:s9+$0x1CC70] =	vst.add.f32.msk $0xffff, v63;
	v62 =	vadd.f32 v59, v2;
	(pc) =	sbr.rel @!p0 .LBB2_18-.Ltmp11, $4  }
0x59c: {  	[tilespmem:s10+$0x1CC70] =	vst.add.f32.msk $0xffff, v0  }
0x59d: {  	s24 =	sadd.s32 s6, s7;
	[tilespmem:s10+$0x1CCF0] =	vst.add.f32.msk $0xffff, v62  }
0x59e: {  	[hbm4b:s24+s18] =	stream.strided.scatter [tilespmem:s29], [sflag:$0xA], $0x2000, s19, s18, $0x38;
	[tilespmem:$0x1EC00] =	vst v63  }
0x59f: {  	_ = 	snop  }
.LBB2_6:
.Ltmp12:
0x5a0: {  	(pc) =	sbr.rel .LBB2_7-.Ltmp12, $2  }
0x5a1: {  	_ =	sdelay $0x2  }
0x5a2: {  	s9 =	simm.s32 $0x0;
	p0 =	por $0x1, $0x1  }
.LBB2_19:
0x5a3: {  	_ =	sfence.sel $0x180000  }
0x5a4: {  	[bflag:$0x0] =	sbarrier.arrive $0xFFFF  }
0x5a5: {  	_ =	strace $0x9000004D  }
0x5a6: {  	s0 =	stileid.u32;
	[bflag:$0x2] =	sbarrier.arrive $0xFFFF  }
0x5a7: {  	p0 =	sne.s32 s0, $0x0;
	s0 =	rddreg [dreg:$0x2]  }
0x5a8: {  	s0 =	sadd.s32 @!p0 $0x100000, s0  }
0x5a9: {  	[sflag:s0] =	ssyncadd.tile.s32 @!p0 $0x1;
	_ =	shalt  }
.Lfunc_end2:
_tile_overlayer_lowered:
.L_overlay_start_2:
0x5aa: {  	(tag) =	ssettag $0x2  }
0x5ab: {  	s0 =	rddreg [dreg:$0x0];
	s2 =	stileid.u32  }
0x5ac: {  	s1 =	rddreg [dreg:$0x1];
	p0 =	sne.s32 s2, $0x0  }
0x5ad: {  	s3 =	rddreg [dreg:$0x2];
	[bflag:$0x3] =	sbarrier.arrive $0xFFFF;
	s2 =	simm.s32 @!p0 $0x1C0B  }
0x5ae: {  	[timem:s3], [sflag:s2] =	dma.local @!p0 [hbm:s0], s1  }
0x5af: {  	s0 =	simm.s32 @!p0 $0xB  }
0x5b0: {  	_ =	swait.ge @!p0 [sflag:s0], s1  }
0x5b1: {  	s1 =	ssub.s32 @!p0 $0x0, s1;
	[sflag:s0] =	ssyncset.done @!p0 $0x0  }
0x5b2: {  	[sflag:s0] =	ssyncadd.s32 @!p0 s1  }
0x5b3: {  	[bflag:$0x3] =	sbarrier.arrive $0xFFFF  }
0x5b4: {  	_ =	shalt  }

// kernel: sparse-core-data-format-call.cloned.1.call-start
scs
called_computation_lowered:
.L_overlay_start_0:
0x0: {  	s2 =	sld [smem:$0x3FD9]  }
0x1: {  	s3 =	sld [smem:$0x3FFE];
	_ =	sdelay $0x1  }
0x2: {  	s1 =	srdreg.scid  }
0x3: {  	s0 =	sand.u32 $0x1, s1  }
0x4: {  	s19 =	sshll.u32 s0, $0xA;
	s2 =	sadd.s32 s3, s2  }
0x5: {  	s2 =	sadd.s32 s2, s19  }
0x6: {  	[smem:$0x3FC3] =	sst s2  }
0x7: {  	_ = 	snop  }
0x8: {  	s2 =	sld [smem:$0x3FC9]  }
0x9: {  	s20 =	sld [smem:$0x3FD0];
	(tm) =	ssettm $0x1  }
0xa: {  	s4 =	sld [smem:$0x3FFB];
	_ =	sdelay $0x3  }
0xb: {  	_ =	strace s4  }
0xc: {  	s4 =	sld [smem:$0x3FFC];
	_ =	sdelay $0x3  }
0xd: {  	_ =	strace s4  }
0xe: {  	s4 =	sld [smem:$0x3FFD];
	_ =	sdelay $0x3  }
0xf: {  	_ =	strace s4  }
0x10: {  	_ =	strace $0x8FFFFFFF  }
0x11: {  	s21 =	sld [smem:$0x3FDB];
	_ =	sdelay $0x1  }
0x12: {  	s5 =	simm.s32 $_scs_section_size  }
0x13: {  	s6 =	simm.s32 $_size__tile_overlayer_lowered;
	s7 =	simm.s32 $_tile_overlayer_lowered  }
0x14: {  	s24 =	simm.s32 $0x1BFF;
	s23 =	sshll.u32 s7, $0x1;
	s4 =	sadd.s32 s5, s21  }
0x15: {  	s8 =	simm.s32 $0x0;
	s22 =	sshll.u32 s6, $0x1;
	s6 =	sadd.s32 s23, s4  }
0x16: {  	[timem:s8], [sflag:s24] =	dma.local [hbm:s6], s22  }
0x17: {  	_ =	swait.ge [sflag:s24], s22  }
0x18: {  	s5 =	ssub.s32 $0x0, s22;
	[sflag:s24] =	ssyncset.done $0x0  }
0x19: {  	[sflag:s24] =	ssyncadd.s32 s5;
	_ =	sdelay $0x1  }
0x1a: {  	s25 =	simm.s32 $0x1B8B  }
0x1b: {  	_ =	swait.ge [sflag:s25], $0x1  }
0x1c: {  	[sflag:s25] =	ssyncset.done $0x0  }
0x1d: {  	s26 =	simm.s32 $0x1B8E;
	[sflag:s25] =	ssyncadd.s32 $0xFFFFFFFF  }
0x1e: {  	s27 =	simm.s32 $execute0_lowered;
	[smem:$0x3FD2] =	sst s26  }
0x1f: {  	s5 =	sshll.u32 s27, $0x1;
	_ =	strace $0x80000046;
	[dreg:$0x1] =	wrdreg $0xFFFFFFFF  }
0x20: {  	s28 =	simm.s32 $_size_execute0_lowered;
	s4 =	sadd.s32 s4, s5;
	[dreg:$0x0] =	wrdreg $0x0  }
0x21: {  	s5 =	sshll.u32 s28, $0x1;
	[dreg:$0x2] =	wrdreg s4  }
0x22: {  	[dreg:$0x3] =	wrdreg s5  }
0x23: {  	[dreg:$0x4] =	wrdreg $0xC0  }
0x24: {  	_ =	task [dreg:s8], $0x5FFFF  }
0x25: {  	[dreg:$0x1] =	wrdreg $0xFFFFFFFF  }
0x26: {  	[dreg:$0x0] =	wrdreg $0x60  }
0x27: {  	[dreg:$0x2] =	wrdreg s2  }
0x28: {  	[dreg:$0x3] =	wrdreg s20  }
0x29: {  	[dreg:$0x4] =	wrdreg $0x9  }
0x2a: {  	_ =	task.clear_ibuf [dreg:s8], $0x5FFFF;
	_ =	strace $0x90000046  }
0x2b: {  	s29 =	simm.s32 $0x9;
	_ =	strace $0x80000048  }
0x2c: {  	_ =	swait.ge [sflag:s29], $0x1  }
0x2d: {  	[sflag:s29] =	ssyncadd.s32 $0xFFFFFFFF  }
0x2e: {  	_ =	strace $0x90000048  }
0x2f: {  	_ =	sfence  }
0x30: {  	s30 =	sld [smem:$0x0];
	_ =	sdelay $0x2  }
0x31: {  	s31 =	sshll.u32 s1, $0xD;
	s1 =	sshrl.u32 s1, $0x2  }
0x32: {  	s3 =	sand.u32 $0x4000, s31;
	s1 =	sadd.s32 s1, s30  }
0x33: {  	s0 =	sor.u32 s3, s0;
	s1 =	sshll.u32 s1, $0x11  }
0x34: {  	s0 =	sor.u32 s1, s0  }
0x35: {  	s0 =	sadd.s32 $0x8F2B, s0  }
0x36: {  	[sflag:s0] =	ssyncadd.remote.s32 $0x1  }
0x37: {  	_ =	sfence.sel $0xFFFF  }
0x38: {  	[dreg:$0x0] =	wrdreg $0xFFFFFFFF;
	(pc) =	sbr.abs _section_cstart, $3  }
0x39: {  	[dreg:$0x1] =	wrdreg $0xFFFFFFFF  }
0x3a: {  	_ =	task.clear_ibuf [dreg:s8], $0x2FFFF;
	_ =	strace $0x9FFFFFFF  }
0x3b: {  	(tm) =	ssettm $0x7FFFFFFF  }
tec
execute0_lowered:
.L_overlay_start_1:
0x0: {  	(tag) =	ssettag $0x1  }
0x1: {  	s2 =	rddreg [dreg:$0x0]  }
0x2: {  	s3 =	rddreg [dreg:$0x1]  }
0x3: {  	s0 =	rddreg [dreg:$0x2];
	_ =	strace $0x80000047  }
0x4: {  	s4 =	srdreg.scid;
	s1 =	stileid.u32;
	s6 =	simm.s32 $0x2  }
.Ltmp0:
0x5: {  	s11 =	simm.s32 $0x0;
	p0 =	por $0x0, $0x0;
	(pc) =	sbr.rel .LBB1_1-.Ltmp0, $4  }
0x6: {  	s7 =	simm.s32 $0x1000;
	s12 =	simm.s32 $0x0;
	s5 =	sshll.u32 s4, $0x4  }
0x7: {  	s9 =	simm.s32 $0x0;
	s4 =	simm.s32 $0x1;
	s5 =	sand.u32 $0x10, s5  }
0x8: {  	s8 =	simm.s32 $0x0;
	[sflag:s4] =	ssyncpa.u1 $0x0;
	s5 =	sor.u32 s1, s5  }
0x9: {  	[sflag:s6] =	ssyncpa.u1 $0x0;
	s6 =	simm.s32 $0x800;
	s10 =	smov.u32 s5  }
.LBB1_7:
0xa: {  	s13 =	sadd.s32 $0x10, s9  }
0xb: {  	s11 =	sadd.s32 $0x20, s10;
	s15 =	smov.u32 s10;
	p2 =	sgt.s32 s13, $0x1F  }
0xc: {  	p1 =	slt.u32 s8, $0x2;
	s15 =	smov.u32 @p2 s11  }
0xd: {  	s8 =	sadd.s32 $0x1, s8;
	s13 =	simm.s32 @p2 $0x0;
	p2 =	sgt.s32 s15, $0x63F  }
0xe: {  	s15 =	smov.u32 @p2 s5;
	p2 =	sne.s32 s8, $0x66  }
.Ltmp1:
0xf: {  	_ = 	snop;
	(pc) =	sbr.rel @!p2 .LBB1_8-.Ltmp1, $4  }
0x10: {  	s14 =	simm.s32 @!p1 $0x2  }
0x11: {  	s12 =	smov.u32 s10;
	_ =	swait.ge @!p1 [sflag:s14], $0x4000  }
0x12: {  	p0 =	por !p0, !p0;
	s11 =	smov.u32 s9;
	[sflag:s14] =	ssyncset.done @!p1 $0x0  }
0x13: {  	s9 =	smov.u32 s13;
	[sflag:s14] =	ssyncadd.s32 @!p1 $0xFFFFC000;
	s10 =	smov.u32 s15  }
.LBB1_1:
0x14: {  	p1 =	sgt.u32 s8, $0x63  }
0x15: {  	s13 =	sxor.u32 @!p1 $0xFFFFFFFF, s8;
	s14 =	sshll.u32 @!p1 s10, $0xC  }
0x16: {  	s15 =	sshll.u32 @!p1 s9, $0x7;
	s13 =	sshll.u32 @!p1 s13, $0xE;
	s14 =	sadd.s32 @!p1 s2, s14  }
0x17: {  	s13 =	sand.u32 @!p1 $0x4000, s13;
	s14 =	sadd.s32 @!p1 s15, s14;
	s15 =	simm.s32 @!p1 $0x0  }
0x18: {  	[tilespmem:s13], [sflag:$0x1] =	stream.linear.gather @!p1 [hbm4b:s14+s15], $0x4000, $0x38;
	[tilespmem:$0x10000] =	vst v63  }
0x19: {  	p1 =	seq.s32 s8, $0x0  }
0x1a: {  	p2 =	seq.s32 @!p1 s8, $0x65  }
0x1b: {  	p1 =	por p1, p2  }
.Ltmp2:
0x1c: {  	_ = 	snop;
	(pc) =	sbr.rel @p1 .LBB1_7-.Ltmp2, $1  }
0x1d: {  	_ =	sdelay $0x3  }
0x1e: {  	s13 =	simm.s32 $0x1;
	_ =	swait.ge [sflag:s4], $0x4000;
	s16 =	sshll.u32 s8, $0xE  }
0x1f: {  	s13 =	simm.s32 @!p0 $0x0;
	[sflag:s4] =	ssyncset.done $0x0;
	s31 =	sand.u32 $0x4000, s16  }
0x20: {  	s16 =	simm.s32 $0x0;
	s14 =	sshll.u32 s13, $0xE;
	[sflag:s4] =	ssyncadd.s32 $0xFFFFC000  }
0x21: {  	s13 =	sor.u32 $0x8040, s14;
	s15 =	sor.u32 $0x40, s14;
	s14 =	sor.u32 $0x8000, s31  }
.LBB1_3:
0x22: {  	v0 =	vmov s15;
	_ =	sdelay $0x3  }
0x23: {  	s18 =	simm.s32 $0x0  }
0x24: {  	v6 =	vld.idx.msk [tilespmem:v0+s18+$0x30 ss:$0x1], $0xffff  }
0x25: {  	v7 =	vld.idx.msk [tilespmem:v0+s18+$0xFFFFFFC0 ss:$0x1], $0xffff  }
0x26: {  	v5 =	vld.idx.msk [tilespmem:v0+s18+$0xFFFFFFD0 ss:$0x1], $0xffff  }
0x27: {  	v4 =	vld.idx.msk [tilespmem:v0+s18+$0xFFFFFFE0 ss:$0x1], $0xffff  }
0x28: {  	v3 =	vld.idx.msk [tilespmem:v0+s18+$0xFFFFFFF0 ss:$0x1], $0xffff  }
0x29: {  	v1 =	vld.idx.msk [tilespmem:v0+s18+$0x0 ss:$0x1], $0xffff  }
0x2a: {  	v2 =	vld.idx.msk [tilespmem:v0+s18+$0x10 ss:$0x1], $0xffff;
	[tilespmem:s13+$0x30] =	vst v6  }
0x2b: {  	s17 =	simm.s32 $0x80;
	s19 =	simm.s32 $0x400;
	[tilespmem:s13+$0xFFFFFFC0] =	vst v7;
	v6 =	vld.idx.msk [tilespmem:v0+s18+$0x20 ss:$0x1], $0xffff;
	s18 =	smov.u32 s13  }
.LBB1_4:
0x2c: {  	p1 =	sne.s32 s19, $0xE00;
	v7 =	vld.idx.msk [tilespmem:v0+s17+$0x30 ss:$0x1], $0xffff;
	[tilespmem:s18+$0xFFFFFFD0] =	vst v5  }
0x2d: {  	v8 =	vld.idx.msk [tilespmem:v0+s17+$0xFFFFFFC0 ss:$0x1], $0xffff;
	[tilespmem:s18+$0xFFFFFFE0] =	vst v4  }
0x2e: {  	v5 =	vld.idx.msk [tilespmem:v0+s17+$0xFFFFFFD0 ss:$0x1], $0xffff;
	[tilespmem:s18+$0xFFFFFFF0] =	vst v3  }
.Ltmp3:
0x2f: {  	v4 =	vld.idx.msk [tilespmem:v0+s17+$0xFFFFFFE0 ss:$0x1], $0xffff;
	[tilespmem:s18+$0x0] =	vst v1;
	(pc) =	sbr.rel @p1 .LBB1_4-.Ltmp3, $4  }
0x30: {  	v3 =	vld.idx.msk [tilespmem:v0+s17+$0xFFFFFFF0 ss:$0x1], $0xffff;
	[tilespmem:s18+$0x10] =	vst v2  }
0x31: {  	v1 =	vld.idx.msk [tilespmem:v0+s17+$0x0 ss:$0x1], $0xffff;
	[tilespmem:s18+$0x20] =	vst v6;
	s18 =	sadd.s32 $0x800, s18  }
0x32: {  	v2 =	vld.idx.msk [tilespmem:v0+s17+$0x10 ss:$0x1], $0xffff;
	[tilespmem:s18+$0x30] =	vst v7  }
0x33: {  	[tilespmem:s18+$0xFFFFFFC0] =	vst v8;
	v6 =	vld.idx.msk [tilespmem:v0+s17+$0x20 ss:$0x1], $0xffff;
	s17 =	sshra.s32 s19, $0x2;
	s19 =	sadd.s32 $0x200, s19  }
0x34: {  	_ =	sdelay $0x2  }
0x35: {  	[tilespmem:s18+$0xFFFFFFD0] =	vst v5  }
0x36: {  	v56 =	vld.idx.msk [tilespmem:v0+s17+$0x30 ss:$0x1], $0xffff;
	[tilespmem:s18+$0xFFFFFFE0] =	vst v4  }
0x37: {  	v57 =	vld.idx.msk [tilespmem:v0+s17+$0xFFFFFFC0 ss:$0x1], $0xffff;
	[tilespmem:s18+$0xFFFFFFF0] =	vst v3  }
0x38: {  	v58 =	vld.idx.msk [tilespmem:v0+s17+$0xFFFFFFD0 ss:$0x1], $0xffff;
	[tilespmem:s18+$0x0] =	vst v1  }
0x39: {  	v59 =	vld.idx.msk [tilespmem:v0+s17+$0xFFFFFFE0 ss:$0x1], $0xffff;
	[tilespmem:s18+$0x10] =	vst v2  }
0x3a: {  	v60 =	vld.idx.msk [tilespmem:v0+s17+$0xFFFFFFF0 ss:$0x1], $0xffff;
	s31 =	sadd.s32 $0x800, s18;
	[tilespmem:s18+$0x20] =	vst v6  }
0x3b: {  	v61 =	vld.idx.msk [tilespmem:v0+s17+$0x0 ss:$0x1], $0xffff;
	[tilespmem:s31+$0x30] =	vst v56  }
0x3c: {  	v62 =	vld.idx.msk [tilespmem:v0+s17+$0x10 ss:$0x1], $0xffff;
	s16 =	sadd.s32 $0x1, s16;
	[tilespmem:s31+$0xFFFFFFC0] =	vst v57  }
0x3d: {  	v63 =	vld.idx.msk [tilespmem:v0+s17+$0x20 ss:$0x1], $0xffff;
	p1 =	sne.s32 s16, $0x10;
	[tilespmem:s31+$0xFFFFFFD0] =	vst v58  }
.Ltmp4:
0x3e: {  	[tilespmem:s31+$0xFFFFFFE0] =	vst v59;
	(pc) =	sbr.rel @p1 .LBB1_3-.Ltmp4, $4  }
0x3f: {  	[tilespmem:s31+$0xFFFFFFF0] =	vst v60  }
0x40: {  	[tilespmem:s31+$0x0] =	vst v61  }
0x41: {  	[tilespmem:s31+$0x10] =	vst v62  }
0x42: {  	s13 =	sadd.s32 $0x80, s13;
	s15 =	sadd.s32 $0x400, s15;
	[tilespmem:s31+$0x20] =	vst v63  }
.Ltmp5:
0x43: {  	(pc) =	sbr.rel .LBB1_7-.Ltmp5, $4  }
0x44: {  	s12 =	sshll.u32 s12, $0xC;
	s11 =	sshll.u32 s11, $0x4  }
0x45: {  	s11 =	sand.u32 $0x1F0, s11;
	s12 =	sadd.s32 s3, s12  }
0x46: {  	s11 =	sadd.s32 s11, s12  }
0x47: {  	[hbm4b:s11+s6] =	stream.strided.scatter [tilespmem:s14], [sflag:$0x2], $0x4000, s7, s6, $0x38;
	[tilespmem:$0x10000] =	vst v63  }
.LBB1_8:
0x48: {  	_ =	sfence.sel $0x180000  }
0x49: {  	s2 =	simm.s32 $0x1;
	[bflag:$0x0] =	sbarrier.arrive $0xFFFF  }
0x4a: {  	s31 =	simm.s32 $0x2;
	[sflag:s2] =	ssyncpa.u1 $0x1  }
0x4b: {  	[sflag:s31] =	ssyncpa.u1 $0x1  }
0x4c: {  	p0 =	sne.s32 s1, $0x0;
	_ =	strace $0x90000047  }
0x4d: {  	s0 =	sadd.s32 @!p0 $0x100000, s0;
	[bflag:$0x2] =	sbarrier.arrive $0xFFFF  }
0x4e: {  	[sflag:s0] =	ssyncadd.tile.s32 @!p0 $0x1;
	_ =	shalt  }
.Lfunc_end1:
_tile_overlayer_lowered:
.L_overlay_start_2:
0x4f: {  	(tag) =	ssettag $0x2  }
0x50: {  	s0 =	rddreg [dreg:$0x0];
	s2 =	stileid.u32  }
0x51: {  	s1 =	rddreg [dreg:$0x1];
	p0 =	sne.s32 s2, $0x0  }
0x52: {  	s3 =	rddreg [dreg:$0x2];
	[bflag:$0x3] =	sbarrier.arrive $0xFFFF;
	s2 =	simm.s32 @!p0 $0x1C01  }
0x53: {  	[timem:s3], [sflag:s2] =	dma.local @!p0 [hbm:s0], s1  }
0x54: {  	s0 =	simm.s32 @!p0 $0x1  }
0x55: {  	_ =	swait.ge @!p0 [sflag:s0], s1  }
0x56: {  	s1 =	ssub.s32 @!p0 $0x0, s1;
	[sflag:s0] =	ssyncset.done @!p0 $0x0  }
0x57: {  	[sflag:s0] =	ssyncadd.s32 @!p0 s1  }
0x58: {  	[bflag:$0x3] =	sbarrier.arrive $0xFFFF  }
0x59: {  	_ =	shalt  }

</sc_bundles>
